<compile_context>
chip_gen: v7x
topology: tpu7x:2x2x1
jax: 0.10.2.dev20260603
libtpu: 0.0.44.dev20260713+nightly
codegen_flags: <defaults>
</compile_context>

<pallas_src>
import functools
import jax
import jax.numpy as jnp
from jax import lax
from jax.experimental import pallas as pl
from jax.experimental.pallas import tpu as pltpu
from jax.experimental.pallas import tpu_sc as plsc

NC, NS = 2, 16
NW = NC * NS
D = 64
CHUNK = 128
NBUF = 8
LAG = 4
@functools.partial(jax.jit, static_argnames=("s_lo", "s_len"))
def _gather_rows(idx_t, table, s_lo, s_len):
    S, B = idx_t.shape
    b_per_w = B // NW
    groups = b_per_w // CHUNK
    n_chunks = s_len * groups

    mesh = plsc.VectorSubcoreMesh(
        core_axis_name="c", subcore_axis_name="s",
        num_cores=NC, num_subcores=NS)

    @functools.partial(
        pl.kernel,
        out_type=jax.ShapeDtypeStruct((s_len, B, D), jnp.float32),
        mesh=mesh,
        scratch_types=[
            pltpu.VMEM((s_len, b_per_w), jnp.int32),
            pltpu.VMEM((NBUF, CHUNK, D), jnp.float32),
        ] + [pltpu.SemaphoreType.DMA] * (2 * NBUF),
        compiler_params=pltpu.CompilerParams(use_tc_tiling_on_sc=False),
    )
    def k(idx_hbm, table_hbm, out_hbm, idx_v, rows_v, *sems):
        gsems = sems[:NBUF]
        ssems = sems[NBUF:]
        wid = lax.axis_index("s") * NC + lax.axis_index("c")
        b_base = wid * b_per_w
        pltpu.sync_copy(
            idx_hbm.at[pl.ds(s_lo, s_len), pl.ds(b_base, b_per_w)], idx_v)

        def chunk_pos(q):
            return q // groups, (q % groups) * CHUNK

        def start_gather(q, b):
            s, boff = chunk_pos(q)
            pltpu.async_copy(
                table_hbm.at[idx_v.at[s, pl.ds(boff, CHUNK)]],
                rows_v.at[b], gsems[b])

        def wait_gather(q, b):
            s, boff = chunk_pos(q)
            pltpu.make_async_copy(
                table_hbm.at[idx_v.at[s, pl.ds(boff, CHUNK)]],
                rows_v.at[b], gsems[b]).wait()

        def out_slice(q):
            s, boff = chunk_pos(q)
            return out_hbm.at[s, pl.ds(b_base + boff, CHUNK)]

        def start_store(q, b):
            pltpu.async_copy(rows_v.at[b], out_slice(q), ssems[b])

        def wait_store(q, b):
            pltpu.make_async_copy(rows_v.at[b], out_slice(q), ssems[b]).wait()

        for b in range(LAG):
            start_gather(b, b)
        for q in range(LAG):
            start_gather(q + LAG, q + LAG)
            wait_gather(q, q)
            start_store(q, q)

        main = ((n_chunks - 2 * LAG) // NBUF) * NBUF

        @pl.loop(LAG, LAG + main, step=NBUF)
        def body(g):
            for i in range(NBUF):
                q = g + i
                mq = (LAG + i) % NBUF
                mg = (2 * LAG + i) % NBUF
                wait_store(q - (NBUF - LAG), mg)
                start_gather(q + LAG, mg)
                wait_gather(q, mq)
                start_store(q, mq)

        for q in range(LAG + main, n_chunks - LAG):
            mq = q % NBUF
            mg = (q + LAG) % NBUF
            wait_store(q - (NBUF - LAG), mg)
            start_gather(q + LAG, mg)
            wait_gather(q, mq)
            start_store(q, mq)

        for j in range(n_chunks - LAG, n_chunks):
            b = j % NBUF
            wait_gather(j, b)
            start_store(j, b)
        for j in range(n_chunks - NBUF, n_chunks):
            wait_store(j, j % NBUF)

    return k(idx_t, table)


NSPLIT = 1


@jax.jit
def _embed(token_ids, embeddings):
    idx_t = token_ids.astype(jnp.int32).T
    S = idx_t.shape[0]
    bounds = [S * i // NSPLIT for i in range(NSPLIT + 1)]
    parts = [
        _gather_rows(idx_t, embeddings, s_lo=lo, s_len=hi - lo)
        for lo, hi in zip(bounds[:-1], bounds[1:])
    ]
    out = jnp.concatenate(parts, axis=0) if len(parts) > 1 else parts[0]
    return out.transpose(1, 0, 2)


def kernel(token_ids, embeddings):
    return _embed(token_ids, embeddings)

# --- scband reference (transcript-rebuilt; emitter-appended) ---
"""Pipeline reference for scband-embedding-61899068670301 (READ-ONLY COPY).

The authoritative reference and input builder live on the scoring server;
editing this copy changes nothing except your own understanding.
"""

import jax, jax.numpy as jnp
import numpy as np

NUM_EMBEDDINGS = 1000000
EMBEDDING_DIM = 64

def setup_inputs(seed: int = 0) -> dict:
    key = jax.random.key(seed)
    k1, k2 = jax.random.split(key)
    token_ids = jax.random.randint(k1, (16384, 50), 0, NUM_EMBEDDINGS, dtype=jnp.int64 if jax.config.jax_enable_x64 else jnp.int32)
    # trunc_normal_(mean=0, std=1, a=-3, b=3) approximated with truncated normal
    embeddings = jax.random.truncated_normal(k2, -3.0, 3.0, (NUM_EMBEDDINGS, EMBEDDING_DIM), dtype=jnp.float32)
    return {"token_ids": token_ids, "embeddings": embeddings}

def reference(token_ids, embeddings):
    # Faithful translation of: self.embeddings[token_ids]
    return jnp.take(embeddings, token_ids, axis=0)

if __name__ == "__main__":
    import jax
    _d = setup_inputs()
    print(jax.jit(kernel)(*tuple(_d.values())))

</pallas_src>

<mosaic_0001>
#map = affine_map<(d0, d1) -> (0, 0)>
#map1 = affine_map<(d0, d1) -> (0, 0, 0)>
module attributes {stable_mosaic.version = 14 : i64} {
  func.func @k(%arg0: i32, %arg1: i32, %arg2: memref<50x16384xi32, #tpu.memory_space<hbm>>, %arg3: memref<1000000x64xf32, #tpu.memory_space<hbm>>, %arg4: memref<50x16384x64xf32, #tpu.memory_space<hbm>>, %arg5: memref<50x512xi32, #tpu.memory_space<vmem>>, %arg6: memref<8x128x64xf32, #tpu.memory_space<vmem>>, %arg7: memref<!tpu.dma_semaphore, #tpu.memory_space<semaphore_mem>>, %arg8: memref<!tpu.dma_semaphore, #tpu.memory_space<semaphore_mem>>, %arg9: memref<!tpu.dma_semaphore, #tpu.memory_space<semaphore_mem>>, %arg10: memref<!tpu.dma_semaphore, #tpu.memory_space<semaphore_mem>>, %arg11: memref<!tpu.dma_semaphore, #tpu.memory_space<semaphore_mem>>, %arg12: memref<!tpu.dma_semaphore, #tpu.memory_space<semaphore_mem>>, %arg13: memref<!tpu.dma_semaphore, #tpu.memory_space<semaphore_mem>>, %arg14: memref<!tpu.dma_semaphore, #tpu.memory_space<semaphore_mem>>, %arg15: memref<!tpu.dma_semaphore, #tpu.memory_space<semaphore_mem>>, %arg16: memref<!tpu.dma_semaphore, #tpu.memory_space<semaphore_mem>>, %arg17: memref<!tpu.dma_semaphore, #tpu.memory_space<semaphore_mem>>, %arg18: memref<!tpu.dma_semaphore, #tpu.memory_space<semaphore_mem>>, %arg19: memref<!tpu.dma_semaphore, #tpu.memory_space<semaphore_mem>>, %arg20: memref<!tpu.dma_semaphore, #tpu.memory_space<semaphore_mem>>, %arg21: memref<!tpu.dma_semaphore, #tpu.memory_space<semaphore_mem>>, %arg22: memref<!tpu.dma_semaphore, #tpu.memory_space<semaphore_mem>>) attributes {dimension_semantics = [#tpu.dimension_semantics<core_parallel>, #tpu.dimension_semantics<subcore_parallel>], iteration_bounds = array<i64: 2, 16>, scalar_prefetch = 0 : i64, scratch_operands = 18 : i64, tpu.core_type = #tpu.core_type<sc_vector_subcore>, window_params = [{transform_indices = #map}, {transform_indices = #map}, {transform_indices = #map1}]} {
    %mul3A = arith.constant 2 : i32
    %mul3A_0 = arith.muli %arg1, %mul3A : i32
    %add3A = arith.addi %mul3A_0, %arg0 : i32
    %mul3A_1 = arith.constant 512 : i32
    %mul3A_2 = arith.muli %add3A, %mul3A_1 : i32
    "tpu.region"() ({
      %run_scoped3A = tpu.sem_alloc : memref<!tpu.dma_semaphore, #tpu.memory_space<semaphore_mem>>
      %dma_start3A_485 = arith.constant 0 : i32
      %dma_start3A_486 = tpu.memref_slice %arg2[%dma_start3A_485, %mul3A_2] : memref<50x16384xi32, #tpu.memory_space<hbm>> -> memref<50x512xi32, #tpu.memory_space<hbm>>
      %dma_start3A_487 = arith.constant 0 : i32
      %dma_start3A_488 = tpu.memref_slice %arg2[%dma_start3A_487, %mul3A_2] : memref<50x16384xi32, #tpu.memory_space<hbm>> -> memref<50x512xi32, #tpu.memory_space<hbm>>
      tpu.enqueue_dma source(%dma_start3A_488 : memref<50x512xi32, #tpu.memory_space<hbm>>) target(%arg5 : memref<50x512xi32, #tpu.memory_space<vmem>>) target_semaphore(%run_scoped3A : memref<!tpu.dma_semaphore, #tpu.memory_space<semaphore_mem>>)
      %dma_wait3A_489 = arith.constant 0 : i32
      %dma_wait3A_490 = tpu.memref_slice %arg2[%dma_wait3A_489, %mul3A_2] : memref<50x16384xi32, #tpu.memory_space<hbm>> -> memref<50x512xi32, #tpu.memory_space<hbm>>
      %dma_wait3A_491 = arith.constant 0 : i32
      %dma_wait3A_492 = tpu.memref_slice %arg2[%dma_wait3A_491, %mul3A_2] : memref<50x16384xi32, #tpu.memory_space<hbm>> -> memref<50x512xi32, #tpu.memory_space<hbm>>
      tpu.wait_dma2 semaphore(%run_scoped3A : memref<!tpu.dma_semaphore, #tpu.memory_space<semaphore_mem>>) src(%dma_wait3A_492 : memref<50x512xi32, #tpu.memory_space<hbm>>) dst(%arg5 : memref<50x512xi32, #tpu.memory_space<vmem>>)
      tpu.yield
    }) : () -> ()
    %dma_start3A = arith.constant 0 : i32
    %dma_start3A_3 = arith.constant 0 : i32
    %dma_start3A_4 = arith.constant 0 : i32
    %dma_start3A_5 = arith.constant 0 : i32
    %dma_start3A_6 = tpu.memref_slice %arg6[%dma_start3A_3, %dma_start3A_4, %dma_start3A_5] : memref<8x128x64xf32, #tpu.memory_space<vmem>> -> memref<1x128x64xf32, #tpu.memory_space<vmem>>
    %dma_start3A_7 = tpu.memref_squeeze %dma_start3A_6 : memref<1x128x64xf32, #tpu.memory_space<vmem>> -> memref<128x64xf32, #tpu.memory_space<vmem>>
    %dma_start3A_8 = arith.constant 0 : i32
    %dma_start3A_9 = tpu.memref_slice %arg5[%dma_start3A, %dma_start3A_8] : memref<50x512xi32, #tpu.memory_space<vmem>> -> memref<1x128xi32, #tpu.memory_space<vmem>>
    %dma_start3A_10 = tpu.memref_squeeze %dma_start3A_9 : memref<1x128xi32, #tpu.memory_space<vmem>> -> memref<128xi32, #tpu.memory_space<vmem>>
    %dma_start3A_11 = arith.constant 0 : i32
    %dma_start3A_12 = arith.constant 0 : i32
    %dma_start3A_13 = tpu.memref_slice %arg3[%dma_start3A_11, %dma_start3A_12] : memref<1000000x64xf32, #tpu.memory_space<hbm>> -> memref<1000000x64xf32, #tpu.memory_space<hbm>>
    tpu.enqueue_indirect_dma source(%dma_start3A_13 : memref<1000000x64xf32, #tpu.memory_space<hbm>>) target(%dma_start3A_7 : memref<128x64xf32, #tpu.memory_space<vmem>>) offsets(%dma_start3A_10 : memref<128xi32, #tpu.memory_space<vmem>>) semaphore(%arg7 : memref<!tpu.dma_semaphore, #tpu.memory_space<semaphore_mem>>)
    %dma_start3A_14 = arith.constant 0 : i32
    %dma_start3A_15 = arith.constant 1 : i32
    %dma_start3A_16 = arith.constant 0 : i32
    %dma_start3A_17 = arith.constant 0 : i32
    %dma_start3A_18 = tpu.memref_slice %arg6[%dma_start3A_15, %dma_start3A_16, %dma_start3A_17] : memref<8x128x64xf32, #tpu.memory_space<vmem>> -> memref<1x128x64xf32, #tpu.memory_space<vmem>>
    %dma_start3A_19 = tpu.memref_squeeze %dma_start3A_18 : memref<1x128x64xf32, #tpu.memory_space<vmem>> -> memref<128x64xf32, #tpu.memory_space<vmem>>
    %dma_start3A_20 = arith.constant 128 : i32
    %dma_start3A_21 = tpu.memref_slice %arg5[%dma_start3A_14, %dma_start3A_20] : memref<50x512xi32, #tpu.memory_space<vmem>> -> memref<1x128xi32, #tpu.memory_space<vmem>>
    %dma_start3A_22 = tpu.memref_squeeze %dma_start3A_21 : memref<1x128xi32, #tpu.memory_space<vmem>> -> memref<128xi32, #tpu.memory_space<vmem>>
    %dma_start3A_23 = arith.constant 0 : i32
    %dma_start3A_24 = arith.constant 0 : i32
    %dma_start3A_25 = tpu.memref_slice %arg3[%dma_start3A_23, %dma_start3A_24] : memref<1000000x64xf32, #tpu.memory_space<hbm>> -> memref<1000000x64xf32, #tpu.memory_space<hbm>>
    tpu.enqueue_indirect_dma source(%dma_start3A_25 : memref<1000000x64xf32, #tpu.memory_space<hbm>>) target(%dma_start3A_19 : memref<128x64xf32, #tpu.memory_space<vmem>>) offsets(%dma_start3A_22 : memref<128xi32, #tpu.memory_space<vmem>>) semaphore(%arg8 : memref<!tpu.dma_semaphore, #tpu.memory_space<semaphore_mem>>)
    %dma_start3A_26 = arith.constant 0 : i32
    %dma_start3A_27 = arith.constant 2 : i32
    %dma_start3A_28 = arith.constant 0 : i32
    %dma_start3A_29 = arith.constant 0 : i32
    %dma_start3A_30 = tpu.memref_slice %arg6[%dma_start3A_27, %dma_start3A_28, %dma_start3A_29] : memref<8x128x64xf32, #tpu.memory_space<vmem>> -> memref<1x128x64xf32, #tpu.memory_space<vmem>>
    %dma_start3A_31 = tpu.memref_squeeze %dma_start3A_30 : memref<1x128x64xf32, #tpu.memory_space<vmem>> -> memref<128x64xf32, #tpu.memory_space<vmem>>
    %dma_start3A_32 = arith.constant 256 : i32
    %dma_start3A_33 = tpu.memref_slice %arg5[%dma_start3A_26, %dma_start3A_32] : memref<50x512xi32, #tpu.memory_space<vmem>> -> memref<1x128xi32, #tpu.memory_space<vmem>>
    %dma_start3A_34 = tpu.memref_squeeze %dma_start3A_33 : memref<1x128xi32, #tpu.memory_space<vmem>> -> memref<128xi32, #tpu.memory_space<vmem>>
    %dma_start3A_35 = arith.constant 0 : i32
    %dma_start3A_36 = arith.constant 0 : i32
    %dma_start3A_37 = tpu.memref_slice %arg3[%dma_start3A_35, %dma_start3A_36] : memref<1000000x64xf32, #tpu.memory_space<hbm>> -> memref<1000000x64xf32, #tpu.memory_space<hbm>>
    tpu.enqueue_indirect_dma source(%dma_start3A_37 : memref<1000000x64xf32, #tpu.memory_space<hbm>>) target(%dma_start3A_31 : memref<128x64xf32, #tpu.memory_space<vmem>>) offsets(%dma_start3A_34 : memref<128xi32, #tpu.memory_space<vmem>>) semaphore(%arg9 : memref<!tpu.dma_semaphore, #tpu.memory_space<semaphore_mem>>)
    %dma_start3A_38 = arith.constant 0 : i32
    %dma_start3A_39 = arith.constant 3 : i32
    %dma_start3A_40 = arith.constant 0 : i32
    %dma_start3A_41 = arith.constant 0 : i32
    %dma_start3A_42 = tpu.memref_slice %arg6[%dma_start3A_39, %dma_start3A_40, %dma_start3A_41] : memref<8x128x64xf32, #tpu.memory_space<vmem>> -> memref<1x128x64xf32, #tpu.memory_space<vmem>>
    %dma_start3A_43 = tpu.memref_squeeze %dma_start3A_42 : memref<1x128x64xf32, #tpu.memory_space<vmem>> -> memref<128x64xf32, #tpu.memory_space<vmem>>
    %dma_start3A_44 = arith.constant 384 : i32
    %dma_start3A_45 = tpu.memref_slice %arg5[%dma_start3A_38, %dma_start3A_44] : memref<50x512xi32, #tpu.memory_space<vmem>> -> memref<1x128xi32, #tpu.memory_space<vmem>>
    %dma_start3A_46 = tpu.memref_squeeze %dma_start3A_45 : memref<1x128xi32, #tpu.memory_space<vmem>> -> memref<128xi32, #tpu.memory_space<vmem>>
    %dma_start3A_47 = arith.constant 0 : i32
    %dma_start3A_48 = arith.constant 0 : i32
    %dma_start3A_49 = tpu.memref_slice %arg3[%dma_start3A_47, %dma_start3A_48] : memref<1000000x64xf32, #tpu.memory_space<hbm>> -> memref<1000000x64xf32, #tpu.memory_space<hbm>>
    tpu.enqueue_indirect_dma source(%dma_start3A_49 : memref<1000000x64xf32, #tpu.memory_space<hbm>>) target(%dma_start3A_43 : memref<128x64xf32, #tpu.memory_space<vmem>>) offsets(%dma_start3A_46 : memref<128xi32, #tpu.memory_space<vmem>>) semaphore(%arg10 : memref<!tpu.dma_semaphore, #tpu.memory_space<semaphore_mem>>)
    %dma_start3A_50 = arith.constant 1 : i32
    %dma_start3A_51 = arith.constant 4 : i32
    %dma_start3A_52 = arith.constant 0 : i32
    %dma_start3A_53 = arith.constant 0 : i32
    %dma_start3A_54 = tpu.memref_slice %arg6[%dma_start3A_51, %dma_start3A_52, %dma_start3A_53] : memref<8x128x64xf32, #tpu.memory_space<vmem>> -> memref<1x128x64xf32, #tpu.memory_space<vmem>>
    %dma_start3A_55 = tpu.memref_squeeze %dma_start3A_54 : memref<1x128x64xf32, #tpu.memory_space<vmem>> -> memref<128x64xf32, #tpu.memory_space<vmem>>
    %dma_start3A_56 = arith.constant 0 : i32
    %dma_start3A_57 = tpu.memref_slice %arg5[%dma_start3A_50, %dma_start3A_56] : memref<50x512xi32, #tpu.memory_space<vmem>> -> memref<1x128xi32, #tpu.memory_space<vmem>>
    %dma_start3A_58 = tpu.memref_squeeze %dma_start3A_57 : memref<1x128xi32, #tpu.memory_space<vmem>> -> memref<128xi32, #tpu.memory_space<vmem>>
    %dma_start3A_59 = arith.constant 0 : i32
    %dma_start3A_60 = arith.constant 0 : i32
    %dma_start3A_61 = tpu.memref_slice %arg3[%dma_start3A_59, %dma_start3A_60] : memref<1000000x64xf32, #tpu.memory_space<hbm>> -> memref<1000000x64xf32, #tpu.memory_space<hbm>>
    tpu.enqueue_indirect_dma source(%dma_start3A_61 : memref<1000000x64xf32, #tpu.memory_space<hbm>>) target(%dma_start3A_55 : memref<128x64xf32, #tpu.memory_space<vmem>>) offsets(%dma_start3A_58 : memref<128xi32, #tpu.memory_space<vmem>>) semaphore(%arg11 : memref<!tpu.dma_semaphore, #tpu.memory_space<semaphore_mem>>)
    %dma_wait3A = arith.constant 0 : i32
    %dma_wait3A_62 = arith.constant 0 : i32
    %dma_wait3A_63 = arith.constant 0 : i32
    %dma_wait3A_64 = arith.constant 0 : i32
    %dma_wait3A_65 = tpu.memref_slice %arg6[%dma_wait3A_62, %dma_wait3A_63, %dma_wait3A_64] : memref<8x128x64xf32, #tpu.memory_space<vmem>> -> memref<1x128x64xf32, #tpu.memory_space<vmem>>
    %dma_wait3A_66 = tpu.memref_squeeze %dma_wait3A_65 : memref<1x128x64xf32, #tpu.memory_space<vmem>> -> memref<128x64xf32, #tpu.memory_space<vmem>>
    %dma_wait3A_67 = arith.constant 0 : i32
    %dma_wait3A_68 = tpu.memref_slice %arg5[%dma_wait3A, %dma_wait3A_67] : memref<50x512xi32, #tpu.memory_space<vmem>> -> memref<1x128xi32, #tpu.memory_space<vmem>>
    %dma_wait3A_69 = tpu.memref_squeeze %dma_wait3A_68 : memref<1x128xi32, #tpu.memory_space<vmem>> -> memref<128xi32, #tpu.memory_space<vmem>>
    %dma_wait3A_70 = arith.constant 0 : i32
    %dma_wait3A_71 = arith.constant 0 : i32
    %dma_wait3A_72 = tpu.memref_slice %arg3[%dma_wait3A_70, %dma_wait3A_71] : memref<1000000x64xf32, #tpu.memory_space<hbm>> -> memref<1000000x64xf32, #tpu.memory_space<hbm>>
    tpu.wait_indirect_dma semaphore(%arg7 : memref<!tpu.dma_semaphore, #tpu.memory_space<semaphore_mem>>) src(%dma_wait3A_72 : memref<1000000x64xf32, #tpu.memory_space<hbm>>) dst(%dma_wait3A_66 : memref<128x64xf32, #tpu.memory_space<vmem>>)
    %add3A_73 = arith.constant 0 : i32
    %add3A_74 = arith.addi %mul3A_2, %add3A_73 : i32
    %dma_start3A_75 = arith.constant 0 : i32
    %dma_start3A_76 = arith.constant 0 : i32
    %dma_start3A_77 = arith.constant 0 : i32
    %dma_start3A_78 = arith.constant 0 : i32
    %dma_start3A_79 = tpu.memref_slice %arg6[%dma_start3A_75, %dma_start3A_77, %dma_start3A_78] : memref<8x128x64xf32, #tpu.memory_space<vmem>> -> memref<1x128x64xf32, #tpu.memory_space<vmem>>
    %dma_start3A_80 = tpu.memref_squeeze %dma_start3A_79 : memref<1x128x64xf32, #tpu.memory_space<vmem>> -> memref<128x64xf32, #tpu.memory_space<vmem>>
    %dma_start3A_81 = arith.constant 0 : i32
    %dma_start3A_82 = tpu.memref_slice %arg4[%dma_start3A_76, %add3A_74, %dma_start3A_81] : memref<50x16384x64xf32, #tpu.memory_space<hbm>> -> memref<1x128x64xf32, #tpu.memory_space<hbm>>
    %dma_start3A_83 = tpu.memref_squeeze %dma_start3A_82 : memref<1x128x64xf32, #tpu.memory_space<hbm>> -> memref<128x64xf32, #tpu.memory_space<hbm>>
    %dma_start3A_84 = arith.constant 0 : i32
    %dma_start3A_85 = tpu.memref_slice %arg4[%dma_start3A_76, %add3A_74, %dma_start3A_84] : memref<50x16384x64xf32, #tpu.memory_space<hbm>> -> memref<1x128x64xf32, #tpu.memory_space<hbm>>
    %dma_start3A_86 = tpu.memref_squeeze %dma_start3A_85 : memref<1x128x64xf32, #tpu.memory_space<hbm>> -> memref<128x64xf32, #tpu.memory_space<hbm>>
    %dma_start3A_87 = arith.constant 0 : i32
    %dma_start3A_88 = arith.constant 0 : i32
    %dma_start3A_89 = tpu.memref_slice %arg6[%dma_start3A_75, %dma_start3A_87, %dma_start3A_88] : memref<8x128x64xf32, #tpu.memory_space<vmem>> -> memref<1x128x64xf32, #tpu.memory_space<vmem>>
    %dma_start3A_90 = tpu.memref_squeeze %dma_start3A_89 : memref<1x128x64xf32, #tpu.memory_space<vmem>> -> memref<128x64xf32, #tpu.memory_space<vmem>>
    tpu.enqueue_dma source(%dma_start3A_90 : memref<128x64xf32, #tpu.memory_space<vmem>>) target(%dma_start3A_86 : memref<128x64xf32, #tpu.memory_space<hbm>>) target_semaphore(%arg15 : memref<!tpu.dma_semaphore, #tpu.memory_space<semaphore_mem>>)
    %dma_start3A_91 = arith.constant 1 : i32
    %dma_start3A_92 = arith.constant 5 : i32
    %dma_start3A_93 = arith.constant 0 : i32
    %dma_start3A_94 = arith.constant 0 : i32
    %dma_start3A_95 = tpu.memref_slice %arg6[%dma_start3A_92, %dma_start3A_93, %dma_start3A_94] : memref<8x128x64xf32, #tpu.memory_space<vmem>> -> memref<1x128x64xf32, #tpu.memory_space<vmem>>
    %dma_start3A_96 = tpu.memref_squeeze %dma_start3A_95 : memref<1x128x64xf32, #tpu.memory_space<vmem>> -> memref<128x64xf32, #tpu.memory_space<vmem>>
    %dma_start3A_97 = arith.constant 128 : i32
    %dma_start3A_98 = tpu.memref_slice %arg5[%dma_start3A_91, %dma_start3A_97] : memref<50x512xi32, #tpu.memory_space<vmem>> -> memref<1x128xi32, #tpu.memory_space<vmem>>
    %dma_start3A_99 = tpu.memref_squeeze %dma_start3A_98 : memref<1x128xi32, #tpu.memory_space<vmem>> -> memref<128xi32, #tpu.memory_space<vmem>>
    %dma_start3A_100 = arith.constant 0 : i32
    %dma_start3A_101 = arith.constant 0 : i32
    %dma_start3A_102 = tpu.memref_slice %arg3[%dma_start3A_100, %dma_start3A_101] : memref<1000000x64xf32, #tpu.memory_space<hbm>> -> memref<1000000x64xf32, #tpu.memory_space<hbm>>
    tpu.enqueue_indirect_dma source(%dma_start3A_102 : memref<1000000x64xf32, #tpu.memory_space<hbm>>) target(%dma_start3A_96 : memref<128x64xf32, #tpu.memory_space<vmem>>) offsets(%dma_start3A_99 : memref<128xi32, #tpu.memory_space<vmem>>) semaphore(%arg12 : memref<!tpu.dma_semaphore, #tpu.memory_space<semaphore_mem>>)
    %dma_wait3A_103 = arith.constant 0 : i32
    %dma_wait3A_104 = arith.constant 1 : i32
    %dma_wait3A_105 = arith.constant 0 : i32
    %dma_wait3A_106 = arith.constant 0 : i32
    %dma_wait3A_107 = tpu.memref_slice %arg6[%dma_wait3A_104, %dma_wait3A_105, %dma_wait3A_106] : memref<8x128x64xf32, #tpu.memory_space<vmem>> -> memref<1x128x64xf32, #tpu.memory_space<vmem>>
    %dma_wait3A_108 = tpu.memref_squeeze %dma_wait3A_107 : memref<1x128x64xf32, #tpu.memory_space<vmem>> -> memref<128x64xf32, #tpu.memory_space<vmem>>
    %dma_wait3A_109 = arith.constant 128 : i32
    %dma_wait3A_110 = tpu.memref_slice %arg5[%dma_wait3A_103, %dma_wait3A_109] : memref<50x512xi32, #tpu.memory_space<vmem>> -> memref<1x128xi32, #tpu.memory_space<vmem>>
    %dma_wait3A_111 = tpu.memref_squeeze %dma_wait3A_110 : memref<1x128xi32, #tpu.memory_space<vmem>> -> memref<128xi32, #tpu.memory_space<vmem>>
    %dma_wait3A_112 = arith.constant 0 : i32
    %dma_wait3A_113 = arith.constant 0 : i32
    %dma_wait3A_114 = tpu.memref_slice %arg3[%dma_wait3A_112, %dma_wait3A_113] : memref<1000000x64xf32, #tpu.memory_space<hbm>> -> memref<1000000x64xf32, #tpu.memory_space<hbm>>
    tpu.wait_indirect_dma semaphore(%arg8 : memref<!tpu.dma_semaphore, #tpu.memory_space<semaphore_mem>>) src(%dma_wait3A_114 : memref<1000000x64xf32, #tpu.memory_space<hbm>>) dst(%dma_wait3A_108 : memref<128x64xf32, #tpu.memory_space<vmem>>)
    %add3A_115 = arith.constant 128 : i32
    %add3A_116 = arith.addi %mul3A_2, %add3A_115 : i32
    %dma_start3A_117 = arith.constant 1 : i32
    %dma_start3A_118 = arith.constant 0 : i32
    %dma_start3A_119 = arith.constant 0 : i32
    %dma_start3A_120 = arith.constant 0 : i32
    %dma_start3A_121 = tpu.memref_slice %arg6[%dma_start3A_117, %dma_start3A_119, %dma_start3A_120] : memref<8x128x64xf32, #tpu.memory_space<vmem>> -> memref<1x128x64xf32, #tpu.memory_space<vmem>>
    %dma_start3A_122 = tpu.memref_squeeze %dma_start3A_121 : memref<1x128x64xf32, #tpu.memory_space<vmem>> -> memref<128x64xf32, #tpu.memory_space<vmem>>
    %dma_start3A_123 = arith.constant 0 : i32
    %dma_start3A_124 = tpu.memref_slice %arg4[%dma_start3A_118, %add3A_116, %dma_start3A_123] : memref<50x16384x64xf32, #tpu.memory_space<hbm>> -> memref<1x128x64xf32, #tpu.memory_space<hbm>>
    %dma_start3A_125 = tpu.memref_squeeze %dma_start3A_124 : memref<1x128x64xf32, #tpu.memory_space<hbm>> -> memref<128x64xf32, #tpu.memory_space<hbm>>
    %dma_start3A_126 = arith.constant 0 : i32
    %dma_start3A_127 = tpu.memref_slice %arg4[%dma_start3A_118, %add3A_116, %dma_start3A_126] : memref<50x16384x64xf32, #tpu.memory_space<hbm>> -> memref<1x128x64xf32, #tpu.memory_space<hbm>>
    %dma_start3A_128 = tpu.memref_squeeze %dma_start3A_127 : memref<1x128x64xf32, #tpu.memory_space<hbm>> -> memref<128x64xf32, #tpu.memory_space<hbm>>
    %dma_start3A_129 = arith.constant 0 : i32
    %dma_start3A_130 = arith.constant 0 : i32
    %dma_start3A_131 = tpu.memref_slice %arg6[%dma_start3A_117, %dma_start3A_129, %dma_start3A_130] : memref<8x128x64xf32, #tpu.memory_space<vmem>> -> memref<1x128x64xf32, #tpu.memory_space<vmem>>
    %dma_start3A_132 = tpu.memref_squeeze %dma_start3A_131 : memref<1x128x64xf32, #tpu.memory_space<vmem>> -> memref<128x64xf32, #tpu.memory_space<vmem>>
    tpu.enqueue_dma source(%dma_start3A_132 : memref<128x64xf32, #tpu.memory_space<vmem>>) target(%dma_start3A_128 : memref<128x64xf32, #tpu.memory_space<hbm>>) target_semaphore(%arg16 : memref<!tpu.dma_semaphore, #tpu.memory_space<semaphore_mem>>)
    %dma_start3A_133 = arith.constant 1 : i32
    %dma_start3A_134 = arith.constant 6 : i32
    %dma_start3A_135 = arith.constant 0 : i32
    %dma_start3A_136 = arith.constant 0 : i32
    %dma_start3A_137 = tpu.memref_slice %arg6[%dma_start3A_134, %dma_start3A_135, %dma_start3A_136] : memref<8x128x64xf32, #tpu.memory_space<vmem>> -> memref<1x128x64xf32, #tpu.memory_space<vmem>>
    %dma_start3A_138 = tpu.memref_squeeze %dma_start3A_137 : memref<1x128x64xf32, #tpu.memory_space<vmem>> -> memref<128x64xf32, #tpu.memory_space<vmem>>
    %dma_start3A_139 = arith.constant 256 : i32
    %dma_start3A_140 = tpu.memref_slice %arg5[%dma_start3A_133, %dma_start3A_139] : memref<50x512xi32, #tpu.memory_space<vmem>> -> memref<1x128xi32, #tpu.memory_space<vmem>>
    %dma_start3A_141 = tpu.memref_squeeze %dma_start3A_140 : memref<1x128xi32, #tpu.memory_space<vmem>> -> memref<128xi32, #tpu.memory_space<vmem>>
    %dma_start3A_142 = arith.constant 0 : i32
    %dma_start3A_143 = arith.constant 0 : i32
    %dma_start3A_144 = tpu.memref_slice %arg3[%dma_start3A_142, %dma_start3A_143] : memref<1000000x64xf32, #tpu.memory_space<hbm>> -> memref<1000000x64xf32, #tpu.memory_space<hbm>>
    tpu.enqueue_indirect_dma source(%dma_start3A_144 : memref<1000000x64xf32, #tpu.memory_space<hbm>>) target(%dma_start3A_138 : memref<128x64xf32, #tpu.memory_space<vmem>>) offsets(%dma_start3A_141 : memref<128xi32, #tpu.memory_space<vmem>>) semaphore(%arg13 : memref<!tpu.dma_semaphore, #tpu.memory_space<semaphore_mem>>)
    %dma_wait3A_145 = arith.constant 0 : i32
    %dma_wait3A_146 = arith.constant 2 : i32
    %dma_wait3A_147 = arith.constant 0 : i32
    %dma_wait3A_148 = arith.constant 0 : i32
    %dma_wait3A_149 = tpu.memref_slice %arg6[%dma_wait3A_146, %dma_wait3A_147, %dma_wait3A_148] : memref<8x128x64xf32, #tpu.memory_space<vmem>> -> memref<1x128x64xf32, #tpu.memory_space<vmem>>
    %dma_wait3A_150 = tpu.memref_squeeze %dma_wait3A_149 : memref<1x128x64xf32, #tpu.memory_space<vmem>> -> memref<128x64xf32, #tpu.memory_space<vmem>>
    %dma_wait3A_151 = arith.constant 256 : i32
    %dma_wait3A_152 = tpu.memref_slice %arg5[%dma_wait3A_145, %dma_wait3A_151] : memref<50x512xi32, #tpu.memory_space<vmem>> -> memref<1x128xi32, #tpu.memory_space<vmem>>
    %dma_wait3A_153 = tpu.memref_squeeze %dma_wait3A_152 : memref<1x128xi32, #tpu.memory_space<vmem>> -> memref<128xi32, #tpu.memory_space<vmem>>
    %dma_wait3A_154 = arith.constant 0 : i32
    %dma_wait3A_155 = arith.constant 0 : i32
    %dma_wait3A_156 = tpu.memref_slice %arg3[%dma_wait3A_154, %dma_wait3A_155] : memref<1000000x64xf32, #tpu.memory_space<hbm>> -> memref<1000000x64xf32, #tpu.memory_space<hbm>>
    tpu.wait_indirect_dma semaphore(%arg9 : memref<!tpu.dma_semaphore, #tpu.memory_space<semaphore_mem>>) src(%dma_wait3A_156 : memref<1000000x64xf32, #tpu.memory_space<hbm>>) dst(%dma_wait3A_150 : memref<128x64xf32, #tpu.memory_space<vmem>>)
    %add3A_157 = arith.constant 256 : i32
    %add3A_158 = arith.addi %mul3A_2, %add3A_157 : i32
    %dma_start3A_159 = arith.constant 2 : i32
    %dma_start3A_160 = arith.constant 0 : i32
    %dma_start3A_161 = arith.constant 0 : i32
    %dma_start3A_162 = arith.constant 0 : i32
    %dma_start3A_163 = tpu.memref_slice %arg6[%dma_start3A_159, %dma_start3A_161, %dma_start3A_162] : memref<8x128x64xf32, #tpu.memory_space<vmem>> -> memref<1x128x64xf32, #tpu.memory_space<vmem>>
    %dma_start3A_164 = tpu.memref_squeeze %dma_start3A_163 : memref<1x128x64xf32, #tpu.memory_space<vmem>> -> memref<128x64xf32, #tpu.memory_space<vmem>>
    %dma_start3A_165 = arith.constant 0 : i32
    %dma_start3A_166 = tpu.memref_slice %arg4[%dma_start3A_160, %add3A_158, %dma_start3A_165] : memref<50x16384x64xf32, #tpu.memory_space<hbm>> -> memref<1x128x64xf32, #tpu.memory_space<hbm>>
    %dma_start3A_167 = tpu.memref_squeeze %dma_start3A_166 : memref<1x128x64xf32, #tpu.memory_space<hbm>> -> memref<128x64xf32, #tpu.memory_space<hbm>>
    %dma_start3A_168 = arith.constant 0 : i32
    %dma_start3A_169 = tpu.memref_slice %arg4[%dma_start3A_160, %add3A_158, %dma_start3A_168] : memref<50x16384x64xf32, #tpu.memory_space<hbm>> -> memref<1x128x64xf32, #tpu.memory_space<hbm>>
    %dma_start3A_170 = tpu.memref_squeeze %dma_start3A_169 : memref<1x128x64xf32, #tpu.memory_space<hbm>> -> memref<128x64xf32, #tpu.memory_space<hbm>>
    %dma_start3A_171 = arith.constant 0 : i32
    %dma_start3A_172 = arith.constant 0 : i32
    %dma_start3A_173 = tpu.memref_slice %arg6[%dma_start3A_159, %dma_start3A_171, %dma_start3A_172] : memref<8x128x64xf32, #tpu.memory_space<vmem>> -> memref<1x128x64xf32, #tpu.memory_space<vmem>>
    %dma_start3A_174 = tpu.memref_squeeze %dma_start3A_173 : memref<1x128x64xf32, #tpu.memory_space<vmem>> -> memref<128x64xf32, #tpu.memory_space<vmem>>
    tpu.enqueue_dma source(%dma_start3A_174 : memref<128x64xf32, #tpu.memory_space<vmem>>) target(%dma_start3A_170 : memref<128x64xf32, #tpu.memory_space<hbm>>) target_semaphore(%arg17 : memref<!tpu.dma_semaphore, #tpu.memory_space<semaphore_mem>>)
    %dma_start3A_175 = arith.constant 1 : i32
    %dma_start3A_176 = arith.constant 7 : i32
    %dma_start3A_177 = arith.constant 0 : i32
    %dma_start3A_178 = arith.constant 0 : i32
    %dma_start3A_179 = tpu.memref_slice %arg6[%dma_start3A_176, %dma_start3A_177, %dma_start3A_178] : memref<8x128x64xf32, #tpu.memory_space<vmem>> -> memref<1x128x64xf32, #tpu.memory_space<vmem>>
    %dma_start3A_180 = tpu.memref_squeeze %dma_start3A_179 : memref<1x128x64xf32, #tpu.memory_space<vmem>> -> memref<128x64xf32, #tpu.memory_space<vmem>>
    %dma_start3A_181 = arith.constant 384 : i32
    %dma_start3A_182 = tpu.memref_slice %arg5[%dma_start3A_175, %dma_start3A_181] : memref<50x512xi32, #tpu.memory_space<vmem>> -> memref<1x128xi32, #tpu.memory_space<vmem>>
    %dma_start3A_183 = tpu.memref_squeeze %dma_start3A_182 : memref<1x128xi32, #tpu.memory_space<vmem>> -> memref<128xi32, #tpu.memory_space<vmem>>
    %dma_start3A_184 = arith.constant 0 : i32
    %dma_start3A_185 = arith.constant 0 : i32
    %dma_start3A_186 = tpu.memref_slice %arg3[%dma_start3A_184, %dma_start3A_185] : memref<1000000x64xf32, #tpu.memory_space<hbm>> -> memref<1000000x64xf32, #tpu.memory_space<hbm>>
    tpu.enqueue_indirect_dma source(%dma_start3A_186 : memref<1000000x64xf32, #tpu.memory_space<hbm>>) target(%dma_start3A_180 : memref<128x64xf32, #tpu.memory_space<vmem>>) offsets(%dma_start3A_183 : memref<128xi32, #tpu.memory_space<vmem>>) semaphore(%arg14 : memref<!tpu.dma_semaphore, #tpu.memory_space<semaphore_mem>>)
    %dma_wait3A_187 = arith.constant 0 : i32
    %dma_wait3A_188 = arith.constant 3 : i32
    %dma_wait3A_189 = arith.constant 0 : i32
    %dma_wait3A_190 = arith.constant 0 : i32
    %dma_wait3A_191 = tpu.memref_slice %arg6[%dma_wait3A_188, %dma_wait3A_189, %dma_wait3A_190] : memref<8x128x64xf32, #tpu.memory_space<vmem>> -> memref<1x128x64xf32, #tpu.memory_space<vmem>>
    %dma_wait3A_192 = tpu.memref_squeeze %dma_wait3A_191 : memref<1x128x64xf32, #tpu.memory_space<vmem>> -> memref<128x64xf32, #tpu.memory_space<vmem>>
    %dma_wait3A_193 = arith.constant 384 : i32
    %dma_wait3A_194 = tpu.memref_slice %arg5[%dma_wait3A_187, %dma_wait3A_193] : memref<50x512xi32, #tpu.memory_space<vmem>> -> memref<1x128xi32, #tpu.memory_space<vmem>>
    %dma_wait3A_195 = tpu.memref_squeeze %dma_wait3A_194 : memref<1x128xi32, #tpu.memory_space<vmem>> -> memref<128xi32, #tpu.memory_space<vmem>>
    %dma_wait3A_196 = arith.constant 0 : i32
    %dma_wait3A_197 = arith.constant 0 : i32
    %dma_wait3A_198 = tpu.memref_slice %arg3[%dma_wait3A_196, %dma_wait3A_197] : memref<1000000x64xf32, #tpu.memory_space<hbm>> -> memref<1000000x64xf32, #tpu.memory_space<hbm>>
    tpu.wait_indirect_dma semaphore(%arg10 : memref<!tpu.dma_semaphore, #tpu.memory_space<semaphore_mem>>) src(%dma_wait3A_198 : memref<1000000x64xf32, #tpu.memory_space<hbm>>) dst(%dma_wait3A_192 : memref<128x64xf32, #tpu.memory_space<vmem>>)
    %add3A_199 = arith.constant 384 : i32
    %add3A_200 = arith.addi %mul3A_2, %add3A_199 : i32
    %dma_start3A_201 = arith.constant 3 : i32
    %dma_start3A_202 = arith.constant 0 : i32
    %dma_start3A_203 = arith.constant 0 : i32
    %dma_start3A_204 = arith.constant 0 : i32
    %dma_start3A_205 = tpu.memref_slice %arg6[%dma_start3A_201, %dma_start3A_203, %dma_start3A_204] : memref<8x128x64xf32, #tpu.memory_space<vmem>> -> memref<1x128x64xf32, #tpu.memory_space<vmem>>
    %dma_start3A_206 = tpu.memref_squeeze %dma_start3A_205 : memref<1x128x64xf32, #tpu.memory_space<vmem>> -> memref<128x64xf32, #tpu.memory_space<vmem>>
    %dma_start3A_207 = arith.constant 0 : i32
    %dma_start3A_208 = tpu.memref_slice %arg4[%dma_start3A_202, %add3A_200, %dma_start3A_207] : memref<50x16384x64xf32, #tpu.memory_space<hbm>> -> memref<1x128x64xf32, #tpu.memory_space<hbm>>
    %dma_start3A_209 = tpu.memref_squeeze %dma_start3A_208 : memref<1x128x64xf32, #tpu.memory_space<hbm>> -> memref<128x64xf32, #tpu.memory_space<hbm>>
    %dma_start3A_210 = arith.constant 0 : i32
    %dma_start3A_211 = tpu.memref_slice %arg4[%dma_start3A_202, %add3A_200, %dma_start3A_210] : memref<50x16384x64xf32, #tpu.memory_space<hbm>> -> memref<1x128x64xf32, #tpu.memory_space<hbm>>
    %dma_start3A_212 = tpu.memref_squeeze %dma_start3A_211 : memref<1x128x64xf32, #tpu.memory_space<hbm>> -> memref<128x64xf32, #tpu.memory_space<hbm>>
    %dma_start3A_213 = arith.constant 0 : i32
    %dma_start3A_214 = arith.constant 0 : i32
    %dma_start3A_215 = tpu.memref_slice %arg6[%dma_start3A_201, %dma_start3A_213, %dma_start3A_214] : memref<8x128x64xf32, #tpu.memory_space<vmem>> -> memref<1x128x64xf32, #tpu.memory_space<vmem>>
    %dma_start3A_216 = tpu.memref_squeeze %dma_start3A_215 : memref<1x128x64xf32, #tpu.memory_space<vmem>> -> memref<128x64xf32, #tpu.memory_space<vmem>>
    tpu.enqueue_dma source(%dma_start3A_216 : memref<128x64xf32, #tpu.memory_space<vmem>>) target(%dma_start3A_212 : memref<128x64xf32, #tpu.memory_space<hbm>>) target_semaphore(%arg18 : memref<!tpu.dma_semaphore, #tpu.memory_space<semaphore_mem>>)
    %scan3A = arith.constant 0 : i32
    %scan3A_217 = arith.constant 24 : i32
    %scan3A_218 = arith.addi %scan3A, %scan3A_217 : i32
    %scan3A_219 = arith.constant 1 : i32
    scf.for %scan3A_485 = %scan3A to %scan3A_218 step %scan3A_219  : i32 {
      %mul3A_486 = arith.constant 8 : i32
      %mul3A_487 = arith.muli %scan3A_485, %mul3A_486 : i32
      %add3A_488 = arith.constant 4 : i32
      %add3A_489 = arith.addi %add3A_488, %mul3A_487 : i32
      %add3A_490 = arith.constant 0 : i32
      %add3A_491 = arith.addi %add3A_489, %add3A_490 : i32
      %sub3A = arith.constant 4 : i32
      %sub3A_492 = arith.subi %add3A_491, %sub3A : i32
      %jit3A = arith.constant 4 : i32
      %div3A = arith.divsi %sub3A_492, %jit3A : i32
      %sign3A = arith.constant 0 : i32
      %sign3A_493 = arith.cmpi sgt, %sub3A_492, %sign3A : i32
      %sign3A_494 = arith.extui %sign3A_493 : i1 to i32
      %sign3A_495 = arith.constant 0 : i32
      %sign3A_496 = arith.cmpi slt, %sub3A_492, %sign3A_495 : i32
      %sign3A_497 = arith.extui %sign3A_496 : i1 to i32
      %sign3A_498 = arith.subi %sign3A_494, %sign3A_497 : i32
      %sign3A_499 = arith.constant 0 : i32
      %sign3A_500 = arith.cmpi sgt, %jit3A, %sign3A_499 : i32
      %sign3A_501 = arith.extui %sign3A_500 : i1 to i32
      %sign3A_502 = arith.constant 0 : i32
      %sign3A_503 = arith.cmpi slt, %jit3A, %sign3A_502 : i32
      %sign3A_504 = arith.extui %sign3A_503 : i1 to i32
      %sign3A_505 = arith.subi %sign3A_501, %sign3A_504 : i32
      %ne3A = arith.cmpi ne, %sign3A_498, %sign3A_505 : i32
      %rem3A = arith.remsi %sub3A_492, %jit3A : i32
      %ne3A_506 = arith.constant 0 : i32
      %ne3A_507 = arith.cmpi ne, %rem3A, %ne3A_506 : i32
      %and3A = arith.andi %ne3A, %ne3A_507 : i1
      %sub3A_508 = arith.constant 1 : i32
      %sub3A_509 = arith.subi %div3A, %sub3A_508 : i32
      %select_n3A = arith.select %and3A, %sub3A_509, %div3A : i32
      %jit3A_510 = arith.constant 4 : i32
      %eq3A = arith.constant 0 : i32
      %eq3A_511 = arith.cmpi eq, %jit3A_510, %eq3A : i32
      %jit3A_512 = arith.constant 1 : i32
      %select_n3A_513 = arith.select %eq3A_511, %jit3A_512, %jit3A_510 : i32
      %rem3A_514 = arith.remsi %sub3A_492, %select_n3A_513 : i32
      %ne3A_515 = arith.constant 0 : i32
      %ne3A_516 = arith.cmpi ne, %rem3A_514, %ne3A_515 : i32
      %lt3A = arith.constant 0 : i32
      %lt3A_517 = arith.cmpi slt, %rem3A_514, %lt3A : i32
      %lt3A_518 = arith.constant 0 : i32
      %lt3A_519 = arith.cmpi slt, %select_n3A_513, %lt3A_518 : i32
      %ne3A_520 = arith.xori %lt3A_517, %lt3A_519 : i1
      %and3A_521 = arith.andi %ne3A_520, %ne3A_516 : i1
      %add3A_522 = arith.addi %rem3A_514, %select_n3A_513 : i32
      %select_n3A_523 = arith.select %and3A_521, %add3A_522, %rem3A_514 : i32
      %mul3A_524 = arith.constant 128 : i32
      %mul3A_525 = arith.muli %select_n3A_523, %mul3A_524 : i32
      %add3A_526 = arith.addi %mul3A_2, %mul3A_525 : i32
      %dma_wait3A_527 = arith.constant 0 : i32
      %dma_wait3A_528 = arith.constant 0 : i32
      %dma_wait3A_529 = arith.constant 0 : i32
      %dma_wait3A_530 = tpu.memref_slice %arg6[%dma_wait3A_527, %dma_wait3A_528, %dma_wait3A_529] : memref<8x128x64xf32, #tpu.memory_space<vmem>> -> memref<1x128x64xf32, #tpu.memory_space<vmem>>
      %dma_wait3A_531 = tpu.memref_squeeze %dma_wait3A_530 : memref<1x128x64xf32, #tpu.memory_space<vmem>> -> memref<128x64xf32, #tpu.memory_space<vmem>>
      %dma_wait3A_532 = arith.constant 0 : i32
      %dma_wait3A_533 = tpu.memref_slice %arg4[%select_n3A, %add3A_526, %dma_wait3A_532] : memref<50x16384x64xf32, #tpu.memory_space<hbm>> -> memref<1x128x64xf32, #tpu.memory_space<hbm>>
      %dma_wait3A_534 = tpu.memref_squeeze %dma_wait3A_533 : memref<1x128x64xf32, #tpu.memory_space<hbm>> -> memref<128x64xf32, #tpu.memory_space<hbm>>
      %dma_wait3A_535 = arith.constant 0 : i32
      %dma_wait3A_536 = tpu.memref_slice %arg4[%select_n3A, %add3A_526, %dma_wait3A_535] : memref<50x16384x64xf32, #tpu.memory_space<hbm>> -> memref<1x128x64xf32, #tpu.memory_space<hbm>>
      %dma_wait3A_537 = tpu.memref_squeeze %dma_wait3A_536 : memref<1x128x64xf32, #tpu.memory_space<hbm>> -> memref<128x64xf32, #tpu.memory_space<hbm>>
      %dma_wait3A_538 = arith.constant 0 : i32
      %dma_wait3A_539 = arith.constant 0 : i32
      %dma_wait3A_540 = tpu.memref_slice %arg6[%dma_wait3A_527, %dma_wait3A_538, %dma_wait3A_539] : memref<8x128x64xf32, #tpu.memory_space<vmem>> -> memref<1x128x64xf32, #tpu.memory_space<vmem>>
      %dma_wait3A_541 = tpu.memref_squeeze %dma_wait3A_540 : memref<1x128x64xf32, #tpu.memory_space<vmem>> -> memref<128x64xf32, #tpu.memory_space<vmem>>
      tpu.wait_dma2 semaphore(%arg15 : memref<!tpu.dma_semaphore, #tpu.memory_space<semaphore_mem>>) src(%dma_wait3A_541 : memref<128x64xf32, #tpu.memory_space<vmem>>) dst(%dma_wait3A_537 : memref<128x64xf32, #tpu.memory_space<hbm>>)
      %add3A_542 = arith.constant 4 : i32
      %add3A_543 = arith.addi %add3A_491, %add3A_542 : i32
      %jit3A_544 = arith.constant 4 : i32
      %div3A_545 = arith.divsi %add3A_543, %jit3A_544 : i32
      %sign3A_546 = arith.constant 0 : i32
      %sign3A_547 = arith.cmpi sgt, %add3A_543, %sign3A_546 : i32
      %sign3A_548 = arith.extui %sign3A_547 : i1 to i32
      %sign3A_549 = arith.constant 0 : i32
      %sign3A_550 = arith.cmpi slt, %add3A_543, %sign3A_549 : i32
      %sign3A_551 = arith.extui %sign3A_550 : i1 to i32
      %sign3A_552 = arith.subi %sign3A_548, %sign3A_551 : i32
      %sign3A_553 = arith.constant 0 : i32
      %sign3A_554 = arith.cmpi sgt, %jit3A_544, %sign3A_553 : i32
      %sign3A_555 = arith.extui %sign3A_554 : i1 to i32
      %sign3A_556 = arith.constant 0 : i32
      %sign3A_557 = arith.cmpi slt, %jit3A_544, %sign3A_556 : i32
      %sign3A_558 = arith.extui %sign3A_557 : i1 to i32
      %sign3A_559 = arith.subi %sign3A_555, %sign3A_558 : i32
      %ne3A_560 = arith.cmpi ne, %sign3A_552, %sign3A_559 : i32
      %rem3A_561 = arith.remsi %add3A_543, %jit3A_544 : i32
      %ne3A_562 = arith.constant 0 : i32
      %ne3A_563 = arith.cmpi ne, %rem3A_561, %ne3A_562 : i32
      %and3A_564 = arith.andi %ne3A_560, %ne3A_563 : i1
      %sub3A_565 = arith.constant 1 : i32
      %sub3A_566 = arith.subi %div3A_545, %sub3A_565 : i32
      %select_n3A_567 = arith.select %and3A_564, %sub3A_566, %div3A_545 : i32
      %jit3A_568 = arith.constant 4 : i32
      %eq3A_569 = arith.constant 0 : i32
      %eq3A_570 = arith.cmpi eq, %jit3A_568, %eq3A_569 : i32
      %jit3A_571 = arith.constant 1 : i32
      %select_n3A_572 = arith.select %eq3A_570, %jit3A_571, %jit3A_568 : i32
      %rem3A_573 = arith.remsi %add3A_543, %select_n3A_572 : i32
      %ne3A_574 = arith.constant 0 : i32
      %ne3A_575 = arith.cmpi ne, %rem3A_573, %ne3A_574 : i32
      %lt3A_576 = arith.constant 0 : i32
      %lt3A_577 = arith.cmpi slt, %rem3A_573, %lt3A_576 : i32
      %lt3A_578 = arith.constant 0 : i32
      %lt3A_579 = arith.cmpi slt, %select_n3A_572, %lt3A_578 : i32
      %ne3A_580 = arith.xori %lt3A_577, %lt3A_579 : i1
      %and3A_581 = arith.andi %ne3A_580, %ne3A_575 : i1
      %add3A_582 = arith.addi %rem3A_573, %select_n3A_572 : i32
      %select_n3A_583 = arith.select %and3A_581, %add3A_582, %rem3A_573 : i32
      %mul3A_584 = arith.constant 128 : i32
      %mul3A_585 = arith.muli %select_n3A_583, %mul3A_584 : i32
      %dma_start3A_586 = arith.constant 0 : i32
      %dma_start3A_587 = arith.constant 0 : i32
      %dma_start3A_588 = arith.constant 0 : i32
      %dma_start3A_589 = tpu.memref_slice %arg6[%dma_start3A_586, %dma_start3A_587, %dma_start3A_588] : memref<8x128x64xf32, #tpu.memory_space<vmem>> -> memref<1x128x64xf32, #tpu.memory_space<vmem>>
      %dma_start3A_590 = tpu.memref_squeeze %dma_start3A_589 : memref<1x128x64xf32, #tpu.memory_space<vmem>> -> memref<128x64xf32, #tpu.memory_space<vmem>>
      %dma_start3A_591 = tpu.memref_slice %arg5[%select_n3A_567, %mul3A_585] : memref<50x512xi32, #tpu.memory_space<vmem>> -> memref<1x128xi32, #tpu.memory_space<vmem>>
      %dma_start3A_592 = tpu.memref_squeeze %dma_start3A_591 : memref<1x128xi32, #tpu.memory_space<vmem>> -> memref<128xi32, #tpu.memory_space<vmem>>
      %dma_start3A_593 = arith.constant 0 : i32
      %dma_start3A_594 = arith.constant 0 : i32
      %dma_start3A_595 = tpu.memref_slice %arg3[%dma_start3A_593, %dma_start3A_594] : memref<1000000x64xf32, #tpu.memory_space<hbm>> -> memref<1000000x64xf32, #tpu.memory_space<hbm>>
      tpu.enqueue_indirect_dma source(%dma_start3A_595 : memref<1000000x64xf32, #tpu.memory_space<hbm>>) target(%dma_start3A_590 : memref<128x64xf32, #tpu.memory_space<vmem>>) offsets(%dma_start3A_592 : memref<128xi32, #tpu.memory_space<vmem>>) semaphore(%arg7 : memref<!tpu.dma_semaphore, #tpu.memory_space<semaphore_mem>>)
      %jit3A_596 = arith.constant 4 : i32
      %div3A_597 = arith.divsi %add3A_491, %jit3A_596 : i32
      %sign3A_598 = arith.constant 0 : i32
      %sign3A_599 = arith.cmpi sgt, %add3A_491, %sign3A_598 : i32
      %sign3A_600 = arith.extui %sign3A_599 : i1 to i32
      %sign3A_601 = arith.constant 0 : i32
      %sign3A_602 = arith.cmpi slt, %add3A_491, %sign3A_601 : i32
      %sign3A_603 = arith.extui %sign3A_602 : i1 to i32
      %sign3A_604 = arith.subi %sign3A_600, %sign3A_603 : i32
      %sign3A_605 = arith.constant 0 : i32
      %sign3A_606 = arith.cmpi sgt, %jit3A_596, %sign3A_605 : i32
      %sign3A_607 = arith.extui %sign3A_606 : i1 to i32
      %sign3A_608 = arith.constant 0 : i32
      %sign3A_609 = arith.cmpi slt, %jit3A_596, %sign3A_608 : i32
      %sign3A_610 = arith.extui %sign3A_609 : i1 to i32
      %sign3A_611 = arith.subi %sign3A_607, %sign3A_610 : i32
      %ne3A_612 = arith.cmpi ne, %sign3A_604, %sign3A_611 : i32
      %rem3A_613 = arith.remsi %add3A_491, %jit3A_596 : i32
      %ne3A_614 = arith.constant 0 : i32
      %ne3A_615 = arith.cmpi ne, %rem3A_613, %ne3A_614 : i32
      %and3A_616 = arith.andi %ne3A_612, %ne3A_615 : i1
      %sub3A_617 = arith.constant 1 : i32
      %sub3A_618 = arith.subi %div3A_597, %sub3A_617 : i32
      %select_n3A_619 = arith.select %and3A_616, %sub3A_618, %div3A_597 : i32
      %jit3A_620 = arith.constant 4 : i32
      %eq3A_621 = arith.constant 0 : i32
      %eq3A_622 = arith.cmpi eq, %jit3A_620, %eq3A_621 : i32
      %jit3A_623 = arith.constant 1 : i32
      %select_n3A_624 = arith.select %eq3A_622, %jit3A_623, %jit3A_620 : i32
      %rem3A_625 = arith.remsi %add3A_491, %select_n3A_624 : i32
      %ne3A_626 = arith.constant 0 : i32
      %ne3A_627 = arith.cmpi ne, %rem3A_625, %ne3A_626 : i32
      %lt3A_628 = arith.constant 0 : i32
      %lt3A_629 = arith.cmpi slt, %rem3A_625, %lt3A_628 : i32
      %lt3A_630 = arith.constant 0 : i32
      %lt3A_631 = arith.cmpi slt, %select_n3A_624, %lt3A_630 : i32
      %ne3A_632 = arith.xori %lt3A_629, %lt3A_631 : i1
      %and3A_633 = arith.andi %ne3A_632, %ne3A_627 : i1
      %add3A_634 = arith.addi %rem3A_625, %select_n3A_624 : i32
      %select_n3A_635 = arith.select %and3A_633, %add3A_634, %rem3A_625 : i32
      %mul3A_636 = arith.constant 128 : i32
      %mul3A_637 = arith.muli %select_n3A_635, %mul3A_636 : i32
      %dma_wait3A_638 = arith.constant 4 : i32
      %dma_wait3A_639 = arith.constant 0 : i32
      %dma_wait3A_640 = arith.constant 0 : i32
      %dma_wait3A_641 = tpu.memref_slice %arg6[%dma_wait3A_638, %dma_wait3A_639, %dma_wait3A_640] : memref<8x128x64xf32, #tpu.memory_space<vmem>> -> memref<1x128x64xf32, #tpu.memory_space<vmem>>
      %dma_wait3A_642 = tpu.memref_squeeze %dma_wait3A_641 : memref<1x128x64xf32, #tpu.memory_space<vmem>> -> memref<128x64xf32, #tpu.memory_space<vmem>>
      %dma_wait3A_643 = tpu.memref_slice %arg5[%select_n3A_619, %mul3A_637] : memref<50x512xi32, #tpu.memory_space<vmem>> -> memref<1x128xi32, #tpu.memory_space<vmem>>
      %dma_wait3A_644 = tpu.memref_squeeze %dma_wait3A_643 : memref<1x128xi32, #tpu.memory_space<vmem>> -> memref<128xi32, #tpu.memory_space<vmem>>
      %dma_wait3A_645 = arith.constant 0 : i32
      %dma_wait3A_646 = arith.constant 0 : i32
      %dma_wait3A_647 = tpu.memref_slice %arg3[%dma_wait3A_645, %dma_wait3A_646] : memref<1000000x64xf32, #tpu.memory_space<hbm>> -> memref<1000000x64xf32, #tpu.memory_space<hbm>>
      tpu.wait_indirect_dma semaphore(%arg11 : memref<!tpu.dma_semaphore, #tpu.memory_space<semaphore_mem>>) src(%dma_wait3A_647 : memref<1000000x64xf32, #tpu.memory_space<hbm>>) dst(%dma_wait3A_642 : memref<128x64xf32, #tpu.memory_space<vmem>>)
      %jit3A_648 = arith.constant 4 : i32
      %div3A_649 = arith.divsi %add3A_491, %jit3A_648 : i32
      %sign3A_650 = arith.constant 0 : i32
      %sign3A_651 = arith.cmpi sgt, %add3A_491, %sign3A_650 : i32
      %sign3A_652 = arith.extui %sign3A_651 : i1 to i32
      %sign3A_653 = arith.constant 0 : i32
      %sign3A_654 = arith.cmpi slt, %add3A_491, %sign3A_653 : i32
      %sign3A_655 = arith.extui %sign3A_654 : i1 to i32
      %sign3A_656 = arith.subi %sign3A_652, %sign3A_655 : i32
      %sign3A_657 = arith.constant 0 : i32
      %sign3A_658 = arith.cmpi sgt, %jit3A_648, %sign3A_657 : i32
      %sign3A_659 = arith.extui %sign3A_658 : i1 to i32
      %sign3A_660 = arith.constant 0 : i32
      %sign3A_661 = arith.cmpi slt, %jit3A_648, %sign3A_660 : i32
      %sign3A_662 = arith.extui %sign3A_661 : i1 to i32
      %sign3A_663 = arith.subi %sign3A_659, %sign3A_662 : i32
      %ne3A_664 = arith.cmpi ne, %sign3A_656, %sign3A_663 : i32
      %rem3A_665 = arith.remsi %add3A_491, %jit3A_648 : i32
      %ne3A_666 = arith.constant 0 : i32
      %ne3A_667 = arith.cmpi ne, %rem3A_665, %ne3A_666 : i32
      %and3A_668 = arith.andi %ne3A_664, %ne3A_667 : i1
      %sub3A_669 = arith.constant 1 : i32
      %sub3A_670 = arith.subi %div3A_649, %sub3A_669 : i32
      %select_n3A_671 = arith.select %and3A_668, %sub3A_670, %div3A_649 : i32
      %jit3A_672 = arith.constant 4 : i32
      %eq3A_673 = arith.constant 0 : i32
      %eq3A_674 = arith.cmpi eq, %jit3A_672, %eq3A_673 : i32
      %jit3A_675 = arith.constant 1 : i32
      %select_n3A_676 = arith.select %eq3A_674, %jit3A_675, %jit3A_672 : i32
      %rem3A_677 = arith.remsi %add3A_491, %select_n3A_676 : i32
      %ne3A_678 = arith.constant 0 : i32
      %ne3A_679 = arith.cmpi ne, %rem3A_677, %ne3A_678 : i32
      %lt3A_680 = arith.constant 0 : i32
      %lt3A_681 = arith.cmpi slt, %rem3A_677, %lt3A_680 : i32
      %lt3A_682 = arith.constant 0 : i32
      %lt3A_683 = arith.cmpi slt, %select_n3A_676, %lt3A_682 : i32
      %ne3A_684 = arith.xori %lt3A_681, %lt3A_683 : i1
      %and3A_685 = arith.andi %ne3A_684, %ne3A_679 : i1
      %add3A_686 = arith.addi %rem3A_677, %select_n3A_676 : i32
      %select_n3A_687 = arith.select %and3A_685, %add3A_686, %rem3A_677 : i32
      %mul3A_688 = arith.constant 128 : i32
      %mul3A_689 = arith.muli %select_n3A_687, %mul3A_688 : i32
      %add3A_690 = arith.addi %mul3A_2, %mul3A_689 : i32
      %dma_start3A_691 = arith.constant 4 : i32
      %dma_start3A_692 = arith.constant 0 : i32
      %dma_start3A_693 = arith.constant 0 : i32
      %dma_start3A_694 = tpu.memref_slice %arg6[%dma_start3A_691, %dma_start3A_692, %dma_start3A_693] : memref<8x128x64xf32, #tpu.memory_space<vmem>> -> memref<1x128x64xf32, #tpu.memory_space<vmem>>
      %dma_start3A_695 = tpu.memref_squeeze %dma_start3A_694 : memref<1x128x64xf32, #tpu.memory_space<vmem>> -> memref<128x64xf32, #tpu.memory_space<vmem>>
      %dma_start3A_696 = arith.constant 0 : i32
      %dma_start3A_697 = tpu.memref_slice %arg4[%select_n3A_671, %add3A_690, %dma_start3A_696] : memref<50x16384x64xf32, #tpu.memory_space<hbm>> -> memref<1x128x64xf32, #tpu.memory_space<hbm>>
      %dma_start3A_698 = tpu.memref_squeeze %dma_start3A_697 : memref<1x128x64xf32, #tpu.memory_space<hbm>> -> memref<128x64xf32, #tpu.memory_space<hbm>>
      %dma_start3A_699 = arith.constant 0 : i32
      %dma_start3A_700 = tpu.memref_slice %arg4[%select_n3A_671, %add3A_690, %dma_start3A_699] : memref<50x16384x64xf32, #tpu.memory_space<hbm>> -> memref<1x128x64xf32, #tpu.memory_space<hbm>>
      %dma_start3A_701 = tpu.memref_squeeze %dma_start3A_700 : memref<1x128x64xf32, #tpu.memory_space<hbm>> -> memref<128x64xf32, #tpu.memory_space<hbm>>
      %dma_start3A_702 = arith.constant 0 : i32
      %dma_start3A_703 = arith.constant 0 : i32
      %dma_start3A_704 = tpu.memref_slice %arg6[%dma_start3A_691, %dma_start3A_702, %dma_start3A_703] : memref<8x128x64xf32, #tpu.memory_space<vmem>> -> memref<1x128x64xf32, #tpu.memory_space<vmem>>
      %dma_start3A_705 = tpu.memref_squeeze %dma_start3A_704 : memref<1x128x64xf32, #tpu.memory_space<vmem>> -> memref<128x64xf32, #tpu.memory_space<vmem>>
      tpu.enqueue_dma source(%dma_start3A_705 : memref<128x64xf32, #tpu.memory_space<vmem>>) target(%dma_start3A_701 : memref<128x64xf32, #tpu.memory_space<hbm>>) target_semaphore(%arg19 : memref<!tpu.dma_semaphore, #tpu.memory_space<semaphore_mem>>)
      %add3A_706 = arith.constant 1 : i32
      %add3A_707 = arith.addi %add3A_489, %add3A_706 : i32
      %sub3A_708 = arith.constant 4 : i32
      %sub3A_709 = arith.subi %add3A_707, %sub3A_708 : i32
      %jit3A_710 = arith.constant 4 : i32
      %div3A_711 = arith.divsi %sub3A_709, %jit3A_710 : i32
      %sign3A_712 = arith.constant 0 : i32
      %sign3A_713 = arith.cmpi sgt, %sub3A_709, %sign3A_712 : i32
      %sign3A_714 = arith.extui %sign3A_713 : i1 to i32
      %sign3A_715 = arith.constant 0 : i32
      %sign3A_716 = arith.cmpi slt, %sub3A_709, %sign3A_715 : i32
      %sign3A_717 = arith.extui %sign3A_716 : i1 to i32
      %sign3A_718 = arith.subi %sign3A_714, %sign3A_717 : i32
      %sign3A_719 = arith.constant 0 : i32
      %sign3A_720 = arith.cmpi sgt, %jit3A_710, %sign3A_719 : i32
      %sign3A_721 = arith.extui %sign3A_720 : i1 to i32
      %sign3A_722 = arith.constant 0 : i32
      %sign3A_723 = arith.cmpi slt, %jit3A_710, %sign3A_722 : i32
      %sign3A_724 = arith.extui %sign3A_723 : i1 to i32
      %sign3A_725 = arith.subi %sign3A_721, %sign3A_724 : i32
      %ne3A_726 = arith.cmpi ne, %sign3A_718, %sign3A_725 : i32
      %rem3A_727 = arith.remsi %sub3A_709, %jit3A_710 : i32
      %ne3A_728 = arith.constant 0 : i32
      %ne3A_729 = arith.cmpi ne, %rem3A_727, %ne3A_728 : i32
      %and3A_730 = arith.andi %ne3A_726, %ne3A_729 : i1
      %sub3A_731 = arith.constant 1 : i32
      %sub3A_732 = arith.subi %div3A_711, %sub3A_731 : i32
      %select_n3A_733 = arith.select %and3A_730, %sub3A_732, %div3A_711 : i32
      %jit3A_734 = arith.constant 4 : i32
      %eq3A_735 = arith.constant 0 : i32
      %eq3A_736 = arith.cmpi eq, %jit3A_734, %eq3A_735 : i32
      %jit3A_737 = arith.constant 1 : i32
      %select_n3A_738 = arith.select %eq3A_736, %jit3A_737, %jit3A_734 : i32
      %rem3A_739 = arith.remsi %sub3A_709, %select_n3A_738 : i32
      %ne3A_740 = arith.constant 0 : i32
      %ne3A_741 = arith.cmpi ne, %rem3A_739, %ne3A_740 : i32
      %lt3A_742 = arith.constant 0 : i32
      %lt3A_743 = arith.cmpi slt, %rem3A_739, %lt3A_742 : i32
      %lt3A_744 = arith.constant 0 : i32
      %lt3A_745 = arith.cmpi slt, %select_n3A_738, %lt3A_744 : i32
      %ne3A_746 = arith.xori %lt3A_743, %lt3A_745 : i1
      %and3A_747 = arith.andi %ne3A_746, %ne3A_741 : i1
      %add3A_748 = arith.addi %rem3A_739, %select_n3A_738 : i32
      %select_n3A_749 = arith.select %and3A_747, %add3A_748, %rem3A_739 : i32
      %mul3A_750 = arith.constant 128 : i32
      %mul3A_751 = arith.muli %select_n3A_749, %mul3A_750 : i32
      %add3A_752 = arith.addi %mul3A_2, %mul3A_751 : i32
      %dma_wait3A_753 = arith.constant 1 : i32
      %dma_wait3A_754 = arith.constant 0 : i32
      %dma_wait3A_755 = arith.constant 0 : i32
      %dma_wait3A_756 = tpu.memref_slice %arg6[%dma_wait3A_753, %dma_wait3A_754, %dma_wait3A_755] : memref<8x128x64xf32, #tpu.memory_space<vmem>> -> memref<1x128x64xf32, #tpu.memory_space<vmem>>
      %dma_wait3A_757 = tpu.memref_squeeze %dma_wait3A_756 : memref<1x128x64xf32, #tpu.memory_space<vmem>> -> memref<128x64xf32, #tpu.memory_space<vmem>>
      %dma_wait3A_758 = arith.constant 0 : i32
      %dma_wait3A_759 = tpu.memref_slice %arg4[%select_n3A_733, %add3A_752, %dma_wait3A_758] : memref<50x16384x64xf32, #tpu.memory_space<hbm>> -> memref<1x128x64xf32, #tpu.memory_space<hbm>>
      %dma_wait3A_760 = tpu.memref_squeeze %dma_wait3A_759 : memref<1x128x64xf32, #tpu.memory_space<hbm>> -> memref<128x64xf32, #tpu.memory_space<hbm>>
      %dma_wait3A_761 = arith.constant 0 : i32
      %dma_wait3A_762 = tpu.memref_slice %arg4[%select_n3A_733, %add3A_752, %dma_wait3A_761] : memref<50x16384x64xf32, #tpu.memory_space<hbm>> -> memref<1x128x64xf32, #tpu.memory_space<hbm>>
      %dma_wait3A_763 = tpu.memref_squeeze %dma_wait3A_762 : memref<1x128x64xf32, #tpu.memory_space<hbm>> -> memref<128x64xf32, #tpu.memory_space<hbm>>
      %dma_wait3A_764 = arith.constant 0 : i32
      %dma_wait3A_765 = arith.constant 0 : i32
      %dma_wait3A_766 = tpu.memref_slice %arg6[%dma_wait3A_753, %dma_wait3A_764, %dma_wait3A_765] : memref<8x128x64xf32, #tpu.memory_space<vmem>> -> memref<1x128x64xf32, #tpu.memory_space<vmem>>
      %dma_wait3A_767 = tpu.memref_squeeze %dma_wait3A_766 : memref<1x128x64xf32, #tpu.memory_space<vmem>> -> memref<128x64xf32, #tpu.memory_space<vmem>>
      tpu.wait_dma2 semaphore(%arg16 : memref<!tpu.dma_semaphore, #tpu.memory_space<semaphore_mem>>) src(%dma_wait3A_767 : memref<128x64xf32, #tpu.memory_space<vmem>>) dst(%dma_wait3A_763 : memref<128x64xf32, #tpu.memory_space<hbm>>)
      %add3A_768 = arith.constant 4 : i32
      %add3A_769 = arith.addi %add3A_707, %add3A_768 : i32
      %jit3A_770 = arith.constant 4 : i32
      %div3A_771 = arith.divsi %add3A_769, %jit3A_770 : i32
      %sign3A_772 = arith.constant 0 : i32
      %sign3A_773 = arith.cmpi sgt, %add3A_769, %sign3A_772 : i32
      %sign3A_774 = arith.extui %sign3A_773 : i1 to i32
      %sign3A_775 = arith.constant 0 : i32
      %sign3A_776 = arith.cmpi slt, %add3A_769, %sign3A_775 : i32
      %sign3A_777 = arith.extui %sign3A_776 : i1 to i32
      %sign3A_778 = arith.subi %sign3A_774, %sign3A_777 : i32
      %sign3A_779 = arith.constant 0 : i32
      %sign3A_780 = arith.cmpi sgt, %jit3A_770, %sign3A_779 : i32
      %sign3A_781 = arith.extui %sign3A_780 : i1 to i32
      %sign3A_782 = arith.constant 0 : i32
      %sign3A_783 = arith.cmpi slt, %jit3A_770, %sign3A_782 : i32
      %sign3A_784 = arith.extui %sign3A_783 : i1 to i32
      %sign3A_785 = arith.subi %sign3A_781, %sign3A_784 : i32
      %ne3A_786 = arith.cmpi ne, %sign3A_778, %sign3A_785 : i32
      %rem3A_787 = arith.remsi %add3A_769, %jit3A_770 : i32
      %ne3A_788 = arith.constant 0 : i32
      %ne3A_789 = arith.cmpi ne, %rem3A_787, %ne3A_788 : i32
      %and3A_790 = arith.andi %ne3A_786, %ne3A_789 : i1
      %sub3A_791 = arith.constant 1 : i32
      %sub3A_792 = arith.subi %div3A_771, %sub3A_791 : i32
      %select_n3A_793 = arith.select %and3A_790, %sub3A_792, %div3A_771 : i32
      %jit3A_794 = arith.constant 4 : i32
      %eq3A_795 = arith.constant 0 : i32
      %eq3A_796 = arith.cmpi eq, %jit3A_794, %eq3A_795 : i32
      %jit3A_797 = arith.constant 1 : i32
      %select_n3A_798 = arith.select %eq3A_796, %jit3A_797, %jit3A_794 : i32
      %rem3A_799 = arith.remsi %add3A_769, %select_n3A_798 : i32
      %ne3A_800 = arith.constant 0 : i32
      %ne3A_801 = arith.cmpi ne, %rem3A_799, %ne3A_800 : i32
      %lt3A_802 = arith.constant 0 : i32
      %lt3A_803 = arith.cmpi slt, %rem3A_799, %lt3A_802 : i32
      %lt3A_804 = arith.constant 0 : i32
      %lt3A_805 = arith.cmpi slt, %select_n3A_798, %lt3A_804 : i32
      %ne3A_806 = arith.xori %lt3A_803, %lt3A_805 : i1
      %and3A_807 = arith.andi %ne3A_806, %ne3A_801 : i1
      %add3A_808 = arith.addi %rem3A_799, %select_n3A_798 : i32
      %select_n3A_809 = arith.select %and3A_807, %add3A_808, %rem3A_799 : i32
      %mul3A_810 = arith.constant 128 : i32
      %mul3A_811 = arith.muli %select_n3A_809, %mul3A_810 : i32
      %dma_start3A_812 = arith.constant 1 : i32
      %dma_start3A_813 = arith.constant 0 : i32
      %dma_start3A_814 = arith.constant 0 : i32
      %dma_start3A_815 = tpu.memref_slice %arg6[%dma_start3A_812, %dma_start3A_813, %dma_start3A_814] : memref<8x128x64xf32, #tpu.memory_space<vmem>> -> memref<1x128x64xf32, #tpu.memory_space<vmem>>
      %dma_start3A_816 = tpu.memref_squeeze %dma_start3A_815 : memref<1x128x64xf32, #tpu.memory_space<vmem>> -> memref<128x64xf32, #tpu.memory_space<vmem>>
      %dma_start3A_817 = tpu.memref_slice %arg5[%select_n3A_793, %mul3A_811] : memref<50x512xi32, #tpu.memory_space<vmem>> -> memref<1x128xi32, #tpu.memory_space<vmem>>
      %dma_start3A_818 = tpu.memref_squeeze %dma_start3A_817 : memref<1x128xi32, #tpu.memory_space<vmem>> -> memref<128xi32, #tpu.memory_space<vmem>>
      %dma_start3A_819 = arith.constant 0 : i32
      %dma_start3A_820 = arith.constant 0 : i32
      %dma_start3A_821 = tpu.memref_slice %arg3[%dma_start3A_819, %dma_start3A_820] : memref<1000000x64xf32, #tpu.memory_space<hbm>> -> memref<1000000x64xf32, #tpu.memory_space<hbm>>
      tpu.enqueue_indirect_dma source(%dma_start3A_821 : memref<1000000x64xf32, #tpu.memory_space<hbm>>) target(%dma_start3A_816 : memref<128x64xf32, #tpu.memory_space<vmem>>) offsets(%dma_start3A_818 : memref<128xi32, #tpu.memory_space<vmem>>) semaphore(%arg8 : memref<!tpu.dma_semaphore, #tpu.memory_space<semaphore_mem>>)
      %jit3A_822 = arith.constant 4 : i32
      %div3A_823 = arith.divsi %add3A_707, %jit3A_822 : i32
      %sign3A_824 = arith.constant 0 : i32
      %sign3A_825 = arith.cmpi sgt, %add3A_707, %sign3A_824 : i32
      %sign3A_826 = arith.extui %sign3A_825 : i1 to i32
      %sign3A_827 = arith.constant 0 : i32
      %sign3A_828 = arith.cmpi slt, %add3A_707, %sign3A_827 : i32
      %sign3A_829 = arith.extui %sign3A_828 : i1 to i32
      %sign3A_830 = arith.subi %sign3A_826, %sign3A_829 : i32
      %sign3A_831 = arith.constant 0 : i32
      %sign3A_832 = arith.cmpi sgt, %jit3A_822, %sign3A_831 : i32
      %sign3A_833 = arith.extui %sign3A_832 : i1 to i32
      %sign3A_834 = arith.constant 0 : i32
      %sign3A_835 = arith.cmpi slt, %jit3A_822, %sign3A_834 : i32
      %sign3A_836 = arith.extui %sign3A_835 : i1 to i32
      %sign3A_837 = arith.subi %sign3A_833, %sign3A_836 : i32
      %ne3A_838 = arith.cmpi ne, %sign3A_830, %sign3A_837 : i32
      %rem3A_839 = arith.remsi %add3A_707, %jit3A_822 : i32
      %ne3A_840 = arith.constant 0 : i32
      %ne3A_841 = arith.cmpi ne, %rem3A_839, %ne3A_840 : i32
      %and3A_842 = arith.andi %ne3A_838, %ne3A_841 : i1
      %sub3A_843 = arith.constant 1 : i32
      %sub3A_844 = arith.subi %div3A_823, %sub3A_843 : i32
      %select_n3A_845 = arith.select %and3A_842, %sub3A_844, %div3A_823 : i32
      %jit3A_846 = arith.constant 4 : i32
      %eq3A_847 = arith.constant 0 : i32
      %eq3A_848 = arith.cmpi eq, %jit3A_846, %eq3A_847 : i32
      %jit3A_849 = arith.constant 1 : i32
      %select_n3A_850 = arith.select %eq3A_848, %jit3A_849, %jit3A_846 : i32
      %rem3A_851 = arith.remsi %add3A_707, %select_n3A_850 : i32
      %ne3A_852 = arith.constant 0 : i32
      %ne3A_853 = arith.cmpi ne, %rem3A_851, %ne3A_852 : i32
      %lt3A_854 = arith.constant 0 : i32
      %lt3A_855 = arith.cmpi slt, %rem3A_851, %lt3A_854 : i32
      %lt3A_856 = arith.constant 0 : i32
      %lt3A_857 = arith.cmpi slt, %select_n3A_850, %lt3A_856 : i32
      %ne3A_858 = arith.xori %lt3A_855, %lt3A_857 : i1
      %and3A_859 = arith.andi %ne3A_858, %ne3A_853 : i1
      %add3A_860 = arith.addi %rem3A_851, %select_n3A_850 : i32
      %select_n3A_861 = arith.select %and3A_859, %add3A_860, %rem3A_851 : i32
      %mul3A_862 = arith.constant 128 : i32
      %mul3A_863 = arith.muli %select_n3A_861, %mul3A_862 : i32
      %dma_wait3A_864 = arith.constant 5 : i32
      %dma_wait3A_865 = arith.constant 0 : i32
      %dma_wait3A_866 = arith.constant 0 : i32
      %dma_wait3A_867 = tpu.memref_slice %arg6[%dma_wait3A_864, %dma_wait3A_865, %dma_wait3A_866] : memref<8x128x64xf32, #tpu.memory_space<vmem>> -> memref<1x128x64xf32, #tpu.memory_space<vmem>>
      %dma_wait3A_868 = tpu.memref_squeeze %dma_wait3A_867 : memref<1x128x64xf32, #tpu.memory_space<vmem>> -> memref<128x64xf32, #tpu.memory_space<vmem>>
      %dma_wait3A_869 = tpu.memref_slice %arg5[%select_n3A_845, %mul3A_863] : memref<50x512xi32, #tpu.memory_space<vmem>> -> memref<1x128xi32, #tpu.memory_space<vmem>>
      %dma_wait3A_870 = tpu.memref_squeeze %dma_wait3A_869 : memref<1x128xi32, #tpu.memory_space<vmem>> -> memref<128xi32, #tpu.memory_space<vmem>>
      %dma_wait3A_871 = arith.constant 0 : i32
      %dma_wait3A_872 = arith.constant 0 : i32
      %dma_wait3A_873 = tpu.memref_slice %arg3[%dma_wait3A_871, %dma_wait3A_872] : memref<1000000x64xf32, #tpu.memory_space<hbm>> -> memref<1000000x64xf32, #tpu.memory_space<hbm>>
      tpu.wait_indirect_dma semaphore(%arg12 : memref<!tpu.dma_semaphore, #tpu.memory_space<semaphore_mem>>) src(%dma_wait3A_873 : memref<1000000x64xf32, #tpu.memory_space<hbm>>) dst(%dma_wait3A_868 : memref<128x64xf32, #tpu.memory_space<vmem>>)
      %jit3A_874 = arith.constant 4 : i32
      %div3A_875 = arith.divsi %add3A_707, %jit3A_874 : i32
      %sign3A_876 = arith.constant 0 : i32
      %sign3A_877 = arith.cmpi sgt, %add3A_707, %sign3A_876 : i32
      %sign3A_878 = arith.extui %sign3A_877 : i1 to i32
      %sign3A_879 = arith.constant 0 : i32
      %sign3A_880 = arith.cmpi slt, %add3A_707, %sign3A_879 : i32
      %sign3A_881 = arith.extui %sign3A_880 : i1 to i32
      %sign3A_882 = arith.subi %sign3A_878, %sign3A_881 : i32
      %sign3A_883 = arith.constant 0 : i32
      %sign3A_884 = arith.cmpi sgt, %jit3A_874, %sign3A_883 : i32
      %sign3A_885 = arith.extui %sign3A_884 : i1 to i32
      %sign3A_886 = arith.constant 0 : i32
      %sign3A_887 = arith.cmpi slt, %jit3A_874, %sign3A_886 : i32
      %sign3A_888 = arith.extui %sign3A_887 : i1 to i32
      %sign3A_889 = arith.subi %sign3A_885, %sign3A_888 : i32
      %ne3A_890 = arith.cmpi ne, %sign3A_882, %sign3A_889 : i32
      %rem3A_891 = arith.remsi %add3A_707, %jit3A_874 : i32
      %ne3A_892 = arith.constant 0 : i32
      %ne3A_893 = arith.cmpi ne, %rem3A_891, %ne3A_892 : i32
      %and3A_894 = arith.andi %ne3A_890, %ne3A_893 : i1
      %sub3A_895 = arith.constant 1 : i32
      %sub3A_896 = arith.subi %div3A_875, %sub3A_895 : i32
      %select_n3A_897 = arith.select %and3A_894, %sub3A_896, %div3A_875 : i32
      %jit3A_898 = arith.constant 4 : i32
      %eq3A_899 = arith.constant 0 : i32
      %eq3A_900 = arith.cmpi eq, %jit3A_898, %eq3A_899 : i32
      %jit3A_901 = arith.constant 1 : i32
      %select_n3A_902 = arith.select %eq3A_900, %jit3A_901, %jit3A_898 : i32
      %rem3A_903 = arith.remsi %add3A_707, %select_n3A_902 : i32
      %ne3A_904 = arith.constant 0 : i32
      %ne3A_905 = arith.cmpi ne, %rem3A_903, %ne3A_904 : i32
      %lt3A_906 = arith.constant 0 : i32
      %lt3A_907 = arith.cmpi slt, %rem3A_903, %lt3A_906 : i32
      %lt3A_908 = arith.constant 0 : i32
      %lt3A_909 = arith.cmpi slt, %select_n3A_902, %lt3A_908 : i32
      %ne3A_910 = arith.xori %lt3A_907, %lt3A_909 : i1
      %and3A_911 = arith.andi %ne3A_910, %ne3A_905 : i1
      %add3A_912 = arith.addi %rem3A_903, %select_n3A_902 : i32
      %select_n3A_913 = arith.select %and3A_911, %add3A_912, %rem3A_903 : i32
      %mul3A_914 = arith.constant 128 : i32
      %mul3A_915 = arith.muli %select_n3A_913, %mul3A_914 : i32
      %add3A_916 = arith.addi %mul3A_2, %mul3A_915 : i32
      %dma_start3A_917 = arith.constant 5 : i32
      %dma_start3A_918 = arith.constant 0 : i32
      %dma_start3A_919 = arith.constant 0 : i32
      %dma_start3A_920 = tpu.memref_slice %arg6[%dma_start3A_917, %dma_start3A_918, %dma_start3A_919] : memref<8x128x64xf32, #tpu.memory_space<vmem>> -> memref<1x128x64xf32, #tpu.memory_space<vmem>>
      %dma_start3A_921 = tpu.memref_squeeze %dma_start3A_920 : memref<1x128x64xf32, #tpu.memory_space<vmem>> -> memref<128x64xf32, #tpu.memory_space<vmem>>
      %dma_start3A_922 = arith.constant 0 : i32
      %dma_start3A_923 = tpu.memref_slice %arg4[%select_n3A_897, %add3A_916, %dma_start3A_922] : memref<50x16384x64xf32, #tpu.memory_space<hbm>> -> memref<1x128x64xf32, #tpu.memory_space<hbm>>
      %dma_start3A_924 = tpu.memref_squeeze %dma_start3A_923 : memref<1x128x64xf32, #tpu.memory_space<hbm>> -> memref<128x64xf32, #tpu.memory_space<hbm>>
      %dma_start3A_925 = arith.constant 0 : i32
      %dma_start3A_926 = tpu.memref_slice %arg4[%select_n3A_897, %add3A_916, %dma_start3A_925] : memref<50x16384x64xf32, #tpu.memory_space<hbm>> -> memref<1x128x64xf32, #tpu.memory_space<hbm>>
      %dma_start3A_927 = tpu.memref_squeeze %dma_start3A_926 : memref<1x128x64xf32, #tpu.memory_space<hbm>> -> memref<128x64xf32, #tpu.memory_space<hbm>>
      %dma_start3A_928 = arith.constant 0 : i32
      %dma_start3A_929 = arith.constant 0 : i32
      %dma_start3A_930 = tpu.memref_slice %arg6[%dma_start3A_917, %dma_start3A_928, %dma_start3A_929] : memref<8x128x64xf32, #tpu.memory_space<vmem>> -> memref<1x128x64xf32, #tpu.memory_space<vmem>>
      %dma_start3A_931 = tpu.memref_squeeze %dma_start3A_930 : memref<1x128x64xf32, #tpu.memory_space<vmem>> -> memref<128x64xf32, #tpu.memory_space<vmem>>
      tpu.enqueue_dma source(%dma_start3A_931 : memref<128x64xf32, #tpu.memory_space<vmem>>) target(%dma_start3A_927 : memref<128x64xf32, #tpu.memory_space<hbm>>) target_semaphore(%arg20 : memref<!tpu.dma_semaphore, #tpu.memory_space<semaphore_mem>>)
      %add3A_932 = arith.constant 2 : i32
      %add3A_933 = arith.addi %add3A_489, %add3A_932 : i32
      %sub3A_934 = arith.constant 4 : i32
      %sub3A_935 = arith.subi %add3A_933, %sub3A_934 : i32
      %jit3A_936 = arith.constant 4 : i32
      %div3A_937 = arith.divsi %sub3A_935, %jit3A_936 : i32
      %sign3A_938 = arith.constant 0 : i32
      %sign3A_939 = arith.cmpi sgt, %sub3A_935, %sign3A_938 : i32
      %sign3A_940 = arith.extui %sign3A_939 : i1 to i32
      %sign3A_941 = arith.constant 0 : i32
      %sign3A_942 = arith.cmpi slt, %sub3A_935, %sign3A_941 : i32
      %sign3A_943 = arith.extui %sign3A_942 : i1 to i32
      %sign3A_944 = arith.subi %sign3A_940, %sign3A_943 : i32
      %sign3A_945 = arith.constant 0 : i32
      %sign3A_946 = arith.cmpi sgt, %jit3A_936, %sign3A_945 : i32
      %sign3A_947 = arith.extui %sign3A_946 : i1 to i32
      %sign3A_948 = arith.constant 0 : i32
      %sign3A_949 = arith.cmpi slt, %jit3A_936, %sign3A_948 : i32
      %sign3A_950 = arith.extui %sign3A_949 : i1 to i32
      %sign3A_951 = arith.subi %sign3A_947, %sign3A_950 : i32
      %ne3A_952 = arith.cmpi ne, %sign3A_944, %sign3A_951 : i32
      %rem3A_953 = arith.remsi %sub3A_935, %jit3A_936 : i32
      %ne3A_954 = arith.constant 0 : i32
      %ne3A_955 = arith.cmpi ne, %rem3A_953, %ne3A_954 : i32
      %and3A_956 = arith.andi %ne3A_952, %ne3A_955 : i1
      %sub3A_957 = arith.constant 1 : i32
      %sub3A_958 = arith.subi %div3A_937, %sub3A_957 : i32
      %select_n3A_959 = arith.select %and3A_956, %sub3A_958, %div3A_937 : i32
      %jit3A_960 = arith.constant 4 : i32
      %eq3A_961 = arith.constant 0 : i32
      %eq3A_962 = arith.cmpi eq, %jit3A_960, %eq3A_961 : i32
      %jit3A_963 = arith.constant 1 : i32
      %select_n3A_964 = arith.select %eq3A_962, %jit3A_963, %jit3A_960 : i32
      %rem3A_965 = arith.remsi %sub3A_935, %select_n3A_964 : i32
      %ne3A_966 = arith.constant 0 : i32
      %ne3A_967 = arith.cmpi ne, %rem3A_965, %ne3A_966 : i32
      %lt3A_968 = arith.constant 0 : i32
      %lt3A_969 = arith.cmpi slt, %rem3A_965, %lt3A_968 : i32
      %lt3A_970 = arith.constant 0 : i32
      %lt3A_971 = arith.cmpi slt, %select_n3A_964, %lt3A_970 : i32
      %ne3A_972 = arith.xori %lt3A_969, %lt3A_971 : i1
      %and3A_973 = arith.andi %ne3A_972, %ne3A_967 : i1
      %add3A_974 = arith.addi %rem3A_965, %select_n3A_964 : i32
      %select_n3A_975 = arith.select %and3A_973, %add3A_974, %rem3A_965 : i32
      %mul3A_976 = arith.constant 128 : i32
      %mul3A_977 = arith.muli %select_n3A_975, %mul3A_976 : i32
      %add3A_978 = arith.addi %mul3A_2, %mul3A_977 : i32
      %dma_wait3A_979 = arith.constant 2 : i32
      %dma_wait3A_980 = arith.constant 0 : i32
      %dma_wait3A_981 = arith.constant 0 : i32
      %dma_wait3A_982 = tpu.memref_slice %arg6[%dma_wait3A_979, %dma_wait3A_980, %dma_wait3A_981] : memref<8x128x64xf32, #tpu.memory_space<vmem>> -> memref<1x128x64xf32, #tpu.memory_space<vmem>>
      %dma_wait3A_983 = tpu.memref_squeeze %dma_wait3A_982 : memref<1x128x64xf32, #tpu.memory_space<vmem>> -> memref<128x64xf32, #tpu.memory_space<vmem>>
      %dma_wait3A_984 = arith.constant 0 : i32
      %dma_wait3A_985 = tpu.memref_slice %arg4[%select_n3A_959, %add3A_978, %dma_wait3A_984] : memref<50x16384x64xf32, #tpu.memory_space<hbm>> -> memref<1x128x64xf32, #tpu.memory_space<hbm>>
      %dma_wait3A_986 = tpu.memref_squeeze %dma_wait3A_985 : memref<1x128x64xf32, #tpu.memory_space<hbm>> -> memref<128x64xf32, #tpu.memory_space<hbm>>
      %dma_wait3A_987 = arith.constant 0 : i32
      %dma_wait3A_988 = tpu.memref_slice %arg4[%select_n3A_959, %add3A_978, %dma_wait3A_987] : memref<50x16384x64xf32, #tpu.memory_space<hbm>> -> memref<1x128x64xf32, #tpu.memory_space<hbm>>
      %dma_wait3A_989 = tpu.memref_squeeze %dma_wait3A_988 : memref<1x128x64xf32, #tpu.memory_space<hbm>> -> memref<128x64xf32, #tpu.memory_space<hbm>>
      %dma_wait3A_990 = arith.constant 0 : i32
      %dma_wait3A_991 = arith.constant 0 : i32
      %dma_wait3A_992 = tpu.memref_slice %arg6[%dma_wait3A_979, %dma_wait3A_990, %dma_wait3A_991] : memref<8x128x64xf32, #tpu.memory_space<vmem>> -> memref<1x128x64xf32, #tpu.memory_space<vmem>>
      %dma_wait3A_993 = tpu.memref_squeeze %dma_wait3A_992 : memref<1x128x64xf32, #tpu.memory_space<vmem>> -> memref<128x64xf32, #tpu.memory_space<vmem>>
      tpu.wait_dma2 semaphore(%arg17 : memref<!tpu.dma_semaphore, #tpu.memory_space<semaphore_mem>>) src(%dma_wait3A_993 : memref<128x64xf32, #tpu.memory_space<vmem>>) dst(%dma_wait3A_989 : memref<128x64xf32, #tpu.memory_space<hbm>>)
      %add3A_994 = arith.constant 4 : i32
      %add3A_995 = arith.addi %add3A_933, %add3A_994 : i32
      %jit3A_996 = arith.constant 4 : i32
      %div3A_997 = arith.divsi %add3A_995, %jit3A_996 : i32
      %sign3A_998 = arith.constant 0 : i32
      %sign3A_999 = arith.cmpi sgt, %add3A_995, %sign3A_998 : i32
      %sign3A_1000 = arith.extui %sign3A_999 : i1 to i32
      %sign3A_1001 = arith.constant 0 : i32
      %sign3A_1002 = arith.cmpi slt, %add3A_995, %sign3A_1001 : i32
      %sign3A_1003 = arith.extui %sign3A_1002 : i1 to i32
      %sign3A_1004 = arith.subi %sign3A_1000, %sign3A_1003 : i32
      %sign3A_1005 = arith.constant 0 : i32
      %sign3A_1006 = arith.cmpi sgt, %jit3A_996, %sign3A_1005 : i32
      %sign3A_1007 = arith.extui %sign3A_1006 : i1 to i32
      %sign3A_1008 = arith.constant 0 : i32
      %sign3A_1009 = arith.cmpi slt, %jit3A_996, %sign3A_1008 : i32
      %sign3A_1010 = arith.extui %sign3A_1009 : i1 to i32
      %sign3A_1011 = arith.subi %sign3A_1007, %sign3A_1010 : i32
      %ne3A_1012 = arith.cmpi ne, %sign3A_1004, %sign3A_1011 : i32
      %rem3A_1013 = arith.remsi %add3A_995, %jit3A_996 : i32
      %ne3A_1014 = arith.constant 0 : i32
      %ne3A_1015 = arith.cmpi ne, %rem3A_1013, %ne3A_1014 : i32
      %and3A_1016 = arith.andi %ne3A_1012, %ne3A_1015 : i1
      %sub3A_1017 = arith.constant 1 : i32
      %sub3A_1018 = arith.subi %div3A_997, %sub3A_1017 : i32
      %select_n3A_1019 = arith.select %and3A_1016, %sub3A_1018, %div3A_997 : i32
      %jit3A_1020 = arith.constant 4 : i32
      %eq3A_1021 = arith.constant 0 : i32
      %eq3A_1022 = arith.cmpi eq, %jit3A_1020, %eq3A_1021 : i32
      %jit3A_1023 = arith.constant 1 : i32
      %select_n3A_1024 = arith.select %eq3A_1022, %jit3A_1023, %jit3A_1020 : i32
      %rem3A_1025 = arith.remsi %add3A_995, %select_n3A_1024 : i32
      %ne3A_1026 = arith.constant 0 : i32
      %ne3A_1027 = arith.cmpi ne, %rem3A_1025, %ne3A_1026 : i32
      %lt3A_1028 = arith.constant 0 : i32
      %lt3A_1029 = arith.cmpi slt, %rem3A_1025, %lt3A_1028 : i32
      %lt3A_1030 = arith.constant 0 : i32
      %lt3A_1031 = arith.cmpi slt, %select_n3A_1024, %lt3A_1030 : i32
      %ne3A_1032 = arith.xori %lt3A_1029, %lt3A_1031 : i1
      %and3A_1033 = arith.andi %ne3A_1032, %ne3A_1027 : i1
      %add3A_1034 = arith.addi %rem3A_1025, %select_n3A_1024 : i32
      %select_n3A_1035 = arith.select %and3A_1033, %add3A_1034, %rem3A_1025 : i32
      %mul3A_1036 = arith.constant 128 : i32
      %mul3A_1037 = arith.muli %select_n3A_1035, %mul3A_1036 : i32
      %dma_start3A_1038 = arith.constant 2 : i32
      %dma_start3A_1039 = arith.constant 0 : i32
      %dma_start3A_1040 = arith.constant 0 : i32
      %dma_start3A_1041 = tpu.memref_slice %arg6[%dma_start3A_1038, %dma_start3A_1039, %dma_start3A_1040] : memref<8x128x64xf32, #tpu.memory_space<vmem>> -> memref<1x128x64xf32, #tpu.memory_space<vmem>>
      %dma_start3A_1042 = tpu.memref_squeeze %dma_start3A_1041 : memref<1x128x64xf32, #tpu.memory_space<vmem>> -> memref<128x64xf32, #tpu.memory_space<vmem>>
      %dma_start3A_1043 = tpu.memref_slice %arg5[%select_n3A_1019, %mul3A_1037] : memref<50x512xi32, #tpu.memory_space<vmem>> -> memref<1x128xi32, #tpu.memory_space<vmem>>
      %dma_start3A_1044 = tpu.memref_squeeze %dma_start3A_1043 : memref<1x128xi32, #tpu.memory_space<vmem>> -> memref<128xi32, #tpu.memory_space<vmem>>
      %dma_start3A_1045 = arith.constant 0 : i32
      %dma_start3A_1046 = arith.constant 0 : i32
      %dma_start3A_1047 = tpu.memref_slice %arg3[%dma_start3A_1045, %dma_start3A_1046] : memref<1000000x64xf32, #tpu.memory_space<hbm>> -> memref<1000000x64xf32, #tpu.memory_space<hbm>>
      tpu.enqueue_indirect_dma source(%dma_start3A_1047 : memref<1000000x64xf32, #tpu.memory_space<hbm>>) target(%dma_start3A_1042 : memref<128x64xf32, #tpu.memory_space<vmem>>) offsets(%dma_start3A_1044 : memref<128xi32, #tpu.memory_space<vmem>>) semaphore(%arg9 : memref<!tpu.dma_semaphore, #tpu.memory_space<semaphore_mem>>)
      %jit3A_1048 = arith.constant 4 : i32
      %div3A_1049 = arith.divsi %add3A_933, %jit3A_1048 : i32
      %sign3A_1050 = arith.constant 0 : i32
      %sign3A_1051 = arith.cmpi sgt, %add3A_933, %sign3A_1050 : i32
      %sign3A_1052 = arith.extui %sign3A_1051 : i1 to i32
      %sign3A_1053 = arith.constant 0 : i32
      %sign3A_1054 = arith.cmpi slt, %add3A_933, %sign3A_1053 : i32
      %sign3A_1055 = arith.extui %sign3A_1054 : i1 to i32
      %sign3A_1056 = arith.subi %sign3A_1052, %sign3A_1055 : i32
      %sign3A_1057 = arith.constant 0 : i32
      %sign3A_1058 = arith.cmpi sgt, %jit3A_1048, %sign3A_1057 : i32
      %sign3A_1059 = arith.extui %sign3A_1058 : i1 to i32
      %sign3A_1060 = arith.constant 0 : i32
      %sign3A_1061 = arith.cmpi slt, %jit3A_1048, %sign3A_1060 : i32
      %sign3A_1062 = arith.extui %sign3A_1061 : i1 to i32
      %sign3A_1063 = arith.subi %sign3A_1059, %sign3A_1062 : i32
      %ne3A_1064 = arith.cmpi ne, %sign3A_1056, %sign3A_1063 : i32
      %rem3A_1065 = arith.remsi %add3A_933, %jit3A_1048 : i32
      %ne3A_1066 = arith.constant 0 : i32
      %ne3A_1067 = arith.cmpi ne, %rem3A_1065, %ne3A_1066 : i32
      %and3A_1068 = arith.andi %ne3A_1064, %ne3A_1067 : i1
      %sub3A_1069 = arith.constant 1 : i32
      %sub3A_1070 = arith.subi %div3A_1049, %sub3A_1069 : i32
      %select_n3A_1071 = arith.select %and3A_1068, %sub3A_1070, %div3A_1049 : i32
      %jit3A_1072 = arith.constant 4 : i32
      %eq3A_1073 = arith.constant 0 : i32
      %eq3A_1074 = arith.cmpi eq, %jit3A_1072, %eq3A_1073 : i32
      %jit3A_1075 = arith.constant 1 : i32
      %select_n3A_1076 = arith.select %eq3A_1074, %jit3A_1075, %jit3A_1072 : i32
      %rem3A_1077 = arith.remsi %add3A_933, %select_n3A_1076 : i32
      %ne3A_1078 = arith.constant 0 : i32
      %ne3A_1079 = arith.cmpi ne, %rem3A_1077, %ne3A_1078 : i32
      %lt3A_1080 = arith.constant 0 : i32
      %lt3A_1081 = arith.cmpi slt, %rem3A_1077, %lt3A_1080 : i32
      %lt3A_1082 = arith.constant 0 : i32
      %lt3A_1083 = arith.cmpi slt, %select_n3A_1076, %lt3A_1082 : i32
      %ne3A_1084 = arith.xori %lt3A_1081, %lt3A_1083 : i1
      %and3A_1085 = arith.andi %ne3A_1084, %ne3A_1079 : i1
      %add3A_1086 = arith.addi %rem3A_1077, %select_n3A_1076 : i32
      %select_n3A_1087 = arith.select %and3A_1085, %add3A_1086, %rem3A_1077 : i32
      %mul3A_1088 = arith.constant 128 : i32
      %mul3A_1089 = arith.muli %select_n3A_1087, %mul3A_1088 : i32
      %dma_wait3A_1090 = arith.constant 6 : i32
      %dma_wait3A_1091 = arith.constant 0 : i32
      %dma_wait3A_1092 = arith.constant 0 : i32
      %dma_wait3A_1093 = tpu.memref_slice %arg6[%dma_wait3A_1090, %dma_wait3A_1091, %dma_wait3A_1092] : memref<8x128x64xf32, #tpu.memory_space<vmem>> -> memref<1x128x64xf32, #tpu.memory_space<vmem>>
      %dma_wait3A_1094 = tpu.memref_squeeze %dma_wait3A_1093 : memref<1x128x64xf32, #tpu.memory_space<vmem>> -> memref<128x64xf32, #tpu.memory_space<vmem>>
      %dma_wait3A_1095 = tpu.memref_slice %arg5[%select_n3A_1071, %mul3A_1089] : memref<50x512xi32, #tpu.memory_space<vmem>> -> memref<1x128xi32, #tpu.memory_space<vmem>>
      %dma_wait3A_1096 = tpu.memref_squeeze %dma_wait3A_1095 : memref<1x128xi32, #tpu.memory_space<vmem>> -> memref<128xi32, #tpu.memory_space<vmem>>
      %dma_wait3A_1097 = arith.constant 0 : i32
      %dma_wait3A_1098 = arith.constant 0 : i32
      %dma_wait3A_1099 = tpu.memref_slice %arg3[%dma_wait3A_1097, %dma_wait3A_1098] : memref<1000000x64xf32, #tpu.memory_space<hbm>> -> memref<1000000x64xf32, #tpu.memory_space<hbm>>
      tpu.wait_indirect_dma semaphore(%arg13 : memref<!tpu.dma_semaphore, #tpu.memory_space<semaphore_mem>>) src(%dma_wait3A_1099 : memref<1000000x64xf32, #tpu.memory_space<hbm>>) dst(%dma_wait3A_1094 : memref<128x64xf32, #tpu.memory_space<vmem>>)
      %jit3A_1100 = arith.constant 4 : i32
      %div3A_1101 = arith.divsi %add3A_933, %jit3A_1100 : i32
      %sign3A_1102 = arith.constant 0 : i32
      %sign3A_1103 = arith.cmpi sgt, %add3A_933, %sign3A_1102 : i32
      %sign3A_1104 = arith.extui %sign3A_1103 : i1 to i32
      %sign3A_1105 = arith.constant 0 : i32
      %sign3A_1106 = arith.cmpi slt, %add3A_933, %sign3A_1105 : i32
      %sign3A_1107 = arith.extui %sign3A_1106 : i1 to i32
      %sign3A_1108 = arith.subi %sign3A_1104, %sign3A_1107 : i32
      %sign3A_1109 = arith.constant 0 : i32
      %sign3A_1110 = arith.cmpi sgt, %jit3A_1100, %sign3A_1109 : i32
      %sign3A_1111 = arith.extui %sign3A_1110 : i1 to i32
      %sign3A_1112 = arith.constant 0 : i32
      %sign3A_1113 = arith.cmpi slt, %jit3A_1100, %sign3A_1112 : i32
      %sign3A_1114 = arith.extui %sign3A_1113 : i1 to i32
      %sign3A_1115 = arith.subi %sign3A_1111, %sign3A_1114 : i32
      %ne3A_1116 = arith.cmpi ne, %sign3A_1108, %sign3A_1115 : i32
      %rem3A_1117 = arith.remsi %add3A_933, %jit3A_1100 : i32
      %ne3A_1118 = arith.constant 0 : i32
      %ne3A_1119 = arith.cmpi ne, %rem3A_1117, %ne3A_1118 : i32
      %and3A_1120 = arith.andi %ne3A_1116, %ne3A_1119 : i1
      %sub3A_1121 = arith.constant 1 : i32
      %sub3A_1122 = arith.subi %div3A_1101, %sub3A_1121 : i32
      %select_n3A_1123 = arith.select %and3A_1120, %sub3A_1122, %div3A_1101 : i32
      %jit3A_1124 = arith.constant 4 : i32
      %eq3A_1125 = arith.constant 0 : i32
      %eq3A_1126 = arith.cmpi eq, %jit3A_1124, %eq3A_1125 : i32
      %jit3A_1127 = arith.constant 1 : i32
      %select_n3A_1128 = arith.select %eq3A_1126, %jit3A_1127, %jit3A_1124 : i32
      %rem3A_1129 = arith.remsi %add3A_933, %select_n3A_1128 : i32
      %ne3A_1130 = arith.constant 0 : i32
      %ne3A_1131 = arith.cmpi ne, %rem3A_1129, %ne3A_1130 : i32
      %lt3A_1132 = arith.constant 0 : i32
      %lt3A_1133 = arith.cmpi slt, %rem3A_1129, %lt3A_1132 : i32
      %lt3A_1134 = arith.constant 0 : i32
      %lt3A_1135 = arith.cmpi slt, %select_n3A_1128, %lt3A_1134 : i32
      %ne3A_1136 = arith.xori %lt3A_1133, %lt3A_1135 : i1
      %and3A_1137 = arith.andi %ne3A_1136, %ne3A_1131 : i1
      %add3A_1138 = arith.addi %rem3A_1129, %select_n3A_1128 : i32
      %select_n3A_1139 = arith.select %and3A_1137, %add3A_1138, %rem3A_1129 : i32
      %mul3A_1140 = arith.constant 128 : i32
      %mul3A_1141 = arith.muli %select_n3A_1139, %mul3A_1140 : i32
      %add3A_1142 = arith.addi %mul3A_2, %mul3A_1141 : i32
      %dma_start3A_1143 = arith.constant 6 : i32
      %dma_start3A_1144 = arith.constant 0 : i32
      %dma_start3A_1145 = arith.constant 0 : i32
      %dma_start3A_1146 = tpu.memref_slice %arg6[%dma_start3A_1143, %dma_start3A_1144, %dma_start3A_1145] : memref<8x128x64xf32, #tpu.memory_space<vmem>> -> memref<1x128x64xf32, #tpu.memory_space<vmem>>
      %dma_start3A_1147 = tpu.memref_squeeze %dma_start3A_1146 : memref<1x128x64xf32, #tpu.memory_space<vmem>> -> memref<128x64xf32, #tpu.memory_space<vmem>>
      %dma_start3A_1148 = arith.constant 0 : i32
      %dma_start3A_1149 = tpu.memref_slice %arg4[%select_n3A_1123, %add3A_1142, %dma_start3A_1148] : memref<50x16384x64xf32, #tpu.memory_space<hbm>> -> memref<1x128x64xf32, #tpu.memory_space<hbm>>
      %dma_start3A_1150 = tpu.memref_squeeze %dma_start3A_1149 : memref<1x128x64xf32, #tpu.memory_space<hbm>> -> memref<128x64xf32, #tpu.memory_space<hbm>>
      %dma_start3A_1151 = arith.constant 0 : i32
      %dma_start3A_1152 = tpu.memref_slice %arg4[%select_n3A_1123, %add3A_1142, %dma_start3A_1151] : memref<50x16384x64xf32, #tpu.memory_space<hbm>> -> memref<1x128x64xf32, #tpu.memory_space<hbm>>
      %dma_start3A_1153 = tpu.memref_squeeze %dma_start3A_1152 : memref<1x128x64xf32, #tpu.memory_space<hbm>> -> memref<128x64xf32, #tpu.memory_space<hbm>>
      %dma_start3A_1154 = arith.constant 0 : i32
      %dma_start3A_1155 = arith.constant 0 : i32
      %dma_start3A_1156 = tpu.memref_slice %arg6[%dma_start3A_1143, %dma_start3A_1154, %dma_start3A_1155] : memref<8x128x64xf32, #tpu.memory_space<vmem>> -> memref<1x128x64xf32, #tpu.memory_space<vmem>>
      %dma_start3A_1157 = tpu.memref_squeeze %dma_start3A_1156 : memref<1x128x64xf32, #tpu.memory_space<vmem>> -> memref<128x64xf32, #tpu.memory_space<vmem>>
      tpu.enqueue_dma source(%dma_start3A_1157 : memref<128x64xf32, #tpu.memory_space<vmem>>) target(%dma_start3A_1153 : memref<128x64xf32, #tpu.memory_space<hbm>>) target_semaphore(%arg21 : memref<!tpu.dma_semaphore, #tpu.memory_space<semaphore_mem>>)
      %add3A_1158 = arith.constant 3 : i32
      %add3A_1159 = arith.addi %add3A_489, %add3A_1158 : i32
      %sub3A_1160 = arith.constant 4 : i32
      %sub3A_1161 = arith.subi %add3A_1159, %sub3A_1160 : i32
      %jit3A_1162 = arith.constant 4 : i32
      %div3A_1163 = arith.divsi %sub3A_1161, %jit3A_1162 : i32
      %sign3A_1164 = arith.constant 0 : i32
      %sign3A_1165 = arith.cmpi sgt, %sub3A_1161, %sign3A_1164 : i32
      %sign3A_1166 = arith.extui %sign3A_1165 : i1 to i32
      %sign3A_1167 = arith.constant 0 : i32
      %sign3A_1168 = arith.cmpi slt, %sub3A_1161, %sign3A_1167 : i32
      %sign3A_1169 = arith.extui %sign3A_1168 : i1 to i32
      %sign3A_1170 = arith.subi %sign3A_1166, %sign3A_1169 : i32
      %sign3A_1171 = arith.constant 0 : i32
      %sign3A_1172 = arith.cmpi sgt, %jit3A_1162, %sign3A_1171 : i32
      %sign3A_1173 = arith.extui %sign3A_1172 : i1 to i32
      %sign3A_1174 = arith.constant 0 : i32
      %sign3A_1175 = arith.cmpi slt, %jit3A_1162, %sign3A_1174 : i32
      %sign3A_1176 = arith.extui %sign3A_1175 : i1 to i32
      %sign3A_1177 = arith.subi %sign3A_1173, %sign3A_1176 : i32
      %ne3A_1178 = arith.cmpi ne, %sign3A_1170, %sign3A_1177 : i32
      %rem3A_1179 = arith.remsi %sub3A_1161, %jit3A_1162 : i32
      %ne3A_1180 = arith.constant 0 : i32
      %ne3A_1181 = arith.cmpi ne, %rem3A_1179, %ne3A_1180 : i32
      %and3A_1182 = arith.andi %ne3A_1178, %ne3A_1181 : i1
      %sub3A_1183 = arith.constant 1 : i32
      %sub3A_1184 = arith.subi %div3A_1163, %sub3A_1183 : i32
      %select_n3A_1185 = arith.select %and3A_1182, %sub3A_1184, %div3A_1163 : i32
      %jit3A_1186 = arith.constant 4 : i32
      %eq3A_1187 = arith.constant 0 : i32
      %eq3A_1188 = arith.cmpi eq, %jit3A_1186, %eq3A_1187 : i32
      %jit3A_1189 = arith.constant 1 : i32
      %select_n3A_1190 = arith.select %eq3A_1188, %jit3A_1189, %jit3A_1186 : i32
      %rem3A_1191 = arith.remsi %sub3A_1161, %select_n3A_1190 : i32
      %ne3A_1192 = arith.constant 0 : i32
      %ne3A_1193 = arith.cmpi ne, %rem3A_1191, %ne3A_1192 : i32
      %lt3A_1194 = arith.constant 0 : i32
      %lt3A_1195 = arith.cmpi slt, %rem3A_1191, %lt3A_1194 : i32
      %lt3A_1196 = arith.constant 0 : i32
      %lt3A_1197 = arith.cmpi slt, %select_n3A_1190, %lt3A_1196 : i32
      %ne3A_1198 = arith.xori %lt3A_1195, %lt3A_1197 : i1
      %and3A_1199 = arith.andi %ne3A_1198, %ne3A_1193 : i1
      %add3A_1200 = arith.addi %rem3A_1191, %select_n3A_1190 : i32
      %select_n3A_1201 = arith.select %and3A_1199, %add3A_1200, %rem3A_1191 : i32
      %mul3A_1202 = arith.constant 128 : i32
      %mul3A_1203 = arith.muli %select_n3A_1201, %mul3A_1202 : i32
      %add3A_1204 = arith.addi %mul3A_2, %mul3A_1203 : i32
      %dma_wait3A_1205 = arith.constant 3 : i32
      %dma_wait3A_1206 = arith.constant 0 : i32
      %dma_wait3A_1207 = arith.constant 0 : i32
      %dma_wait3A_1208 = tpu.memref_slice %arg6[%dma_wait3A_1205, %dma_wait3A_1206, %dma_wait3A_1207] : memref<8x128x64xf32, #tpu.memory_space<vmem>> -> memref<1x128x64xf32, #tpu.memory_space<vmem>>
      %dma_wait3A_1209 = tpu.memref_squeeze %dma_wait3A_1208 : memref<1x128x64xf32, #tpu.memory_space<vmem>> -> memref<128x64xf32, #tpu.memory_space<vmem>>
      %dma_wait3A_1210 = arith.constant 0 : i32
      %dma_wait3A_1211 = tpu.memref_slice %arg4[%select_n3A_1185, %add3A_1204, %dma_wait3A_1210] : memref<50x16384x64xf32, #tpu.memory_space<hbm>> -> memref<1x128x64xf32, #tpu.memory_space<hbm>>
      %dma_wait3A_1212 = tpu.memref_squeeze %dma_wait3A_1211 : memref<1x128x64xf32, #tpu.memory_space<hbm>> -> memref<128x64xf32, #tpu.memory_space<hbm>>
      %dma_wait3A_1213 = arith.constant 0 : i32
      %dma_wait3A_1214 = tpu.memref_slice %arg4[%select_n3A_1185, %add3A_1204, %dma_wait3A_1213] : memref<50x16384x64xf32, #tpu.memory_space<hbm>> -> memref<1x128x64xf32, #tpu.memory_space<hbm>>
      %dma_wait3A_1215 = tpu.memref_squeeze %dma_wait3A_1214 : memref<1x128x64xf32, #tpu.memory_space<hbm>> -> memref<128x64xf32, #tpu.memory_space<hbm>>
      %dma_wait3A_1216 = arith.constant 0 : i32
      %dma_wait3A_1217 = arith.constant 0 : i32
      %dma_wait3A_1218 = tpu.memref_slice %arg6[%dma_wait3A_1205, %dma_wait3A_1216, %dma_wait3A_1217] : memref<8x128x64xf32, #tpu.memory_space<vmem>> -> memref<1x128x64xf32, #tpu.memory_space<vmem>>
      %dma_wait3A_1219 = tpu.memref_squeeze %dma_wait3A_1218 : memref<1x128x64xf32, #tpu.memory_space<vmem>> -> memref<128x64xf32, #tpu.memory_space<vmem>>
      tpu.wait_dma2 semaphore(%arg18 : memref<!tpu.dma_semaphore, #tpu.memory_space<semaphore_mem>>) src(%dma_wait3A_1219 : memref<128x64xf32, #tpu.memory_space<vmem>>) dst(%dma_wait3A_1215 : memref<128x64xf32, #tpu.memory_space<hbm>>)
      %add3A_1220 = arith.constant 4 : i32
      %add3A_1221 = arith.addi %add3A_1159, %add3A_1220 : i32
      %jit3A_1222 = arith.constant 4 : i32
      %div3A_1223 = arith.divsi %add3A_1221, %jit3A_1222 : i32
      %sign3A_1224 = arith.constant 0 : i32
      %sign3A_1225 = arith.cmpi sgt, %add3A_1221, %sign3A_1224 : i32
      %sign3A_1226 = arith.extui %sign3A_1225 : i1 to i32
      %sign3A_1227 = arith.constant 0 : i32
      %sign3A_1228 = arith.cmpi slt, %add3A_1221, %sign3A_1227 : i32
      %sign3A_1229 = arith.extui %sign3A_1228 : i1 to i32
      %sign3A_1230 = arith.subi %sign3A_1226, %sign3A_1229 : i32
      %sign3A_1231 = arith.constant 0 : i32
      %sign3A_1232 = arith.cmpi sgt, %jit3A_1222, %sign3A_1231 : i32
      %sign3A_1233 = arith.extui %sign3A_1232 : i1 to i32
      %sign3A_1234 = arith.constant 0 : i32
      %sign3A_1235 = arith.cmpi slt, %jit3A_1222, %sign3A_1234 : i32
      %sign3A_1236 = arith.extui %sign3A_1235 : i1 to i32
      %sign3A_1237 = arith.subi %sign3A_1233, %sign3A_1236 : i32
      %ne3A_1238 = arith.cmpi ne, %sign3A_1230, %sign3A_1237 : i32
      %rem3A_1239 = arith.remsi %add3A_1221, %jit3A_1222 : i32
      %ne3A_1240 = arith.constant 0 : i32
      %ne3A_1241 = arith.cmpi ne, %rem3A_1239, %ne3A_1240 : i32
      %and3A_1242 = arith.andi %ne3A_1238, %ne3A_1241 : i1
      %sub3A_1243 = arith.constant 1 : i32
      %sub3A_1244 = arith.subi %div3A_1223, %sub3A_1243 : i32
      %select_n3A_1245 = arith.select %and3A_1242, %sub3A_1244, %div3A_1223 : i32
      %jit3A_1246 = arith.constant 4 : i32
      %eq3A_1247 = arith.constant 0 : i32
      %eq3A_1248 = arith.cmpi eq, %jit3A_1246, %eq3A_1247 : i32
      %jit3A_1249 = arith.constant 1 : i32
      %select_n3A_1250 = arith.select %eq3A_1248, %jit3A_1249, %jit3A_1246 : i32
      %rem3A_1251 = arith.remsi %add3A_1221, %select_n3A_1250 : i32
      %ne3A_1252 = arith.constant 0 : i32
      %ne3A_1253 = arith.cmpi ne, %rem3A_1251, %ne3A_1252 : i32
      %lt3A_1254 = arith.constant 0 : i32
      %lt3A_1255 = arith.cmpi slt, %rem3A_1251, %lt3A_1254 : i32
      %lt3A_1256 = arith.constant 0 : i32
      %lt3A_1257 = arith.cmpi slt, %select_n3A_1250, %lt3A_1256 : i32
      %ne3A_1258 = arith.xori %lt3A_1255, %lt3A_1257 : i1
      %and3A_1259 = arith.andi %ne3A_1258, %ne3A_1253 : i1
      %add3A_1260 = arith.addi %rem3A_1251, %select_n3A_1250 : i32
      %select_n3A_1261 = arith.select %and3A_1259, %add3A_1260, %rem3A_1251 : i32
      %mul3A_1262 = arith.constant 128 : i32
      %mul3A_1263 = arith.muli %select_n3A_1261, %mul3A_1262 : i32
      %dma_start3A_1264 = arith.constant 3 : i32
      %dma_start3A_1265 = arith.constant 0 : i32
      %dma_start3A_1266 = arith.constant 0 : i32
      %dma_start3A_1267 = tpu.memref_slice %arg6[%dma_start3A_1264, %dma_start3A_1265, %dma_start3A_1266] : memref<8x128x64xf32, #tpu.memory_space<vmem>> -> memref<1x128x64xf32, #tpu.memory_space<vmem>>
      %dma_start3A_1268 = tpu.memref_squeeze %dma_start3A_1267 : memref<1x128x64xf32, #tpu.memory_space<vmem>> -> memref<128x64xf32, #tpu.memory_space<vmem>>
      %dma_start3A_1269 = tpu.memref_slice %arg5[%select_n3A_1245, %mul3A_1263] : memref<50x512xi32, #tpu.memory_space<vmem>> -> memref<1x128xi32, #tpu.memory_space<vmem>>
      %dma_start3A_1270 = tpu.memref_squeeze %dma_start3A_1269 : memref<1x128xi32, #tpu.memory_space<vmem>> -> memref<128xi32, #tpu.memory_space<vmem>>
      %dma_start3A_1271 = arith.constant 0 : i32
      %dma_start3A_1272 = arith.constant 0 : i32
      %dma_start3A_1273 = tpu.memref_slice %arg3[%dma_start3A_1271, %dma_start3A_1272] : memref<1000000x64xf32, #tpu.memory_space<hbm>> -> memref<1000000x64xf32, #tpu.memory_space<hbm>>
      tpu.enqueue_indirect_dma source(%dma_start3A_1273 : memref<1000000x64xf32, #tpu.memory_space<hbm>>) target(%dma_start3A_1268 : memref<128x64xf32, #tpu.memory_space<vmem>>) offsets(%dma_start3A_1270 : memref<128xi32, #tpu.memory_space<vmem>>) semaphore(%arg10 : memref<!tpu.dma_semaphore, #tpu.memory_space<semaphore_mem>>)
      %jit3A_1274 = arith.constant 4 : i32
      %div3A_1275 = arith.divsi %add3A_1159, %jit3A_1274 : i32
      %sign3A_1276 = arith.constant 0 : i32
      %sign3A_1277 = arith.cmpi sgt, %add3A_1159, %sign3A_1276 : i32
      %sign3A_1278 = arith.extui %sign3A_1277 : i1 to i32
      %sign3A_1279 = arith.constant 0 : i32
      %sign3A_1280 = arith.cmpi slt, %add3A_1159, %sign3A_1279 : i32
      %sign3A_1281 = arith.extui %sign3A_1280 : i1 to i32
      %sign3A_1282 = arith.subi %sign3A_1278, %sign3A_1281 : i32
      %sign3A_1283 = arith.constant 0 : i32
      %sign3A_1284 = arith.cmpi sgt, %jit3A_1274, %sign3A_1283 : i32
      %sign3A_1285 = arith.extui %sign3A_1284 : i1 to i32
      %sign3A_1286 = arith.constant 0 : i32
      %sign3A_1287 = arith.cmpi slt, %jit3A_1274, %sign3A_1286 : i32
      %sign3A_1288 = arith.extui %sign3A_1287 : i1 to i32
      %sign3A_1289 = arith.subi %sign3A_1285, %sign3A_1288 : i32
      %ne3A_1290 = arith.cmpi ne, %sign3A_1282, %sign3A_1289 : i32
      %rem3A_1291 = arith.remsi %add3A_1159, %jit3A_1274 : i32
      %ne3A_1292 = arith.constant 0 : i32
      %ne3A_1293 = arith.cmpi ne, %rem3A_1291, %ne3A_1292 : i32
      %and3A_1294 = arith.andi %ne3A_1290, %ne3A_1293 : i1
      %sub3A_1295 = arith.constant 1 : i32
      %sub3A_1296 = arith.subi %div3A_1275, %sub3A_1295 : i32
      %select_n3A_1297 = arith.select %and3A_1294, %sub3A_1296, %div3A_1275 : i32
      %jit3A_1298 = arith.constant 4 : i32
      %eq3A_1299 = arith.constant 0 : i32
      %eq3A_1300 = arith.cmpi eq, %jit3A_1298, %eq3A_1299 : i32
      %jit3A_1301 = arith.constant 1 : i32
      %select_n3A_1302 = arith.select %eq3A_1300, %jit3A_1301, %jit3A_1298 : i32
      %rem3A_1303 = arith.remsi %add3A_1159, %select_n3A_1302 : i32
      %ne3A_1304 = arith.constant 0 : i32
      %ne3A_1305 = arith.cmpi ne, %rem3A_1303, %ne3A_1304 : i32
      %lt3A_1306 = arith.constant 0 : i32
      %lt3A_1307 = arith.cmpi slt, %rem3A_1303, %lt3A_1306 : i32
      %lt3A_1308 = arith.constant 0 : i32
      %lt3A_1309 = arith.cmpi slt, %select_n3A_1302, %lt3A_1308 : i32
      %ne3A_1310 = arith.xori %lt3A_1307, %lt3A_1309 : i1
      %and3A_1311 = arith.andi %ne3A_1310, %ne3A_1305 : i1
      %add3A_1312 = arith.addi %rem3A_1303, %select_n3A_1302 : i32
      %select_n3A_1313 = arith.select %and3A_1311, %add3A_1312, %rem3A_1303 : i32
      %mul3A_1314 = arith.constant 128 : i32
      %mul3A_1315 = arith.muli %select_n3A_1313, %mul3A_1314 : i32
      %dma_wait3A_1316 = arith.constant 7 : i32
      %dma_wait3A_1317 = arith.constant 0 : i32
      %dma_wait3A_1318 = arith.constant 0 : i32
      %dma_wait3A_1319 = tpu.memref_slice %arg6[%dma_wait3A_1316, %dma_wait3A_1317, %dma_wait3A_1318] : memref<8x128x64xf32, #tpu.memory_space<vmem>> -> memref<1x128x64xf32, #tpu.memory_space<vmem>>
      %dma_wait3A_1320 = tpu.memref_squeeze %dma_wait3A_1319 : memref<1x128x64xf32, #tpu.memory_space<vmem>> -> memref<128x64xf32, #tpu.memory_space<vmem>>
      %dma_wait3A_1321 = tpu.memref_slice %arg5[%select_n3A_1297, %mul3A_1315] : memref<50x512xi32, #tpu.memory_space<vmem>> -> memref<1x128xi32, #tpu.memory_space<vmem>>
      %dma_wait3A_1322 = tpu.memref_squeeze %dma_wait3A_1321 : memref<1x128xi32, #tpu.memory_space<vmem>> -> memref<128xi32, #tpu.memory_space<vmem>>
      %dma_wait3A_1323 = arith.constant 0 : i32
      %dma_wait3A_1324 = arith.constant 0 : i32
      %dma_wait3A_1325 = tpu.memref_slice %arg3[%dma_wait3A_1323, %dma_wait3A_1324] : memref<1000000x64xf32, #tpu.memory_space<hbm>> -> memref<1000000x64xf32, #tpu.memory_space<hbm>>
      tpu.wait_indirect_dma semaphore(%arg14 : memref<!tpu.dma_semaphore, #tpu.memory_space<semaphore_mem>>) src(%dma_wait3A_1325 : memref<1000000x64xf32, #tpu.memory_space<hbm>>) dst(%dma_wait3A_1320 : memref<128x64xf32, #tpu.memory_space<vmem>>)
      %jit3A_1326 = arith.constant 4 : i32
      %div3A_1327 = arith.divsi %add3A_1159, %jit3A_1326 : i32
      %sign3A_1328 = arith.constant 0 : i32
      %sign3A_1329 = arith.cmpi sgt, %add3A_1159, %sign3A_1328 : i32
      %sign3A_1330 = arith.extui %sign3A_1329 : i1 to i32
      %sign3A_1331 = arith.constant 0 : i32
      %sign3A_1332 = arith.cmpi slt, %add3A_1159, %sign3A_1331 : i32
      %sign3A_1333 = arith.extui %sign3A_1332 : i1 to i32
      %sign3A_1334 = arith.subi %sign3A_1330, %sign3A_1333 : i32
      %sign3A_1335 = arith.constant 0 : i32
      %sign3A_1336 = arith.cmpi sgt, %jit3A_1326, %sign3A_1335 : i32
      %sign3A_1337 = arith.extui %sign3A_1336 : i1 to i32
      %sign3A_1338 = arith.constant 0 : i32
      %sign3A_1339 = arith.cmpi slt, %jit3A_1326, %sign3A_1338 : i32
      %sign3A_1340 = arith.extui %sign3A_1339 : i1 to i32
      %sign3A_1341 = arith.subi %sign3A_1337, %sign3A_1340 : i32
      %ne3A_1342 = arith.cmpi ne, %sign3A_1334, %sign3A_1341 : i32
      %rem3A_1343 = arith.remsi %add3A_1159, %jit3A_1326 : i32
      %ne3A_1344 = arith.constant 0 : i32
      %ne3A_1345 = arith.cmpi ne, %rem3A_1343, %ne3A_1344 : i32
      %and3A_1346 = arith.andi %ne3A_1342, %ne3A_1345 : i1
      %sub3A_1347 = arith.constant 1 : i32
      %sub3A_1348 = arith.subi %div3A_1327, %sub3A_1347 : i32
      %select_n3A_1349 = arith.select %and3A_1346, %sub3A_1348, %div3A_1327 : i32
      %jit3A_1350 = arith.constant 4 : i32
      %eq3A_1351 = arith.constant 0 : i32
      %eq3A_1352 = arith.cmpi eq, %jit3A_1350, %eq3A_1351 : i32
      %jit3A_1353 = arith.constant 1 : i32
      %select_n3A_1354 = arith.select %eq3A_1352, %jit3A_1353, %jit3A_1350 : i32
      %rem3A_1355 = arith.remsi %add3A_1159, %select_n3A_1354 : i32
      %ne3A_1356 = arith.constant 0 : i32
      %ne3A_1357 = arith.cmpi ne, %rem3A_1355, %ne3A_1356 : i32
      %lt3A_1358 = arith.constant 0 : i32
      %lt3A_1359 = arith.cmpi slt, %rem3A_1355, %lt3A_1358 : i32
      %lt3A_1360 = arith.constant 0 : i32
      %lt3A_1361 = arith.cmpi slt, %select_n3A_1354, %lt3A_1360 : i32
      %ne3A_1362 = arith.xori %lt3A_1359, %lt3A_1361 : i1
      %and3A_1363 = arith.andi %ne3A_1362, %ne3A_1357 : i1
      %add3A_1364 = arith.addi %rem3A_1355, %select_n3A_1354 : i32
      %select_n3A_1365 = arith.select %and3A_1363, %add3A_1364, %rem3A_1355 : i32
      %mul3A_1366 = arith.constant 128 : i32
      %mul3A_1367 = arith.muli %select_n3A_1365, %mul3A_1366 : i32
      %add3A_1368 = arith.addi %mul3A_2, %mul3A_1367 : i32
      %dma_start3A_1369 = arith.constant 7 : i32
      %dma_start3A_1370 = arith.constant 0 : i32
      %dma_start3A_1371 = arith.constant 0 : i32
      %dma_start3A_1372 = tpu.memref_slice %arg6[%dma_start3A_1369, %dma_start3A_1370, %dma_start3A_1371] : memref<8x128x64xf32, #tpu.memory_space<vmem>> -> memref<1x128x64xf32, #tpu.memory_space<vmem>>
      %dma_start3A_1373 = tpu.memref_squeeze %dma_start3A_1372 : memref<1x128x64xf32, #tpu.memory_space<vmem>> -> memref<128x64xf32, #tpu.memory_space<vmem>>
      %dma_start3A_1374 = arith.constant 0 : i32
      %dma_start3A_1375 = tpu.memref_slice %arg4[%select_n3A_1349, %add3A_1368, %dma_start3A_1374] : memref<50x16384x64xf32, #tpu.memory_space<hbm>> -> memref<1x128x64xf32, #tpu.memory_space<hbm>>
      %dma_start3A_1376 = tpu.memref_squeeze %dma_start3A_1375 : memref<1x128x64xf32, #tpu.memory_space<hbm>> -> memref<128x64xf32, #tpu.memory_space<hbm>>
      %dma_start3A_1377 = arith.constant 0 : i32
      %dma_start3A_1378 = tpu.memref_slice %arg4[%select_n3A_1349, %add3A_1368, %dma_start3A_1377] : memref<50x16384x64xf32, #tpu.memory_space<hbm>> -> memref<1x128x64xf32, #tpu.memory_space<hbm>>
      %dma_start3A_1379 = tpu.memref_squeeze %dma_start3A_1378 : memref<1x128x64xf32, #tpu.memory_space<hbm>> -> memref<128x64xf32, #tpu.memory_space<hbm>>
      %dma_start3A_1380 = arith.constant 0 : i32
      %dma_start3A_1381 = arith.constant 0 : i32
      %dma_start3A_1382 = tpu.memref_slice %arg6[%dma_start3A_1369, %dma_start3A_1380, %dma_start3A_1381] : memref<8x128x64xf32, #tpu.memory_space<vmem>> -> memref<1x128x64xf32, #tpu.memory_space<vmem>>
      %dma_start3A_1383 = tpu.memref_squeeze %dma_start3A_1382 : memref<1x128x64xf32, #tpu.memory_space<vmem>> -> memref<128x64xf32, #tpu.memory_space<vmem>>
      tpu.enqueue_dma source(%dma_start3A_1383 : memref<128x64xf32, #tpu.memory_space<vmem>>) target(%dma_start3A_1379 : memref<128x64xf32, #tpu.memory_space<hbm>>) target_semaphore(%arg22 : memref<!tpu.dma_semaphore, #tpu.memory_space<semaphore_mem>>)
      %add3A_1384 = arith.constant 4 : i32
      %add3A_1385 = arith.addi %add3A_489, %add3A_1384 : i32
      %sub3A_1386 = arith.constant 4 : i32
      %sub3A_1387 = arith.subi %add3A_1385, %sub3A_1386 : i32
      %jit3A_1388 = arith.constant 4 : i32
      %div3A_1389 = arith.divsi %sub3A_1387, %jit3A_1388 : i32
      %sign3A_1390 = arith.constant 0 : i32
      %sign3A_1391 = arith.cmpi sgt, %sub3A_1387, %sign3A_1390 : i32
      %sign3A_1392 = arith.extui %sign3A_1391 : i1 to i32
      %sign3A_1393 = arith.constant 0 : i32
      %sign3A_1394 = arith.cmpi slt, %sub3A_1387, %sign3A_1393 : i32
      %sign3A_1395 = arith.extui %sign3A_1394 : i1 to i32
      %sign3A_1396 = arith.subi %sign3A_1392, %sign3A_1395 : i32
      %sign3A_1397 = arith.constant 0 : i32
      %sign3A_1398 = arith.cmpi sgt, %jit3A_1388, %sign3A_1397 : i32
      %sign3A_1399 = arith.extui %sign3A_1398 : i1 to i32
      %sign3A_1400 = arith.constant 0 : i32
      %sign3A_1401 = arith.cmpi slt, %jit3A_1388, %sign3A_1400 : i32
      %sign3A_1402 = arith.extui %sign3A_1401 : i1 to i32
      %sign3A_1403 = arith.subi %sign3A_1399, %sign3A_1402 : i32
      %ne3A_1404 = arith.cmpi ne, %sign3A_1396, %sign3A_1403 : i32
      %rem3A_1405 = arith.remsi %sub3A_1387, %jit3A_1388 : i32
      %ne3A_1406 = arith.constant 0 : i32
      %ne3A_1407 = arith.cmpi ne, %rem3A_1405, %ne3A_1406 : i32
      %and3A_1408 = arith.andi %ne3A_1404, %ne3A_1407 : i1
      %sub3A_1409 = arith.constant 1 : i32
      %sub3A_1410 = arith.subi %div3A_1389, %sub3A_1409 : i32
      %select_n3A_1411 = arith.select %and3A_1408, %sub3A_1410, %div3A_1389 : i32
      %jit3A_1412 = arith.constant 4 : i32
      %eq3A_1413 = arith.constant 0 : i32
      %eq3A_1414 = arith.cmpi eq, %jit3A_1412, %eq3A_1413 : i32
      %jit3A_1415 = arith.constant 1 : i32
      %select_n3A_1416 = arith.select %eq3A_1414, %jit3A_1415, %jit3A_1412 : i32
      %rem3A_1417 = arith.remsi %sub3A_1387, %select_n3A_1416 : i32
      %ne3A_1418 = arith.constant 0 : i32
      %ne3A_1419 = arith.cmpi ne, %rem3A_1417, %ne3A_1418 : i32
      %lt3A_1420 = arith.constant 0 : i32
      %lt3A_1421 = arith.cmpi slt, %rem3A_1417, %lt3A_1420 : i32
      %lt3A_1422 = arith.constant 0 : i32
      %lt3A_1423 = arith.cmpi slt, %select_n3A_1416, %lt3A_1422 : i32
      %ne3A_1424 = arith.xori %lt3A_1421, %lt3A_1423 : i1
      %and3A_1425 = arith.andi %ne3A_1424, %ne3A_1419 : i1
      %add3A_1426 = arith.addi %rem3A_1417, %select_n3A_1416 : i32
      %select_n3A_1427 = arith.select %and3A_1425, %add3A_1426, %rem3A_1417 : i32
      %mul3A_1428 = arith.constant 128 : i32
      %mul3A_1429 = arith.muli %select_n3A_1427, %mul3A_1428 : i32
      %add3A_1430 = arith.addi %mul3A_2, %mul3A_1429 : i32
      %dma_wait3A_1431 = arith.constant 4 : i32
      %dma_wait3A_1432 = arith.constant 0 : i32
      %dma_wait3A_1433 = arith.constant 0 : i32
      %dma_wait3A_1434 = tpu.memref_slice %arg6[%dma_wait3A_1431, %dma_wait3A_1432, %dma_wait3A_1433] : memref<8x128x64xf32, #tpu.memory_space<vmem>> -> memref<1x128x64xf32, #tpu.memory_space<vmem>>
      %dma_wait3A_1435 = tpu.memref_squeeze %dma_wait3A_1434 : memref<1x128x64xf32, #tpu.memory_space<vmem>> -> memref<128x64xf32, #tpu.memory_space<vmem>>
      %dma_wait3A_1436 = arith.constant 0 : i32
      %dma_wait3A_1437 = tpu.memref_slice %arg4[%select_n3A_1411, %add3A_1430, %dma_wait3A_1436] : memref<50x16384x64xf32, #tpu.memory_space<hbm>> -> memref<1x128x64xf32, #tpu.memory_space<hbm>>
      %dma_wait3A_1438 = tpu.memref_squeeze %dma_wait3A_1437 : memref<1x128x64xf32, #tpu.memory_space<hbm>> -> memref<128x64xf32, #tpu.memory_space<hbm>>
      %dma_wait3A_1439 = arith.constant 0 : i32
      %dma_wait3A_1440 = tpu.memref_slice %arg4[%select_n3A_1411, %add3A_1430, %dma_wait3A_1439] : memref<50x16384x64xf32, #tpu.memory_space<hbm>> -> memref<1x128x64xf32, #tpu.memory_space<hbm>>
      %dma_wait3A_1441 = tpu.memref_squeeze %dma_wait3A_1440 : memref<1x128x64xf32, #tpu.memory_space<hbm>> -> memref<128x64xf32, #tpu.memory_space<hbm>>
      %dma_wait3A_1442 = arith.constant 0 : i32
      %dma_wait3A_1443 = arith.constant 0 : i32
      %dma_wait3A_1444 = tpu.memref_slice %arg6[%dma_wait3A_1431, %dma_wait3A_1442, %dma_wait3A_1443] : memref<8x128x64xf32, #tpu.memory_space<vmem>> -> memref<1x128x64xf32, #tpu.memory_space<vmem>>
      %dma_wait3A_1445 = tpu.memref_squeeze %dma_wait3A_1444 : memref<1x128x64xf32, #tpu.memory_space<vmem>> -> memref<128x64xf32, #tpu.memory_space<vmem>>
      tpu.wait_dma2 semaphore(%arg19 : memref<!tpu.dma_semaphore, #tpu.memory_space<semaphore_mem>>) src(%dma_wait3A_1445 : memref<128x64xf32, #tpu.memory_space<vmem>>) dst(%dma_wait3A_1441 : memref<128x64xf32, #tpu.memory_space<hbm>>)
      %add3A_1446 = arith.constant 4 : i32
      %add3A_1447 = arith.addi %add3A_1385, %add3A_1446 : i32
      %jit3A_1448 = arith.constant 4 : i32
      %div3A_1449 = arith.divsi %add3A_1447, %jit3A_1448 : i32
      %sign3A_1450 = arith.constant 0 : i32
      %sign3A_1451 = arith.cmpi sgt, %add3A_1447, %sign3A_1450 : i32
      %sign3A_1452 = arith.extui %sign3A_1451 : i1 to i32
      %sign3A_1453 = arith.constant 0 : i32
      %sign3A_1454 = arith.cmpi slt, %add3A_1447, %sign3A_1453 : i32
      %sign3A_1455 = arith.extui %sign3A_1454 : i1 to i32
      %sign3A_1456 = arith.subi %sign3A_1452, %sign3A_1455 : i32
      %sign3A_1457 = arith.constant 0 : i32
      %sign3A_1458 = arith.cmpi sgt, %jit3A_1448, %sign3A_1457 : i32
      %sign3A_1459 = arith.extui %sign3A_1458 : i1 to i32
      %sign3A_1460 = arith.constant 0 : i32
      %sign3A_1461 = arith.cmpi slt, %jit3A_1448, %sign3A_1460 : i32
      %sign3A_1462 = arith.extui %sign3A_1461 : i1 to i32
      %sign3A_1463 = arith.subi %sign3A_1459, %sign3A_1462 : i32
      %ne3A_1464 = arith.cmpi ne, %sign3A_1456, %sign3A_1463 : i32
      %rem3A_1465 = arith.remsi %add3A_1447, %jit3A_1448 : i32
      %ne3A_1466 = arith.constant 0 : i32
      %ne3A_1467 = arith.cmpi ne, %rem3A_1465, %ne3A_1466 : i32
      %and3A_1468 = arith.andi %ne3A_1464, %ne3A_1467 : i1
      %sub3A_1469 = arith.constant 1 : i32
      %sub3A_1470 = arith.subi %div3A_1449, %sub3A_1469 : i32
      %select_n3A_1471 = arith.select %and3A_1468, %sub3A_1470, %div3A_1449 : i32
      %jit3A_1472 = arith.constant 4 : i32
      %eq3A_1473 = arith.constant 0 : i32
      %eq3A_1474 = arith.cmpi eq, %jit3A_1472, %eq3A_1473 : i32
      %jit3A_1475 = arith.constant 1 : i32
      %select_n3A_1476 = arith.select %eq3A_1474, %jit3A_1475, %jit3A_1472 : i32
      %rem3A_1477 = arith.remsi %add3A_1447, %select_n3A_1476 : i32
      %ne3A_1478 = arith.constant 0 : i32
      %ne3A_1479 = arith.cmpi ne, %rem3A_1477, %ne3A_1478 : i32
      %lt3A_1480 = arith.constant 0 : i32
      %lt3A_1481 = arith.cmpi slt, %rem3A_1477, %lt3A_1480 : i32
      %lt3A_1482 = arith.constant 0 : i32
      %lt3A_1483 = arith.cmpi slt, %select_n3A_1476, %lt3A_1482 : i32
      %ne3A_1484 = arith.xori %lt3A_1481, %lt3A_1483 : i1
      %and3A_1485 = arith.andi %ne3A_1484, %ne3A_1479 : i1
      %add3A_1486 = arith.addi %rem3A_1477, %select_n3A_1476 : i32
      %select_n3A_1487 = arith.select %and3A_1485, %add3A_1486, %rem3A_1477 : i32
      %mul3A_1488 = arith.constant 128 : i32
      %mul3A_1489 = arith.muli %select_n3A_1487, %mul3A_1488 : i32
      %dma_start3A_1490 = arith.constant 4 : i32
      %dma_start3A_1491 = arith.constant 0 : i32
      %dma_start3A_1492 = arith.constant 0 : i32
      %dma_start3A_1493 = tpu.memref_slice %arg6[%dma_start3A_1490, %dma_start3A_1491, %dma_start3A_1492] : memref<8x128x64xf32, #tpu.memory_space<vmem>> -> memref<1x128x64xf32, #tpu.memory_space<vmem>>
      %dma_start3A_1494 = tpu.memref_squeeze %dma_start3A_1493 : memref<1x128x64xf32, #tpu.memory_space<vmem>> -> memref<128x64xf32, #tpu.memory_space<vmem>>
      %dma_start3A_1495 = tpu.memref_slice %arg5[%select_n3A_1471, %mul3A_1489] : memref<50x512xi32, #tpu.memory_space<vmem>> -> memref<1x128xi32, #tpu.memory_space<vmem>>
      %dma_start3A_1496 = tpu.memref_squeeze %dma_start3A_1495 : memref<1x128xi32, #tpu.memory_space<vmem>> -> memref<128xi32, #tpu.memory_space<vmem>>
      %dma_start3A_1497 = arith.constant 0 : i32
      %dma_start3A_1498 = arith.constant 0 : i32
      %dma_start3A_1499 = tpu.memref_slice %arg3[%dma_start3A_1497, %dma_start3A_1498] : memref<1000000x64xf32, #tpu.memory_space<hbm>> -> memref<1000000x64xf32, #tpu.memory_space<hbm>>
      tpu.enqueue_indirect_dma source(%dma_start3A_1499 : memref<1000000x64xf32, #tpu.memory_space<hbm>>) target(%dma_start3A_1494 : memref<128x64xf32, #tpu.memory_space<vmem>>) offsets(%dma_start3A_1496 : memref<128xi32, #tpu.memory_space<vmem>>) semaphore(%arg11 : memref<!tpu.dma_semaphore, #tpu.memory_space<semaphore_mem>>)
      %jit3A_1500 = arith.constant 4 : i32
      %div3A_1501 = arith.divsi %add3A_1385, %jit3A_1500 : i32
      %sign3A_1502 = arith.constant 0 : i32
      %sign3A_1503 = arith.cmpi sgt, %add3A_1385, %sign3A_1502 : i32
      %sign3A_1504 = arith.extui %sign3A_1503 : i1 to i32
      %sign3A_1505 = arith.constant 0 : i32
      %sign3A_1506 = arith.cmpi slt, %add3A_1385, %sign3A_1505 : i32
      %sign3A_1507 = arith.extui %sign3A_1506 : i1 to i32
      %sign3A_1508 = arith.subi %sign3A_1504, %sign3A_1507 : i32
      %sign3A_1509 = arith.constant 0 : i32
      %sign3A_1510 = arith.cmpi sgt, %jit3A_1500, %sign3A_1509 : i32
      %sign3A_1511 = arith.extui %sign3A_1510 : i1 to i32
      %sign3A_1512 = arith.constant 0 : i32
      %sign3A_1513 = arith.cmpi slt, %jit3A_1500, %sign3A_1512 : i32
      %sign3A_1514 = arith.extui %sign3A_1513 : i1 to i32
      %sign3A_1515 = arith.subi %sign3A_1511, %sign3A_1514 : i32
      %ne3A_1516 = arith.cmpi ne, %sign3A_1508, %sign3A_1515 : i32
      %rem3A_1517 = arith.remsi %add3A_1385, %jit3A_1500 : i32
      %ne3A_1518 = arith.constant 0 : i32
      %ne3A_1519 = arith.cmpi ne, %rem3A_1517, %ne3A_1518 : i32
      %and3A_1520 = arith.andi %ne3A_1516, %ne3A_1519 : i1
      %sub3A_1521 = arith.constant 1 : i32
      %sub3A_1522 = arith.subi %div3A_1501, %sub3A_1521 : i32
      %select_n3A_1523 = arith.select %and3A_1520, %sub3A_1522, %div3A_1501 : i32
      %jit3A_1524 = arith.constant 4 : i32
      %eq3A_1525 = arith.constant 0 : i32
      %eq3A_1526 = arith.cmpi eq, %jit3A_1524, %eq3A_1525 : i32
      %jit3A_1527 = arith.constant 1 : i32
      %select_n3A_1528 = arith.select %eq3A_1526, %jit3A_1527, %jit3A_1524 : i32
      %rem3A_1529 = arith.remsi %add3A_1385, %select_n3A_1528 : i32
      %ne3A_1530 = arith.constant 0 : i32
      %ne3A_1531 = arith.cmpi ne, %rem3A_1529, %ne3A_1530 : i32
      %lt3A_1532 = arith.constant 0 : i32
      %lt3A_1533 = arith.cmpi slt, %rem3A_1529, %lt3A_1532 : i32
      %lt3A_1534 = arith.constant 0 : i32
      %lt3A_1535 = arith.cmpi slt, %select_n3A_1528, %lt3A_1534 : i32
      %ne3A_1536 = arith.xori %lt3A_1533, %lt3A_1535 : i1
      %and3A_1537 = arith.andi %ne3A_1536, %ne3A_1531 : i1
      %add3A_1538 = arith.addi %rem3A_1529, %select_n3A_1528 : i32
      %select_n3A_1539 = arith.select %and3A_1537, %add3A_1538, %rem3A_1529 : i32
      %mul3A_1540 = arith.constant 128 : i32
      %mul3A_1541 = arith.muli %select_n3A_1539, %mul3A_1540 : i32
      %dma_wait3A_1542 = arith.constant 0 : i32
      %dma_wait3A_1543 = arith.constant 0 : i32
      %dma_wait3A_1544 = arith.constant 0 : i32
      %dma_wait3A_1545 = tpu.memref_slice %arg6[%dma_wait3A_1542, %dma_wait3A_1543, %dma_wait3A_1544] : memref<8x128x64xf32, #tpu.memory_space<vmem>> -> memref<1x128x64xf32, #tpu.memory_space<vmem>>
      %dma_wait3A_1546 = tpu.memref_squeeze %dma_wait3A_1545 : memref<1x128x64xf32, #tpu.memory_space<vmem>> -> memref<128x64xf32, #tpu.memory_space<vmem>>
      %dma_wait3A_1547 = tpu.memref_slice %arg5[%select_n3A_1523, %mul3A_1541] : memref<50x512xi32, #tpu.memory_space<vmem>> -> memref<1x128xi32, #tpu.memory_space<vmem>>
      %dma_wait3A_1548 = tpu.memref_squeeze %dma_wait3A_1547 : memref<1x128xi32, #tpu.memory_space<vmem>> -> memref<128xi32, #tpu.memory_space<vmem>>
      %dma_wait3A_1549 = arith.constant 0 : i32
      %dma_wait3A_1550 = arith.constant 0 : i32
      %dma_wait3A_1551 = tpu.memref_slice %arg3[%dma_wait3A_1549, %dma_wait3A_1550] : memref<1000000x64xf32, #tpu.memory_space<hbm>> -> memref<1000000x64xf32, #tpu.memory_space<hbm>>
      tpu.wait_indirect_dma semaphore(%arg7 : memref<!tpu.dma_semaphore, #tpu.memory_space<semaphore_mem>>) src(%dma_wait3A_1551 : memref<1000000x64xf32, #tpu.memory_space<hbm>>) dst(%dma_wait3A_1546 : memref<128x64xf32, #tpu.memory_space<vmem>>)
      %jit3A_1552 = arith.constant 4 : i32
      %div3A_1553 = arith.divsi %add3A_1385, %jit3A_1552 : i32
      %sign3A_1554 = arith.constant 0 : i32
      %sign3A_1555 = arith.cmpi sgt, %add3A_1385, %sign3A_1554 : i32
      %sign3A_1556 = arith.extui %sign3A_1555 : i1 to i32
      %sign3A_1557 = arith.constant 0 : i32
      %sign3A_1558 = arith.cmpi slt, %add3A_1385, %sign3A_1557 : i32
      %sign3A_1559 = arith.extui %sign3A_1558 : i1 to i32
      %sign3A_1560 = arith.subi %sign3A_1556, %sign3A_1559 : i32
      %sign3A_1561 = arith.constant 0 : i32
      %sign3A_1562 = arith.cmpi sgt, %jit3A_1552, %sign3A_1561 : i32
      %sign3A_1563 = arith.extui %sign3A_1562 : i1 to i32
      %sign3A_1564 = arith.constant 0 : i32
      %sign3A_1565 = arith.cmpi slt, %jit3A_1552, %sign3A_1564 : i32
      %sign3A_1566 = arith.extui %sign3A_1565 : i1 to i32
      %sign3A_1567 = arith.subi %sign3A_1563, %sign3A_1566 : i32
      %ne3A_1568 = arith.cmpi ne, %sign3A_1560, %sign3A_1567 : i32
      %rem3A_1569 = arith.remsi %add3A_1385, %jit3A_1552 : i32
      %ne3A_1570 = arith.constant 0 : i32
      %ne3A_1571 = arith.cmpi ne, %rem3A_1569, %ne3A_1570 : i32
      %and3A_1572 = arith.andi %ne3A_1568, %ne3A_1571 : i1
      %sub3A_1573 = arith.constant 1 : i32
      %sub3A_1574 = arith.subi %div3A_1553, %sub3A_1573 : i32
      %select_n3A_1575 = arith.select %and3A_1572, %sub3A_1574, %div3A_1553 : i32
      %jit3A_1576 = arith.constant 4 : i32
      %eq3A_1577 = arith.constant 0 : i32
      %eq3A_1578 = arith.cmpi eq, %jit3A_1576, %eq3A_1577 : i32
      %jit3A_1579 = arith.constant 1 : i32
      %select_n3A_1580 = arith.select %eq3A_1578, %jit3A_1579, %jit3A_1576 : i32
      %rem3A_1581 = arith.remsi %add3A_1385, %select_n3A_1580 : i32
      %ne3A_1582 = arith.constant 0 : i32
      %ne3A_1583 = arith.cmpi ne, %rem3A_1581, %ne3A_1582 : i32
      %lt3A_1584 = arith.constant 0 : i32
      %lt3A_1585 = arith.cmpi slt, %rem3A_1581, %lt3A_1584 : i32
      %lt3A_1586 = arith.constant 0 : i32
      %lt3A_1587 = arith.cmpi slt, %select_n3A_1580, %lt3A_1586 : i32
      %ne3A_1588 = arith.xori %lt3A_1585, %lt3A_1587 : i1
      %and3A_1589 = arith.andi %ne3A_1588, %ne3A_1583 : i1
      %add3A_1590 = arith.addi %rem3A_1581, %select_n3A_1580 : i32
      %select_n3A_1591 = arith.select %and3A_1589, %add3A_1590, %rem3A_1581 : i32
      %mul3A_1592 = arith.constant 128 : i32
      %mul3A_1593 = arith.muli %select_n3A_1591, %mul3A_1592 : i32
      %add3A_1594 = arith.addi %mul3A_2, %mul3A_1593 : i32
      %dma_start3A_1595 = arith.constant 0 : i32
      %dma_start3A_1596 = arith.constant 0 : i32
      %dma_start3A_1597 = arith.constant 0 : i32
      %dma_start3A_1598 = tpu.memref_slice %arg6[%dma_start3A_1595, %dma_start3A_1596, %dma_start3A_1597] : memref<8x128x64xf32, #tpu.memory_space<vmem>> -> memref<1x128x64xf32, #tpu.memory_space<vmem>>
      %dma_start3A_1599 = tpu.memref_squeeze %dma_start3A_1598 : memref<1x128x64xf32, #tpu.memory_space<vmem>> -> memref<128x64xf32, #tpu.memory_space<vmem>>
      %dma_start3A_1600 = arith.constant 0 : i32
      %dma_start3A_1601 = tpu.memref_slice %arg4[%select_n3A_1575, %add3A_1594, %dma_start3A_1600] : memref<50x16384x64xf32, #tpu.memory_space<hbm>> -> memref<1x128x64xf32, #tpu.memory_space<hbm>>
      %dma_start3A_1602 = tpu.memref_squeeze %dma_start3A_1601 : memref<1x128x64xf32, #tpu.memory_space<hbm>> -> memref<128x64xf32, #tpu.memory_space<hbm>>
      %dma_start3A_1603 = arith.constant 0 : i32
      %dma_start3A_1604 = tpu.memref_slice %arg4[%select_n3A_1575, %add3A_1594, %dma_start3A_1603] : memref<50x16384x64xf32, #tpu.memory_space<hbm>> -> memref<1x128x64xf32, #tpu.memory_space<hbm>>
      %dma_start3A_1605 = tpu.memref_squeeze %dma_start3A_1604 : memref<1x128x64xf32, #tpu.memory_space<hbm>> -> memref<128x64xf32, #tpu.memory_space<hbm>>
      %dma_start3A_1606 = arith.constant 0 : i32
      %dma_start3A_1607 = arith.constant 0 : i32
      %dma_start3A_1608 = tpu.memref_slice %arg6[%dma_start3A_1595, %dma_start3A_1606, %dma_start3A_1607] : memref<8x128x64xf32, #tpu.memory_space<vmem>> -> memref<1x128x64xf32, #tpu.memory_space<vmem>>
      %dma_start3A_1609 = tpu.memref_squeeze %dma_start3A_1608 : memref<1x128x64xf32, #tpu.memory_space<vmem>> -> memref<128x64xf32, #tpu.memory_space<vmem>>
      tpu.enqueue_dma source(%dma_start3A_1609 : memref<128x64xf32, #tpu.memory_space<vmem>>) target(%dma_start3A_1605 : memref<128x64xf32, #tpu.memory_space<hbm>>) target_semaphore(%arg15 : memref<!tpu.dma_semaphore, #tpu.memory_space<semaphore_mem>>)
      %add3A_1610 = arith.constant 5 : i32
      %add3A_1611 = arith.addi %add3A_489, %add3A_1610 : i32
      %sub3A_1612 = arith.constant 4 : i32
      %sub3A_1613 = arith.subi %add3A_1611, %sub3A_1612 : i32
      %jit3A_1614 = arith.constant 4 : i32
      %div3A_1615 = arith.divsi %sub3A_1613, %jit3A_1614 : i32
      %sign3A_1616 = arith.constant 0 : i32
      %sign3A_1617 = arith.cmpi sgt, %sub3A_1613, %sign3A_1616 : i32
      %sign3A_1618 = arith.extui %sign3A_1617 : i1 to i32
      %sign3A_1619 = arith.constant 0 : i32
      %sign3A_1620 = arith.cmpi slt, %sub3A_1613, %sign3A_1619 : i32
      %sign3A_1621 = arith.extui %sign3A_1620 : i1 to i32
      %sign3A_1622 = arith.subi %sign3A_1618, %sign3A_1621 : i32
      %sign3A_1623 = arith.constant 0 : i32
      %sign3A_1624 = arith.cmpi sgt, %jit3A_1614, %sign3A_1623 : i32
      %sign3A_1625 = arith.extui %sign3A_1624 : i1 to i32
      %sign3A_1626 = arith.constant 0 : i32
      %sign3A_1627 = arith.cmpi slt, %jit3A_1614, %sign3A_1626 : i32
      %sign3A_1628 = arith.extui %sign3A_1627 : i1 to i32
      %sign3A_1629 = arith.subi %sign3A_1625, %sign3A_1628 : i32
      %ne3A_1630 = arith.cmpi ne, %sign3A_1622, %sign3A_1629 : i32
      %rem3A_1631 = arith.remsi %sub3A_1613, %jit3A_1614 : i32
      %ne3A_1632 = arith.constant 0 : i32
      %ne3A_1633 = arith.cmpi ne, %rem3A_1631, %ne3A_1632 : i32
      %and3A_1634 = arith.andi %ne3A_1630, %ne3A_1633 : i1
      %sub3A_1635 = arith.constant 1 : i32
      %sub3A_1636 = arith.subi %div3A_1615, %sub3A_1635 : i32
      %select_n3A_1637 = arith.select %and3A_1634, %sub3A_1636, %div3A_1615 : i32
      %jit3A_1638 = arith.constant 4 : i32
      %eq3A_1639 = arith.constant 0 : i32
      %eq3A_1640 = arith.cmpi eq, %jit3A_1638, %eq3A_1639 : i32
      %jit3A_1641 = arith.constant 1 : i32
      %select_n3A_1642 = arith.select %eq3A_1640, %jit3A_1641, %jit3A_1638 : i32
      %rem3A_1643 = arith.remsi %sub3A_1613, %select_n3A_1642 : i32
      %ne3A_1644 = arith.constant 0 : i32
      %ne3A_1645 = arith.cmpi ne, %rem3A_1643, %ne3A_1644 : i32
      %lt3A_1646 = arith.constant 0 : i32
      %lt3A_1647 = arith.cmpi slt, %rem3A_1643, %lt3A_1646 : i32
      %lt3A_1648 = arith.constant 0 : i32
      %lt3A_1649 = arith.cmpi slt, %select_n3A_1642, %lt3A_1648 : i32
      %ne3A_1650 = arith.xori %lt3A_1647, %lt3A_1649 : i1
      %and3A_1651 = arith.andi %ne3A_1650, %ne3A_1645 : i1
      %add3A_1652 = arith.addi %rem3A_1643, %select_n3A_1642 : i32
      %select_n3A_1653 = arith.select %and3A_1651, %add3A_1652, %rem3A_1643 : i32
      %mul3A_1654 = arith.constant 128 : i32
      %mul3A_1655 = arith.muli %select_n3A_1653, %mul3A_1654 : i32
      %add3A_1656 = arith.addi %mul3A_2, %mul3A_1655 : i32
      %dma_wait3A_1657 = arith.constant 5 : i32
      %dma_wait3A_1658 = arith.constant 0 : i32
      %dma_wait3A_1659 = arith.constant 0 : i32
      %dma_wait3A_1660 = tpu.memref_slice %arg6[%dma_wait3A_1657, %dma_wait3A_1658, %dma_wait3A_1659] : memref<8x128x64xf32, #tpu.memory_space<vmem>> -> memref<1x128x64xf32, #tpu.memory_space<vmem>>
      %dma_wait3A_1661 = tpu.memref_squeeze %dma_wait3A_1660 : memref<1x128x64xf32, #tpu.memory_space<vmem>> -> memref<128x64xf32, #tpu.memory_space<vmem>>
      %dma_wait3A_1662 = arith.constant 0 : i32
      %dma_wait3A_1663 = tpu.memref_slice %arg4[%select_n3A_1637, %add3A_1656, %dma_wait3A_1662] : memref<50x16384x64xf32, #tpu.memory_space<hbm>> -> memref<1x128x64xf32, #tpu.memory_space<hbm>>
      %dma_wait3A_1664 = tpu.memref_squeeze %dma_wait3A_1663 : memref<1x128x64xf32, #tpu.memory_space<hbm>> -> memref<128x64xf32, #tpu.memory_space<hbm>>
      %dma_wait3A_1665 = arith.constant 0 : i32
      %dma_wait3A_1666 = tpu.memref_slice %arg4[%select_n3A_1637, %add3A_1656, %dma_wait3A_1665] : memref<50x16384x64xf32, #tpu.memory_space<hbm>> -> memref<1x128x64xf32, #tpu.memory_space<hbm>>
      %dma_wait3A_1667 = tpu.memref_squeeze %dma_wait3A_1666 : memref<1x128x64xf32, #tpu.memory_space<hbm>> -> memref<128x64xf32, #tpu.memory_space<hbm>>
      %dma_wait3A_1668 = arith.constant 0 : i32
      %dma_wait3A_1669 = arith.constant 0 : i32
      %dma_wait3A_1670 = tpu.memref_slice %arg6[%dma_wait3A_1657, %dma_wait3A_1668, %dma_wait3A_1669] : memref<8x128x64xf32, #tpu.memory_space<vmem>> -> memref<1x128x64xf32, #tpu.memory_space<vmem>>
      %dma_wait3A_1671 = tpu.memref_squeeze %dma_wait3A_1670 : memref<1x128x64xf32, #tpu.memory_space<vmem>> -> memref<128x64xf32, #tpu.memory_space<vmem>>
      tpu.wait_dma2 semaphore(%arg20 : memref<!tpu.dma_semaphore, #tpu.memory_space<semaphore_mem>>) src(%dma_wait3A_1671 : memref<128x64xf32, #tpu.memory_space<vmem>>) dst(%dma_wait3A_1667 : memref<128x64xf32, #tpu.memory_space<hbm>>)
      %add3A_1672 = arith.constant 4 : i32
      %add3A_1673 = arith.addi %add3A_1611, %add3A_1672 : i32
      %jit3A_1674 = arith.constant 4 : i32
      %div3A_1675 = arith.divsi %add3A_1673, %jit3A_1674 : i32
      %sign3A_1676 = arith.constant 0 : i32
      %sign3A_1677 = arith.cmpi sgt, %add3A_1673, %sign3A_1676 : i32
      %sign3A_1678 = arith.extui %sign3A_1677 : i1 to i32
      %sign3A_1679 = arith.constant 0 : i32
      %sign3A_1680 = arith.cmpi slt, %add3A_1673, %sign3A_1679 : i32
      %sign3A_1681 = arith.extui %sign3A_1680 : i1 to i32
      %sign3A_1682 = arith.subi %sign3A_1678, %sign3A_1681 : i32
      %sign3A_1683 = arith.constant 0 : i32
      %sign3A_1684 = arith.cmpi sgt, %jit3A_1674, %sign3A_1683 : i32
      %sign3A_1685 = arith.extui %sign3A_1684 : i1 to i32
      %sign3A_1686 = arith.constant 0 : i32
      %sign3A_1687 = arith.cmpi slt, %jit3A_1674, %sign3A_1686 : i32
      %sign3A_1688 = arith.extui %sign3A_1687 : i1 to i32
      %sign3A_1689 = arith.subi %sign3A_1685, %sign3A_1688 : i32
      %ne3A_1690 = arith.cmpi ne, %sign3A_1682, %sign3A_1689 : i32
      %rem3A_1691 = arith.remsi %add3A_1673, %jit3A_1674 : i32
      %ne3A_1692 = arith.constant 0 : i32
      %ne3A_1693 = arith.cmpi ne, %rem3A_1691, %ne3A_1692 : i32
      %and3A_1694 = arith.andi %ne3A_1690, %ne3A_1693 : i1
      %sub3A_1695 = arith.constant 1 : i32
      %sub3A_1696 = arith.subi %div3A_1675, %sub3A_1695 : i32
      %select_n3A_1697 = arith.select %and3A_1694, %sub3A_1696, %div3A_1675 : i32
      %jit3A_1698 = arith.constant 4 : i32
      %eq3A_1699 = arith.constant 0 : i32
      %eq3A_1700 = arith.cmpi eq, %jit3A_1698, %eq3A_1699 : i32
      %jit3A_1701 = arith.constant 1 : i32
      %select_n3A_1702 = arith.select %eq3A_1700, %jit3A_1701, %jit3A_1698 : i32
      %rem3A_1703 = arith.remsi %add3A_1673, %select_n3A_1702 : i32
      %ne3A_1704 = arith.constant 0 : i32
      %ne3A_1705 = arith.cmpi ne, %rem3A_1703, %ne3A_1704 : i32
      %lt3A_1706 = arith.constant 0 : i32
      %lt3A_1707 = arith.cmpi slt, %rem3A_1703, %lt3A_1706 : i32
      %lt3A_1708 = arith.constant 0 : i32
      %lt3A_1709 = arith.cmpi slt, %select_n3A_1702, %lt3A_1708 : i32
      %ne3A_1710 = arith.xori %lt3A_1707, %lt3A_1709 : i1
      %and3A_1711 = arith.andi %ne3A_1710, %ne3A_1705 : i1
      %add3A_1712 = arith.addi %rem3A_1703, %select_n3A_1702 : i32
      %select_n3A_1713 = arith.select %and3A_1711, %add3A_1712, %rem3A_1703 : i32
      %mul3A_1714 = arith.constant 128 : i32
      %mul3A_1715 = arith.muli %select_n3A_1713, %mul3A_1714 : i32
      %dma_start3A_1716 = arith.constant 5 : i32
      %dma_start3A_1717 = arith.constant 0 : i32
      %dma_start3A_1718 = arith.constant 0 : i32
      %dma_start3A_1719 = tpu.memref_slice %arg6[%dma_start3A_1716, %dma_start3A_1717, %dma_start3A_1718] : memref<8x128x64xf32, #tpu.memory_space<vmem>> -> memref<1x128x64xf32, #tpu.memory_space<vmem>>
      %dma_start3A_1720 = tpu.memref_squeeze %dma_start3A_1719 : memref<1x128x64xf32, #tpu.memory_space<vmem>> -> memref<128x64xf32, #tpu.memory_space<vmem>>
      %dma_start3A_1721 = tpu.memref_slice %arg5[%select_n3A_1697, %mul3A_1715] : memref<50x512xi32, #tpu.memory_space<vmem>> -> memref<1x128xi32, #tpu.memory_space<vmem>>
      %dma_start3A_1722 = tpu.memref_squeeze %dma_start3A_1721 : memref<1x128xi32, #tpu.memory_space<vmem>> -> memref<128xi32, #tpu.memory_space<vmem>>
      %dma_start3A_1723 = arith.constant 0 : i32
      %dma_start3A_1724 = arith.constant 0 : i32
      %dma_start3A_1725 = tpu.memref_slice %arg3[%dma_start3A_1723, %dma_start3A_1724] : memref<1000000x64xf32, #tpu.memory_space<hbm>> -> memref<1000000x64xf32, #tpu.memory_space<hbm>>
      tpu.enqueue_indirect_dma source(%dma_start3A_1725 : memref<1000000x64xf32, #tpu.memory_space<hbm>>) target(%dma_start3A_1720 : memref<128x64xf32, #tpu.memory_space<vmem>>) offsets(%dma_start3A_1722 : memref<128xi32, #tpu.memory_space<vmem>>) semaphore(%arg12 : memref<!tpu.dma_semaphore, #tpu.memory_space<semaphore_mem>>)
      %jit3A_1726 = arith.constant 4 : i32
      %div3A_1727 = arith.divsi %add3A_1611, %jit3A_1726 : i32
      %sign3A_1728 = arith.constant 0 : i32
      %sign3A_1729 = arith.cmpi sgt, %add3A_1611, %sign3A_1728 : i32
      %sign3A_1730 = arith.extui %sign3A_1729 : i1 to i32
      %sign3A_1731 = arith.constant 0 : i32
      %sign3A_1732 = arith.cmpi slt, %add3A_1611, %sign3A_1731 : i32
      %sign3A_1733 = arith.extui %sign3A_1732 : i1 to i32
      %sign3A_1734 = arith.subi %sign3A_1730, %sign3A_1733 : i32
      %sign3A_1735 = arith.constant 0 : i32
      %sign3A_1736 = arith.cmpi sgt, %jit3A_1726, %sign3A_1735 : i32
      %sign3A_1737 = arith.extui %sign3A_1736 : i1 to i32
      %sign3A_1738 = arith.constant 0 : i32
      %sign3A_1739 = arith.cmpi slt, %jit3A_1726, %sign3A_1738 : i32
      %sign3A_1740 = arith.extui %sign3A_1739 : i1 to i32
      %sign3A_1741 = arith.subi %sign3A_1737, %sign3A_1740 : i32
      %ne3A_1742 = arith.cmpi ne, %sign3A_1734, %sign3A_1741 : i32
      %rem3A_1743 = arith.remsi %add3A_1611, %jit3A_1726 : i32
      %ne3A_1744 = arith.constant 0 : i32
      %ne3A_1745 = arith.cmpi ne, %rem3A_1743, %ne3A_1744 : i32
      %and3A_1746 = arith.andi %ne3A_1742, %ne3A_1745 : i1
      %sub3A_1747 = arith.constant 1 : i32
      %sub3A_1748 = arith.subi %div3A_1727, %sub3A_1747 : i32
      %select_n3A_1749 = arith.select %and3A_1746, %sub3A_1748, %div3A_1727 : i32
      %jit3A_1750 = arith.constant 4 : i32
      %eq3A_1751 = arith.constant 0 : i32
      %eq3A_1752 = arith.cmpi eq, %jit3A_1750, %eq3A_1751 : i32
      %jit3A_1753 = arith.constant 1 : i32
      %select_n3A_1754 = arith.select %eq3A_1752, %jit3A_1753, %jit3A_1750 : i32
      %rem3A_1755 = arith.remsi %add3A_1611, %select_n3A_1754 : i32
      %ne3A_1756 = arith.constant 0 : i32
      %ne3A_1757 = arith.cmpi ne, %rem3A_1755, %ne3A_1756 : i32
      %lt3A_1758 = arith.constant 0 : i32
      %lt3A_1759 = arith.cmpi slt, %rem3A_1755, %lt3A_1758 : i32
      %lt3A_1760 = arith.constant 0 : i32
      %lt3A_1761 = arith.cmpi slt, %select_n3A_1754, %lt3A_1760 : i32
      %ne3A_1762 = arith.xori %lt3A_1759, %lt3A_1761 : i1
      %and3A_1763 = arith.andi %ne3A_1762, %ne3A_1757 : i1
      %add3A_1764 = arith.addi %rem3A_1755, %select_n3A_1754 : i32
      %select_n3A_1765 = arith.select %and3A_1763, %add3A_1764, %rem3A_1755 : i32
      %mul3A_1766 = arith.constant 128 : i32
      %mul3A_1767 = arith.muli %select_n3A_1765, %mul3A_1766 : i32
      %dma_wait3A_1768 = arith.constant 1 : i32
      %dma_wait3A_1769 = arith.constant 0 : i32
      %dma_wait3A_1770 = arith.constant 0 : i32
      %dma_wait3A_1771 = tpu.memref_slice %arg6[%dma_wait3A_1768, %dma_wait3A_1769, %dma_wait3A_1770] : memref<8x128x64xf32, #tpu.memory_space<vmem>> -> memref<1x128x64xf32, #tpu.memory_space<vmem>>
      %dma_wait3A_1772 = tpu.memref_squeeze %dma_wait3A_1771 : memref<1x128x64xf32, #tpu.memory_space<vmem>> -> memref<128x64xf32, #tpu.memory_space<vmem>>
      %dma_wait3A_1773 = tpu.memref_slice %arg5[%select_n3A_1749, %mul3A_1767] : memref<50x512xi32, #tpu.memory_space<vmem>> -> memref<1x128xi32, #tpu.memory_space<vmem>>
      %dma_wait3A_1774 = tpu.memref_squeeze %dma_wait3A_1773 : memref<1x128xi32, #tpu.memory_space<vmem>> -> memref<128xi32, #tpu.memory_space<vmem>>
      %dma_wait3A_1775 = arith.constant 0 : i32
      %dma_wait3A_1776 = arith.constant 0 : i32
      %dma_wait3A_1777 = tpu.memref_slice %arg3[%dma_wait3A_1775, %dma_wait3A_1776] : memref<1000000x64xf32, #tpu.memory_space<hbm>> -> memref<1000000x64xf32, #tpu.memory_space<hbm>>
      tpu.wait_indirect_dma semaphore(%arg8 : memref<!tpu.dma_semaphore, #tpu.memory_space<semaphore_mem>>) src(%dma_wait3A_1777 : memref<1000000x64xf32, #tpu.memory_space<hbm>>) dst(%dma_wait3A_1772 : memref<128x64xf32, #tpu.memory_space<vmem>>)
      %jit3A_1778 = arith.constant 4 : i32
      %div3A_1779 = arith.divsi %add3A_1611, %jit3A_1778 : i32
      %sign3A_1780 = arith.constant 0 : i32
      %sign3A_1781 = arith.cmpi sgt, %add3A_1611, %sign3A_1780 : i32
      %sign3A_1782 = arith.extui %sign3A_1781 : i1 to i32
      %sign3A_1783 = arith.constant 0 : i32
      %sign3A_1784 = arith.cmpi slt, %add3A_1611, %sign3A_1783 : i32
      %sign3A_1785 = arith.extui %sign3A_1784 : i1 to i32
      %sign3A_1786 = arith.subi %sign3A_1782, %sign3A_1785 : i32
      %sign3A_1787 = arith.constant 0 : i32
      %sign3A_1788 = arith.cmpi sgt, %jit3A_1778, %sign3A_1787 : i32
      %sign3A_1789 = arith.extui %sign3A_1788 : i1 to i32
      %sign3A_1790 = arith.constant 0 : i32
      %sign3A_1791 = arith.cmpi slt, %jit3A_1778, %sign3A_1790 : i32
      %sign3A_1792 = arith.extui %sign3A_1791 : i1 to i32
      %sign3A_1793 = arith.subi %sign3A_1789, %sign3A_1792 : i32
      %ne3A_1794 = arith.cmpi ne, %sign3A_1786, %sign3A_1793 : i32
      %rem3A_1795 = arith.remsi %add3A_1611, %jit3A_1778 : i32
      %ne3A_1796 = arith.constant 0 : i32
      %ne3A_1797 = arith.cmpi ne, %rem3A_1795, %ne3A_1796 : i32
      %and3A_1798 = arith.andi %ne3A_1794, %ne3A_1797 : i1
      %sub3A_1799 = arith.constant 1 : i32
      %sub3A_1800 = arith.subi %div3A_1779, %sub3A_1799 : i32
      %select_n3A_1801 = arith.select %and3A_1798, %sub3A_1800, %div3A_1779 : i32
      %jit3A_1802 = arith.constant 4 : i32
      %eq3A_1803 = arith.constant 0 : i32
      %eq3A_1804 = arith.cmpi eq, %jit3A_1802, %eq3A_1803 : i32
      %jit3A_1805 = arith.constant 1 : i32
      %select_n3A_1806 = arith.select %eq3A_1804, %jit3A_1805, %jit3A_1802 : i32
      %rem3A_1807 = arith.remsi %add3A_1611, %select_n3A_1806 : i32
      %ne3A_1808 = arith.constant 0 : i32
      %ne3A_1809 = arith.cmpi ne, %rem3A_1807, %ne3A_1808 : i32
      %lt3A_1810 = arith.constant 0 : i32
      %lt3A_1811 = arith.cmpi slt, %rem3A_1807, %lt3A_1810 : i32
      %lt3A_1812 = arith.constant 0 : i32
      %lt3A_1813 = arith.cmpi slt, %select_n3A_1806, %lt3A_1812 : i32
      %ne3A_1814 = arith.xori %lt3A_1811, %lt3A_1813 : i1
      %and3A_1815 = arith.andi %ne3A_1814, %ne3A_1809 : i1
      %add3A_1816 = arith.addi %rem3A_1807, %select_n3A_1806 : i32
      %select_n3A_1817 = arith.select %and3A_1815, %add3A_1816, %rem3A_1807 : i32
      %mul3A_1818 = arith.constant 128 : i32
      %mul3A_1819 = arith.muli %select_n3A_1817, %mul3A_1818 : i32
      %add3A_1820 = arith.addi %mul3A_2, %mul3A_1819 : i32
      %dma_start3A_1821 = arith.constant 1 : i32
      %dma_start3A_1822 = arith.constant 0 : i32
      %dma_start3A_1823 = arith.constant 0 : i32
      %dma_start3A_1824 = tpu.memref_slice %arg6[%dma_start3A_1821, %dma_start3A_1822, %dma_start3A_1823] : memref<8x128x64xf32, #tpu.memory_space<vmem>> -> memref<1x128x64xf32, #tpu.memory_space<vmem>>
      %dma_start3A_1825 = tpu.memref_squeeze %dma_start3A_1824 : memref<1x128x64xf32, #tpu.memory_space<vmem>> -> memref<128x64xf32, #tpu.memory_space<vmem>>
      %dma_start3A_1826 = arith.constant 0 : i32
      %dma_start3A_1827 = tpu.memref_slice %arg4[%select_n3A_1801, %add3A_1820, %dma_start3A_1826] : memref<50x16384x64xf32, #tpu.memory_space<hbm>> -> memref<1x128x64xf32, #tpu.memory_space<hbm>>
      %dma_start3A_1828 = tpu.memref_squeeze %dma_start3A_1827 : memref<1x128x64xf32, #tpu.memory_space<hbm>> -> memref<128x64xf32, #tpu.memory_space<hbm>>
      %dma_start3A_1829 = arith.constant 0 : i32
      %dma_start3A_1830 = tpu.memref_slice %arg4[%select_n3A_1801, %add3A_1820, %dma_start3A_1829] : memref<50x16384x64xf32, #tpu.memory_space<hbm>> -> memref<1x128x64xf32, #tpu.memory_space<hbm>>
      %dma_start3A_1831 = tpu.memref_squeeze %dma_start3A_1830 : memref<1x128x64xf32, #tpu.memory_space<hbm>> -> memref<128x64xf32, #tpu.memory_space<hbm>>
      %dma_start3A_1832 = arith.constant 0 : i32
      %dma_start3A_1833 = arith.constant 0 : i32
      %dma_start3A_1834 = tpu.memref_slice %arg6[%dma_start3A_1821, %dma_start3A_1832, %dma_start3A_1833] : memref<8x128x64xf32, #tpu.memory_space<vmem>> -> memref<1x128x64xf32, #tpu.memory_space<vmem>>
      %dma_start3A_1835 = tpu.memref_squeeze %dma_start3A_1834 : memref<1x128x64xf32, #tpu.memory_space<vmem>> -> memref<128x64xf32, #tpu.memory_space<vmem>>
      tpu.enqueue_dma source(%dma_start3A_1835 : memref<128x64xf32, #tpu.memory_space<vmem>>) target(%dma_start3A_1831 : memref<128x64xf32, #tpu.memory_space<hbm>>) target_semaphore(%arg16 : memref<!tpu.dma_semaphore, #tpu.memory_space<semaphore_mem>>)
      %add3A_1836 = arith.constant 6 : i32
      %add3A_1837 = arith.addi %add3A_489, %add3A_1836 : i32
      %sub3A_1838 = arith.constant 4 : i32
      %sub3A_1839 = arith.subi %add3A_1837, %sub3A_1838 : i32
      %jit3A_1840 = arith.constant 4 : i32
      %div3A_1841 = arith.divsi %sub3A_1839, %jit3A_1840 : i32
      %sign3A_1842 = arith.constant 0 : i32
      %sign3A_1843 = arith.cmpi sgt, %sub3A_1839, %sign3A_1842 : i32
      %sign3A_1844 = arith.extui %sign3A_1843 : i1 to i32
      %sign3A_1845 = arith.constant 0 : i32
      %sign3A_1846 = arith.cmpi slt, %sub3A_1839, %sign3A_1845 : i32
      %sign3A_1847 = arith.extui %sign3A_1846 : i1 to i32
      %sign3A_1848 = arith.subi %sign3A_1844, %sign3A_1847 : i32
      %sign3A_1849 = arith.constant 0 : i32
      %sign3A_1850 = arith.cmpi sgt, %jit3A_1840, %sign3A_1849 : i32
      %sign3A_1851 = arith.extui %sign3A_1850 : i1 to i32
      %sign3A_1852 = arith.constant 0 : i32
      %sign3A_1853 = arith.cmpi slt, %jit3A_1840, %sign3A_1852 : i32
      %sign3A_1854 = arith.extui %sign3A_1853 : i1 to i32
      %sign3A_1855 = arith.subi %sign3A_1851, %sign3A_1854 : i32
      %ne3A_1856 = arith.cmpi ne, %sign3A_1848, %sign3A_1855 : i32
      %rem3A_1857 = arith.remsi %sub3A_1839, %jit3A_1840 : i32
      %ne3A_1858 = arith.constant 0 : i32
      %ne3A_1859 = arith.cmpi ne, %rem3A_1857, %ne3A_1858 : i32
      %and3A_1860 = arith.andi %ne3A_1856, %ne3A_1859 : i1
      %sub3A_1861 = arith.constant 1 : i32
      %sub3A_1862 = arith.subi %div3A_1841, %sub3A_1861 : i32
      %select_n3A_1863 = arith.select %and3A_1860, %sub3A_1862, %div3A_1841 : i32
      %jit3A_1864 = arith.constant 4 : i32
      %eq3A_1865 = arith.constant 0 : i32
      %eq3A_1866 = arith.cmpi eq, %jit3A_1864, %eq3A_1865 : i32
      %jit3A_1867 = arith.constant 1 : i32
      %select_n3A_1868 = arith.select %eq3A_1866, %jit3A_1867, %jit3A_1864 : i32
      %rem3A_1869 = arith.remsi %sub3A_1839, %select_n3A_1868 : i32
      %ne3A_1870 = arith.constant 0 : i32
      %ne3A_1871 = arith.cmpi ne, %rem3A_1869, %ne3A_1870 : i32
      %lt3A_1872 = arith.constant 0 : i32
      %lt3A_1873 = arith.cmpi slt, %rem3A_1869, %lt3A_1872 : i32
      %lt3A_1874 = arith.constant 0 : i32
      %lt3A_1875 = arith.cmpi slt, %select_n3A_1868, %lt3A_1874 : i32
      %ne3A_1876 = arith.xori %lt3A_1873, %lt3A_1875 : i1
      %and3A_1877 = arith.andi %ne3A_1876, %ne3A_1871 : i1
      %add3A_1878 = arith.addi %rem3A_1869, %select_n3A_1868 : i32
      %select_n3A_1879 = arith.select %and3A_1877, %add3A_1878, %rem3A_1869 : i32
      %mul3A_1880 = arith.constant 128 : i32
      %mul3A_1881 = arith.muli %select_n3A_1879, %mul3A_1880 : i32
      %add3A_1882 = arith.addi %mul3A_2, %mul3A_1881 : i32
      %dma_wait3A_1883 = arith.constant 6 : i32
      %dma_wait3A_1884 = arith.constant 0 : i32
      %dma_wait3A_1885 = arith.constant 0 : i32
      %dma_wait3A_1886 = tpu.memref_slice %arg6[%dma_wait3A_1883, %dma_wait3A_1884, %dma_wait3A_1885] : memref<8x128x64xf32, #tpu.memory_space<vmem>> -> memref<1x128x64xf32, #tpu.memory_space<vmem>>
      %dma_wait3A_1887 = tpu.memref_squeeze %dma_wait3A_1886 : memref<1x128x64xf32, #tpu.memory_space<vmem>> -> memref<128x64xf32, #tpu.memory_space<vmem>>
      %dma_wait3A_1888 = arith.constant 0 : i32
      %dma_wait3A_1889 = tpu.memref_slice %arg4[%select_n3A_1863, %add3A_1882, %dma_wait3A_1888] : memref<50x16384x64xf32, #tpu.memory_space<hbm>> -> memref<1x128x64xf32, #tpu.memory_space<hbm>>
      %dma_wait3A_1890 = tpu.memref_squeeze %dma_wait3A_1889 : memref<1x128x64xf32, #tpu.memory_space<hbm>> -> memref<128x64xf32, #tpu.memory_space<hbm>>
      %dma_wait3A_1891 = arith.constant 0 : i32
      %dma_wait3A_1892 = tpu.memref_slice %arg4[%select_n3A_1863, %add3A_1882, %dma_wait3A_1891] : memref<50x16384x64xf32, #tpu.memory_space<hbm>> -> memref<1x128x64xf32, #tpu.memory_space<hbm>>
      %dma_wait3A_1893 = tpu.memref_squeeze %dma_wait3A_1892 : memref<1x128x64xf32, #tpu.memory_space<hbm>> -> memref<128x64xf32, #tpu.memory_space<hbm>>
      %dma_wait3A_1894 = arith.constant 0 : i32
      %dma_wait3A_1895 = arith.constant 0 : i32
      %dma_wait3A_1896 = tpu.memref_slice %arg6[%dma_wait3A_1883, %dma_wait3A_1894, %dma_wait3A_1895] : memref<8x128x64xf32, #tpu.memory_space<vmem>> -> memref<1x128x64xf32, #tpu.memory_space<vmem>>
      %dma_wait3A_1897 = tpu.memref_squeeze %dma_wait3A_1896 : memref<1x128x64xf32, #tpu.memory_space<vmem>> -> memref<128x64xf32, #tpu.memory_space<vmem>>
      tpu.wait_dma2 semaphore(%arg21 : memref<!tpu.dma_semaphore, #tpu.memory_space<semaphore_mem>>) src(%dma_wait3A_1897 : memref<128x64xf32, #tpu.memory_space<vmem>>) dst(%dma_wait3A_1893 : memref<128x64xf32, #tpu.memory_space<hbm>>)
      %add3A_1898 = arith.constant 4 : i32
      %add3A_1899 = arith.addi %add3A_1837, %add3A_1898 : i32
      %jit3A_1900 = arith.constant 4 : i32
      %div3A_1901 = arith.divsi %add3A_1899, %jit3A_1900 : i32
      %sign3A_1902 = arith.constant 0 : i32
      %sign3A_1903 = arith.cmpi sgt, %add3A_1899, %sign3A_1902 : i32
      %sign3A_1904 = arith.extui %sign3A_1903 : i1 to i32
      %sign3A_1905 = arith.constant 0 : i32
      %sign3A_1906 = arith.cmpi slt, %add3A_1899, %sign3A_1905 : i32
      %sign3A_1907 = arith.extui %sign3A_1906 : i1 to i32
      %sign3A_1908 = arith.subi %sign3A_1904, %sign3A_1907 : i32
      %sign3A_1909 = arith.constant 0 : i32
      %sign3A_1910 = arith.cmpi sgt, %jit3A_1900, %sign3A_1909 : i32
      %sign3A_1911 = arith.extui %sign3A_1910 : i1 to i32
      %sign3A_1912 = arith.constant 0 : i32
      %sign3A_1913 = arith.cmpi slt, %jit3A_1900, %sign3A_1912 : i32
      %sign3A_1914 = arith.extui %sign3A_1913 : i1 to i32
      %sign3A_1915 = arith.subi %sign3A_1911, %sign3A_1914 : i32
      %ne3A_1916 = arith.cmpi ne, %sign3A_1908, %sign3A_1915 : i32
      %rem3A_1917 = arith.remsi %add3A_1899, %jit3A_1900 : i32
      %ne3A_1918 = arith.constant 0 : i32
      %ne3A_1919 = arith.cmpi ne, %rem3A_1917, %ne3A_1918 : i32
      %and3A_1920 = arith.andi %ne3A_1916, %ne3A_1919 : i1
      %sub3A_1921 = arith.constant 1 : i32
      %sub3A_1922 = arith.subi %div3A_1901, %sub3A_1921 : i32
      %select_n3A_1923 = arith.select %and3A_1920, %sub3A_1922, %div3A_1901 : i32
      %jit3A_1924 = arith.constant 4 : i32
      %eq3A_1925 = arith.constant 0 : i32
      %eq3A_1926 = arith.cmpi eq, %jit3A_1924, %eq3A_1925 : i32
      %jit3A_1927 = arith.constant 1 : i32
      %select_n3A_1928 = arith.select %eq3A_1926, %jit3A_1927, %jit3A_1924 : i32
      %rem3A_1929 = arith.remsi %add3A_1899, %select_n3A_1928 : i32
      %ne3A_1930 = arith.constant 0 : i32
      %ne3A_1931 = arith.cmpi ne, %rem3A_1929, %ne3A_1930 : i32
      %lt3A_1932 = arith.constant 0 : i32
      %lt3A_1933 = arith.cmpi slt, %rem3A_1929, %lt3A_1932 : i32
      %lt3A_1934 = arith.constant 0 : i32
      %lt3A_1935 = arith.cmpi slt, %select_n3A_1928, %lt3A_1934 : i32
      %ne3A_1936 = arith.xori %lt3A_1933, %lt3A_1935 : i1
      %and3A_1937 = arith.andi %ne3A_1936, %ne3A_1931 : i1
      %add3A_1938 = arith.addi %rem3A_1929, %select_n3A_1928 : i32
      %select_n3A_1939 = arith.select %and3A_1937, %add3A_1938, %rem3A_1929 : i32
      %mul3A_1940 = arith.constant 128 : i32
      %mul3A_1941 = arith.muli %select_n3A_1939, %mul3A_1940 : i32
      %dma_start3A_1942 = arith.constant 6 : i32
      %dma_start3A_1943 = arith.constant 0 : i32
      %dma_start3A_1944 = arith.constant 0 : i32
      %dma_start3A_1945 = tpu.memref_slice %arg6[%dma_start3A_1942, %dma_start3A_1943, %dma_start3A_1944] : memref<8x128x64xf32, #tpu.memory_space<vmem>> -> memref<1x128x64xf32, #tpu.memory_space<vmem>>
      %dma_start3A_1946 = tpu.memref_squeeze %dma_start3A_1945 : memref<1x128x64xf32, #tpu.memory_space<vmem>> -> memref<128x64xf32, #tpu.memory_space<vmem>>
      %dma_start3A_1947 = tpu.memref_slice %arg5[%select_n3A_1923, %mul3A_1941] : memref<50x512xi32, #tpu.memory_space<vmem>> -> memref<1x128xi32, #tpu.memory_space<vmem>>
      %dma_start3A_1948 = tpu.memref_squeeze %dma_start3A_1947 : memref<1x128xi32, #tpu.memory_space<vmem>> -> memref<128xi32, #tpu.memory_space<vmem>>
      %dma_start3A_1949 = arith.constant 0 : i32
      %dma_start3A_1950 = arith.constant 0 : i32
      %dma_start3A_1951 = tpu.memref_slice %arg3[%dma_start3A_1949, %dma_start3A_1950] : memref<1000000x64xf32, #tpu.memory_space<hbm>> -> memref<1000000x64xf32, #tpu.memory_space<hbm>>
      tpu.enqueue_indirect_dma source(%dma_start3A_1951 : memref<1000000x64xf32, #tpu.memory_space<hbm>>) target(%dma_start3A_1946 : memref<128x64xf32, #tpu.memory_space<vmem>>) offsets(%dma_start3A_1948 : memref<128xi32, #tpu.memory_space<vmem>>) semaphore(%arg13 : memref<!tpu.dma_semaphore, #tpu.memory_space<semaphore_mem>>)
      %jit3A_1952 = arith.constant 4 : i32
      %div3A_1953 = arith.divsi %add3A_1837, %jit3A_1952 : i32
      %sign3A_1954 = arith.constant 0 : i32
      %sign3A_1955 = arith.cmpi sgt, %add3A_1837, %sign3A_1954 : i32
      %sign3A_1956 = arith.extui %sign3A_1955 : i1 to i32
      %sign3A_1957 = arith.constant 0 : i32
      %sign3A_1958 = arith.cmpi slt, %add3A_1837, %sign3A_1957 : i32
      %sign3A_1959 = arith.extui %sign3A_1958 : i1 to i32
      %sign3A_1960 = arith.subi %sign3A_1956, %sign3A_1959 : i32
      %sign3A_1961 = arith.constant 0 : i32
      %sign3A_1962 = arith.cmpi sgt, %jit3A_1952, %sign3A_1961 : i32
      %sign3A_1963 = arith.extui %sign3A_1962 : i1 to i32
      %sign3A_1964 = arith.constant 0 : i32
      %sign3A_1965 = arith.cmpi slt, %jit3A_1952, %sign3A_1964 : i32
      %sign3A_1966 = arith.extui %sign3A_1965 : i1 to i32
      %sign3A_1967 = arith.subi %sign3A_1963, %sign3A_1966 : i32
      %ne3A_1968 = arith.cmpi ne, %sign3A_1960, %sign3A_1967 : i32
      %rem3A_1969 = arith.remsi %add3A_1837, %jit3A_1952 : i32
      %ne3A_1970 = arith.constant 0 : i32
      %ne3A_1971 = arith.cmpi ne, %rem3A_1969, %ne3A_1970 : i32
      %and3A_1972 = arith.andi %ne3A_1968, %ne3A_1971 : i1
      %sub3A_1973 = arith.constant 1 : i32
      %sub3A_1974 = arith.subi %div3A_1953, %sub3A_1973 : i32
      %select_n3A_1975 = arith.select %and3A_1972, %sub3A_1974, %div3A_1953 : i32
      %jit3A_1976 = arith.constant 4 : i32
      %eq3A_1977 = arith.constant 0 : i32
      %eq3A_1978 = arith.cmpi eq, %jit3A_1976, %eq3A_1977 : i32
      %jit3A_1979 = arith.constant 1 : i32
      %select_n3A_1980 = arith.select %eq3A_1978, %jit3A_1979, %jit3A_1976 : i32
      %rem3A_1981 = arith.remsi %add3A_1837, %select_n3A_1980 : i32
      %ne3A_1982 = arith.constant 0 : i32
      %ne3A_1983 = arith.cmpi ne, %rem3A_1981, %ne3A_1982 : i32
      %lt3A_1984 = arith.constant 0 : i32
      %lt3A_1985 = arith.cmpi slt, %rem3A_1981, %lt3A_1984 : i32
      %lt3A_1986 = arith.constant 0 : i32
      %lt3A_1987 = arith.cmpi slt, %select_n3A_1980, %lt3A_1986 : i32
      %ne3A_1988 = arith.xori %lt3A_1985, %lt3A_1987 : i1
      %and3A_1989 = arith.andi %ne3A_1988, %ne3A_1983 : i1
      %add3A_1990 = arith.addi %rem3A_1981, %select_n3A_1980 : i32
      %select_n3A_1991 = arith.select %and3A_1989, %add3A_1990, %rem3A_1981 : i32
      %mul3A_1992 = arith.constant 128 : i32
      %mul3A_1993 = arith.muli %select_n3A_1991, %mul3A_1992 : i32
      %dma_wait3A_1994 = arith.constant 2 : i32
      %dma_wait3A_1995 = arith.constant 0 : i32
      %dma_wait3A_1996 = arith.constant 0 : i32
      %dma_wait3A_1997 = tpu.memref_slice %arg6[%dma_wait3A_1994, %dma_wait3A_1995, %dma_wait3A_1996] : memref<8x128x64xf32, #tpu.memory_space<vmem>> -> memref<1x128x64xf32, #tpu.memory_space<vmem>>
      %dma_wait3A_1998 = tpu.memref_squeeze %dma_wait3A_1997 : memref<1x128x64xf32, #tpu.memory_space<vmem>> -> memref<128x64xf32, #tpu.memory_space<vmem>>
      %dma_wait3A_1999 = tpu.memref_slice %arg5[%select_n3A_1975, %mul3A_1993] : memref<50x512xi32, #tpu.memory_space<vmem>> -> memref<1x128xi32, #tpu.memory_space<vmem>>
      %dma_wait3A_2000 = tpu.memref_squeeze %dma_wait3A_1999 : memref<1x128xi32, #tpu.memory_space<vmem>> -> memref<128xi32, #tpu.memory_space<vmem>>
      %dma_wait3A_2001 = arith.constant 0 : i32
      %dma_wait3A_2002 = arith.constant 0 : i32
      %dma_wait3A_2003 = tpu.memref_slice %arg3[%dma_wait3A_2001, %dma_wait3A_2002] : memref<1000000x64xf32, #tpu.memory_space<hbm>> -> memref<1000000x64xf32, #tpu.memory_space<hbm>>
      tpu.wait_indirect_dma semaphore(%arg9 : memref<!tpu.dma_semaphore, #tpu.memory_space<semaphore_mem>>) src(%dma_wait3A_2003 : memref<1000000x64xf32, #tpu.memory_space<hbm>>) dst(%dma_wait3A_1998 : memref<128x64xf32, #tpu.memory_space<vmem>>)
      %jit3A_2004 = arith.constant 4 : i32
      %div3A_2005 = arith.divsi %add3A_1837, %jit3A_2004 : i32
      %sign3A_2006 = arith.constant 0 : i32
      %sign3A_2007 = arith.cmpi sgt, %add3A_1837, %sign3A_2006 : i32
      %sign3A_2008 = arith.extui %sign3A_2007 : i1 to i32
      %sign3A_2009 = arith.constant 0 : i32
      %sign3A_2010 = arith.cmpi slt, %add3A_1837, %sign3A_2009 : i32
      %sign3A_2011 = arith.extui %sign3A_2010 : i1 to i32
      %sign3A_2012 = arith.subi %sign3A_2008, %sign3A_2011 : i32
      %sign3A_2013 = arith.constant 0 : i32
      %sign3A_2014 = arith.cmpi sgt, %jit3A_2004, %sign3A_2013 : i32
      %sign3A_2015 = arith.extui %sign3A_2014 : i1 to i32
      %sign3A_2016 = arith.constant 0 : i32
      %sign3A_2017 = arith.cmpi slt, %jit3A_2004, %sign3A_2016 : i32
      %sign3A_2018 = arith.extui %sign3A_2017 : i1 to i32
      %sign3A_2019 = arith.subi %sign3A_2015, %sign3A_2018 : i32
      %ne3A_2020 = arith.cmpi ne, %sign3A_2012, %sign3A_2019 : i32
      %rem3A_2021 = arith.remsi %add3A_1837, %jit3A_2004 : i32
      %ne3A_2022 = arith.constant 0 : i32
      %ne3A_2023 = arith.cmpi ne, %rem3A_2021, %ne3A_2022 : i32
      %and3A_2024 = arith.andi %ne3A_2020, %ne3A_2023 : i1
      %sub3A_2025 = arith.constant 1 : i32
      %sub3A_2026 = arith.subi %div3A_2005, %sub3A_2025 : i32
      %select_n3A_2027 = arith.select %and3A_2024, %sub3A_2026, %div3A_2005 : i32
      %jit3A_2028 = arith.constant 4 : i32
      %eq3A_2029 = arith.constant 0 : i32
      %eq3A_2030 = arith.cmpi eq, %jit3A_2028, %eq3A_2029 : i32
      %jit3A_2031 = arith.constant 1 : i32
      %select_n3A_2032 = arith.select %eq3A_2030, %jit3A_2031, %jit3A_2028 : i32
      %rem3A_2033 = arith.remsi %add3A_1837, %select_n3A_2032 : i32
      %ne3A_2034 = arith.constant 0 : i32
      %ne3A_2035 = arith.cmpi ne, %rem3A_2033, %ne3A_2034 : i32
      %lt3A_2036 = arith.constant 0 : i32
      %lt3A_2037 = arith.cmpi slt, %rem3A_2033, %lt3A_2036 : i32
      %lt3A_2038 = arith.constant 0 : i32
      %lt3A_2039 = arith.cmpi slt, %select_n3A_2032, %lt3A_2038 : i32
      %ne3A_2040 = arith.xori %lt3A_2037, %lt3A_2039 : i1
      %and3A_2041 = arith.andi %ne3A_2040, %ne3A_2035 : i1
      %add3A_2042 = arith.addi %rem3A_2033, %select_n3A_2032 : i32
      %select_n3A_2043 = arith.select %and3A_2041, %add3A_2042, %rem3A_2033 : i32
      %mul3A_2044 = arith.constant 128 : i32
      %mul3A_2045 = arith.muli %select_n3A_2043, %mul3A_2044 : i32
      %add3A_2046 = arith.addi %mul3A_2, %mul3A_2045 : i32
      %dma_start3A_2047 = arith.constant 2 : i32
      %dma_start3A_2048 = arith.constant 0 : i32
      %dma_start3A_2049 = arith.constant 0 : i32
      %dma_start3A_2050 = tpu.memref_slice %arg6[%dma_start3A_2047, %dma_start3A_2048, %dma_start3A_2049] : memref<8x128x64xf32, #tpu.memory_space<vmem>> -> memref<1x128x64xf32, #tpu.memory_space<vmem>>
      %dma_start3A_2051 = tpu.memref_squeeze %dma_start3A_2050 : memref<1x128x64xf32, #tpu.memory_space<vmem>> -> memref<128x64xf32, #tpu.memory_space<vmem>>
      %dma_start3A_2052 = arith.constant 0 : i32
      %dma_start3A_2053 = tpu.memref_slice %arg4[%select_n3A_2027, %add3A_2046, %dma_start3A_2052] : memref<50x16384x64xf32, #tpu.memory_space<hbm>> -> memref<1x128x64xf32, #tpu.memory_space<hbm>>
      %dma_start3A_2054 = tpu.memref_squeeze %dma_start3A_2053 : memref<1x128x64xf32, #tpu.memory_space<hbm>> -> memref<128x64xf32, #tpu.memory_space<hbm>>
      %dma_start3A_2055 = arith.constant 0 : i32
      %dma_start3A_2056 = tpu.memref_slice %arg4[%select_n3A_2027, %add3A_2046, %dma_start3A_2055] : memref<50x16384x64xf32, #tpu.memory_space<hbm>> -> memref<1x128x64xf32, #tpu.memory_space<hbm>>
      %dma_start3A_2057 = tpu.memref_squeeze %dma_start3A_2056 : memref<1x128x64xf32, #tpu.memory_space<hbm>> -> memref<128x64xf32, #tpu.memory_space<hbm>>
      %dma_start3A_2058 = arith.constant 0 : i32
      %dma_start3A_2059 = arith.constant 0 : i32
      %dma_start3A_2060 = tpu.memref_slice %arg6[%dma_start3A_2047, %dma_start3A_2058, %dma_start3A_2059] : memref<8x128x64xf32, #tpu.memory_space<vmem>> -> memref<1x128x64xf32, #tpu.memory_space<vmem>>
      %dma_start3A_2061 = tpu.memref_squeeze %dma_start3A_2060 : memref<1x128x64xf32, #tpu.memory_space<vmem>> -> memref<128x64xf32, #tpu.memory_space<vmem>>
      tpu.enqueue_dma source(%dma_start3A_2061 : memref<128x64xf32, #tpu.memory_space<vmem>>) target(%dma_start3A_2057 : memref<128x64xf32, #tpu.memory_space<hbm>>) target_semaphore(%arg17 : memref<!tpu.dma_semaphore, #tpu.memory_space<semaphore_mem>>)
      %add3A_2062 = arith.constant 7 : i32
      %add3A_2063 = arith.addi %add3A_489, %add3A_2062 : i32
      %sub3A_2064 = arith.constant 4 : i32
      %sub3A_2065 = arith.subi %add3A_2063, %sub3A_2064 : i32
      %jit3A_2066 = arith.constant 4 : i32
      %div3A_2067 = arith.divsi %sub3A_2065, %jit3A_2066 : i32
      %sign3A_2068 = arith.constant 0 : i32
      %sign3A_2069 = arith.cmpi sgt, %sub3A_2065, %sign3A_2068 : i32
      %sign3A_2070 = arith.extui %sign3A_2069 : i1 to i32
      %sign3A_2071 = arith.constant 0 : i32
      %sign3A_2072 = arith.cmpi slt, %sub3A_2065, %sign3A_2071 : i32
      %sign3A_2073 = arith.extui %sign3A_2072 : i1 to i32
      %sign3A_2074 = arith.subi %sign3A_2070, %sign3A_2073 : i32
      %sign3A_2075 = arith.constant 0 : i32
      %sign3A_2076 = arith.cmpi sgt, %jit3A_2066, %sign3A_2075 : i32
      %sign3A_2077 = arith.extui %sign3A_2076 : i1 to i32
      %sign3A_2078 = arith.constant 0 : i32
      %sign3A_2079 = arith.cmpi slt, %jit3A_2066, %sign3A_2078 : i32
      %sign3A_2080 = arith.extui %sign3A_2079 : i1 to i32
      %sign3A_2081 = arith.subi %sign3A_2077, %sign3A_2080 : i32
      %ne3A_2082 = arith.cmpi ne, %sign3A_2074, %sign3A_2081 : i32
      %rem3A_2083 = arith.remsi %sub3A_2065, %jit3A_2066 : i32
      %ne3A_2084 = arith.constant 0 : i32
      %ne3A_2085 = arith.cmpi ne, %rem3A_2083, %ne3A_2084 : i32
      %and3A_2086 = arith.andi %ne3A_2082, %ne3A_2085 : i1
      %sub3A_2087 = arith.constant 1 : i32
      %sub3A_2088 = arith.subi %div3A_2067, %sub3A_2087 : i32
      %select_n3A_2089 = arith.select %and3A_2086, %sub3A_2088, %div3A_2067 : i32
      %jit3A_2090 = arith.constant 4 : i32
      %eq3A_2091 = arith.constant 0 : i32
      %eq3A_2092 = arith.cmpi eq, %jit3A_2090, %eq3A_2091 : i32
      %jit3A_2093 = arith.constant 1 : i32
      %select_n3A_2094 = arith.select %eq3A_2092, %jit3A_2093, %jit3A_2090 : i32
      %rem3A_2095 = arith.remsi %sub3A_2065, %select_n3A_2094 : i32
      %ne3A_2096 = arith.constant 0 : i32
      %ne3A_2097 = arith.cmpi ne, %rem3A_2095, %ne3A_2096 : i32
      %lt3A_2098 = arith.constant 0 : i32
      %lt3A_2099 = arith.cmpi slt, %rem3A_2095, %lt3A_2098 : i32
      %lt3A_2100 = arith.constant 0 : i32
      %lt3A_2101 = arith.cmpi slt, %select_n3A_2094, %lt3A_2100 : i32
      %ne3A_2102 = arith.xori %lt3A_2099, %lt3A_2101 : i1
      %and3A_2103 = arith.andi %ne3A_2102, %ne3A_2097 : i1
      %add3A_2104 = arith.addi %rem3A_2095, %select_n3A_2094 : i32
      %select_n3A_2105 = arith.select %and3A_2103, %add3A_2104, %rem3A_2095 : i32
      %mul3A_2106 = arith.constant 128 : i32
      %mul3A_2107 = arith.muli %select_n3A_2105, %mul3A_2106 : i32
      %add3A_2108 = arith.addi %mul3A_2, %mul3A_2107 : i32
      %dma_wait3A_2109 = arith.constant 7 : i32
      %dma_wait3A_2110 = arith.constant 0 : i32
      %dma_wait3A_2111 = arith.constant 0 : i32
      %dma_wait3A_2112 = tpu.memref_slice %arg6[%dma_wait3A_2109, %dma_wait3A_2110, %dma_wait3A_2111] : memref<8x128x64xf32, #tpu.memory_space<vmem>> -> memref<1x128x64xf32, #tpu.memory_space<vmem>>
      %dma_wait3A_2113 = tpu.memref_squeeze %dma_wait3A_2112 : memref<1x128x64xf32, #tpu.memory_space<vmem>> -> memref<128x64xf32, #tpu.memory_space<vmem>>
      %dma_wait3A_2114 = arith.constant 0 : i32
      %dma_wait3A_2115 = tpu.memref_slice %arg4[%select_n3A_2089, %add3A_2108, %dma_wait3A_2114] : memref<50x16384x64xf32, #tpu.memory_space<hbm>> -> memref<1x128x64xf32, #tpu.memory_space<hbm>>
      %dma_wait3A_2116 = tpu.memref_squeeze %dma_wait3A_2115 : memref<1x128x64xf32, #tpu.memory_space<hbm>> -> memref<128x64xf32, #tpu.memory_space<hbm>>
      %dma_wait3A_2117 = arith.constant 0 : i32
      %dma_wait3A_2118 = tpu.memref_slice %arg4[%select_n3A_2089, %add3A_2108, %dma_wait3A_2117] : memref<50x16384x64xf32, #tpu.memory_space<hbm>> -> memref<1x128x64xf32, #tpu.memory_space<hbm>>
      %dma_wait3A_2119 = tpu.memref_squeeze %dma_wait3A_2118 : memref<1x128x64xf32, #tpu.memory_space<hbm>> -> memref<128x64xf32, #tpu.memory_space<hbm>>
      %dma_wait3A_2120 = arith.constant 0 : i32
      %dma_wait3A_2121 = arith.constant 0 : i32
      %dma_wait3A_2122 = tpu.memref_slice %arg6[%dma_wait3A_2109, %dma_wait3A_2120, %dma_wait3A_2121] : memref<8x128x64xf32, #tpu.memory_space<vmem>> -> memref<1x128x64xf32, #tpu.memory_space<vmem>>
      %dma_wait3A_2123 = tpu.memref_squeeze %dma_wait3A_2122 : memref<1x128x64xf32, #tpu.memory_space<vmem>> -> memref<128x64xf32, #tpu.memory_space<vmem>>
      tpu.wait_dma2 semaphore(%arg22 : memref<!tpu.dma_semaphore, #tpu.memory_space<semaphore_mem>>) src(%dma_wait3A_2123 : memref<128x64xf32, #tpu.memory_space<vmem>>) dst(%dma_wait3A_2119 : memref<128x64xf32, #tpu.memory_space<hbm>>)
      %add3A_2124 = arith.constant 4 : i32
      %add3A_2125 = arith.addi %add3A_2063, %add3A_2124 : i32
      %jit3A_2126 = arith.constant 4 : i32
      %div3A_2127 = arith.divsi %add3A_2125, %jit3A_2126 : i32
      %sign3A_2128 = arith.constant 0 : i32
      %sign3A_2129 = arith.cmpi sgt, %add3A_2125, %sign3A_2128 : i32
      %sign3A_2130 = arith.extui %sign3A_2129 : i1 to i32
      %sign3A_2131 = arith.constant 0 : i32
      %sign3A_2132 = arith.cmpi slt, %add3A_2125, %sign3A_2131 : i32
      %sign3A_2133 = arith.extui %sign3A_2132 : i1 to i32
      %sign3A_2134 = arith.subi %sign3A_2130, %sign3A_2133 : i32
      %sign3A_2135 = arith.constant 0 : i32
      %sign3A_2136 = arith.cmpi sgt, %jit3A_2126, %sign3A_2135 : i32
      %sign3A_2137 = arith.extui %sign3A_2136 : i1 to i32
      %sign3A_2138 = arith.constant 0 : i32
      %sign3A_2139 = arith.cmpi slt, %jit3A_2126, %sign3A_2138 : i32
      %sign3A_2140 = arith.extui %sign3A_2139 : i1 to i32
      %sign3A_2141 = arith.subi %sign3A_2137, %sign3A_2140 : i32
      %ne3A_2142 = arith.cmpi ne, %sign3A_2134, %sign3A_2141 : i32
      %rem3A_2143 = arith.remsi %add3A_2125, %jit3A_2126 : i32
      %ne3A_2144 = arith.constant 0 : i32
      %ne3A_2145 = arith.cmpi ne, %rem3A_2143, %ne3A_2144 : i32
      %and3A_2146 = arith.andi %ne3A_2142, %ne3A_2145 : i1
      %sub3A_2147 = arith.constant 1 : i32
      %sub3A_2148 = arith.subi %div3A_2127, %sub3A_2147 : i32
      %select_n3A_2149 = arith.select %and3A_2146, %sub3A_2148, %div3A_2127 : i32
      %jit3A_2150 = arith.constant 4 : i32
      %eq3A_2151 = arith.constant 0 : i32
      %eq3A_2152 = arith.cmpi eq, %jit3A_2150, %eq3A_2151 : i32
      %jit3A_2153 = arith.constant 1 : i32
      %select_n3A_2154 = arith.select %eq3A_2152, %jit3A_2153, %jit3A_2150 : i32
      %rem3A_2155 = arith.remsi %add3A_2125, %select_n3A_2154 : i32
      %ne3A_2156 = arith.constant 0 : i32
      %ne3A_2157 = arith.cmpi ne, %rem3A_2155, %ne3A_2156 : i32
      %lt3A_2158 = arith.constant 0 : i32
      %lt3A_2159 = arith.cmpi slt, %rem3A_2155, %lt3A_2158 : i32
      %lt3A_2160 = arith.constant 0 : i32
      %lt3A_2161 = arith.cmpi slt, %select_n3A_2154, %lt3A_2160 : i32
      %ne3A_2162 = arith.xori %lt3A_2159, %lt3A_2161 : i1
      %and3A_2163 = arith.andi %ne3A_2162, %ne3A_2157 : i1
      %add3A_2164 = arith.addi %rem3A_2155, %select_n3A_2154 : i32
      %select_n3A_2165 = arith.select %and3A_2163, %add3A_2164, %rem3A_2155 : i32
      %mul3A_2166 = arith.constant 128 : i32
      %mul3A_2167 = arith.muli %select_n3A_2165, %mul3A_2166 : i32
      %dma_start3A_2168 = arith.constant 7 : i32
      %dma_start3A_2169 = arith.constant 0 : i32
      %dma_start3A_2170 = arith.constant 0 : i32
      %dma_start3A_2171 = tpu.memref_slice %arg6[%dma_start3A_2168, %dma_start3A_2169, %dma_start3A_2170] : memref<8x128x64xf32, #tpu.memory_space<vmem>> -> memref<1x128x64xf32, #tpu.memory_space<vmem>>
      %dma_start3A_2172 = tpu.memref_squeeze %dma_start3A_2171 : memref<1x128x64xf32, #tpu.memory_space<vmem>> -> memref<128x64xf32, #tpu.memory_space<vmem>>
      %dma_start3A_2173 = tpu.memref_slice %arg5[%select_n3A_2149, %mul3A_2167] : memref<50x512xi32, #tpu.memory_space<vmem>> -> memref<1x128xi32, #tpu.memory_space<vmem>>
      %dma_start3A_2174 = tpu.memref_squeeze %dma_start3A_2173 : memref<1x128xi32, #tpu.memory_space<vmem>> -> memref<128xi32, #tpu.memory_space<vmem>>
      %dma_start3A_2175 = arith.constant 0 : i32
      %dma_start3A_2176 = arith.constant 0 : i32
      %dma_start3A_2177 = tpu.memref_slice %arg3[%dma_start3A_2175, %dma_start3A_2176] : memref<1000000x64xf32, #tpu.memory_space<hbm>> -> memref<1000000x64xf32, #tpu.memory_space<hbm>>
      tpu.enqueue_indirect_dma source(%dma_start3A_2177 : memref<1000000x64xf32, #tpu.memory_space<hbm>>) target(%dma_start3A_2172 : memref<128x64xf32, #tpu.memory_space<vmem>>) offsets(%dma_start3A_2174 : memref<128xi32, #tpu.memory_space<vmem>>) semaphore(%arg14 : memref<!tpu.dma_semaphore, #tpu.memory_space<semaphore_mem>>)
      %jit3A_2178 = arith.constant 4 : i32
      %div3A_2179 = arith.divsi %add3A_2063, %jit3A_2178 : i32
      %sign3A_2180 = arith.constant 0 : i32
      %sign3A_2181 = arith.cmpi sgt, %add3A_2063, %sign3A_2180 : i32
      %sign3A_2182 = arith.extui %sign3A_2181 : i1 to i32
      %sign3A_2183 = arith.constant 0 : i32
      %sign3A_2184 = arith.cmpi slt, %add3A_2063, %sign3A_2183 : i32
      %sign3A_2185 = arith.extui %sign3A_2184 : i1 to i32
      %sign3A_2186 = arith.subi %sign3A_2182, %sign3A_2185 : i32
      %sign3A_2187 = arith.constant 0 : i32
      %sign3A_2188 = arith.cmpi sgt, %jit3A_2178, %sign3A_2187 : i32
      %sign3A_2189 = arith.extui %sign3A_2188 : i1 to i32
      %sign3A_2190 = arith.constant 0 : i32
      %sign3A_2191 = arith.cmpi slt, %jit3A_2178, %sign3A_2190 : i32
      %sign3A_2192 = arith.extui %sign3A_2191 : i1 to i32
      %sign3A_2193 = arith.subi %sign3A_2189, %sign3A_2192 : i32
      %ne3A_2194 = arith.cmpi ne, %sign3A_2186, %sign3A_2193 : i32
      %rem3A_2195 = arith.remsi %add3A_2063, %jit3A_2178 : i32
      %ne3A_2196 = arith.constant 0 : i32
      %ne3A_2197 = arith.cmpi ne, %rem3A_2195, %ne3A_2196 : i32
      %and3A_2198 = arith.andi %ne3A_2194, %ne3A_2197 : i1
      %sub3A_2199 = arith.constant 1 : i32
      %sub3A_2200 = arith.subi %div3A_2179, %sub3A_2199 : i32
      %select_n3A_2201 = arith.select %and3A_2198, %sub3A_2200, %div3A_2179 : i32
      %jit3A_2202 = arith.constant 4 : i32
      %eq3A_2203 = arith.constant 0 : i32
      %eq3A_2204 = arith.cmpi eq, %jit3A_2202, %eq3A_2203 : i32
      %jit3A_2205 = arith.constant 1 : i32
      %select_n3A_2206 = arith.select %eq3A_2204, %jit3A_2205, %jit3A_2202 : i32
      %rem3A_2207 = arith.remsi %add3A_2063, %select_n3A_2206 : i32
      %ne3A_2208 = arith.constant 0 : i32
      %ne3A_2209 = arith.cmpi ne, %rem3A_2207, %ne3A_2208 : i32
      %lt3A_2210 = arith.constant 0 : i32
      %lt3A_2211 = arith.cmpi slt, %rem3A_2207, %lt3A_2210 : i32
      %lt3A_2212 = arith.constant 0 : i32
      %lt3A_2213 = arith.cmpi slt, %select_n3A_2206, %lt3A_2212 : i32
      %ne3A_2214 = arith.xori %lt3A_2211, %lt3A_2213 : i1
      %and3A_2215 = arith.andi %ne3A_2214, %ne3A_2209 : i1
      %add3A_2216 = arith.addi %rem3A_2207, %select_n3A_2206 : i32
      %select_n3A_2217 = arith.select %and3A_2215, %add3A_2216, %rem3A_2207 : i32
      %mul3A_2218 = arith.constant 128 : i32
      %mul3A_2219 = arith.muli %select_n3A_2217, %mul3A_2218 : i32
      %dma_wait3A_2220 = arith.constant 3 : i32
      %dma_wait3A_2221 = arith.constant 0 : i32
      %dma_wait3A_2222 = arith.constant 0 : i32
      %dma_wait3A_2223 = tpu.memref_slice %arg6[%dma_wait3A_2220, %dma_wait3A_2221, %dma_wait3A_2222] : memref<8x128x64xf32, #tpu.memory_space<vmem>> -> memref<1x128x64xf32, #tpu.memory_space<vmem>>
      %dma_wait3A_2224 = tpu.memref_squeeze %dma_wait3A_2223 : memref<1x128x64xf32, #tpu.memory_space<vmem>> -> memref<128x64xf32, #tpu.memory_space<vmem>>
      %dma_wait3A_2225 = tpu.memref_slice %arg5[%select_n3A_2201, %mul3A_2219] : memref<50x512xi32, #tpu.memory_space<vmem>> -> memref<1x128xi32, #tpu.memory_space<vmem>>
      %dma_wait3A_2226 = tpu.memref_squeeze %dma_wait3A_2225 : memref<1x128xi32, #tpu.memory_space<vmem>> -> memref<128xi32, #tpu.memory_space<vmem>>
      %dma_wait3A_2227 = arith.constant 0 : i32
      %dma_wait3A_2228 = arith.constant 0 : i32
      %dma_wait3A_2229 = tpu.memref_slice %arg3[%dma_wait3A_2227, %dma_wait3A_2228] : memref<1000000x64xf32, #tpu.memory_space<hbm>> -> memref<1000000x64xf32, #tpu.memory_space<hbm>>
      tpu.wait_indirect_dma semaphore(%arg10 : memref<!tpu.dma_semaphore, #tpu.memory_space<semaphore_mem>>) src(%dma_wait3A_2229 : memref<1000000x64xf32, #tpu.memory_space<hbm>>) dst(%dma_wait3A_2224 : memref<128x64xf32, #tpu.memory_space<vmem>>)
      %jit3A_2230 = arith.constant 4 : i32
      %div3A_2231 = arith.divsi %add3A_2063, %jit3A_2230 : i32
      %sign3A_2232 = arith.constant 0 : i32
      %sign3A_2233 = arith.cmpi sgt, %add3A_2063, %sign3A_2232 : i32
      %sign3A_2234 = arith.extui %sign3A_2233 : i1 to i32
      %sign3A_2235 = arith.constant 0 : i32
      %sign3A_2236 = arith.cmpi slt, %add3A_2063, %sign3A_2235 : i32
      %sign3A_2237 = arith.extui %sign3A_2236 : i1 to i32
      %sign3A_2238 = arith.subi %sign3A_2234, %sign3A_2237 : i32
      %sign3A_2239 = arith.constant 0 : i32
      %sign3A_2240 = arith.cmpi sgt, %jit3A_2230, %sign3A_2239 : i32
      %sign3A_2241 = arith.extui %sign3A_2240 : i1 to i32
      %sign3A_2242 = arith.constant 0 : i32
      %sign3A_2243 = arith.cmpi slt, %jit3A_2230, %sign3A_2242 : i32
      %sign3A_2244 = arith.extui %sign3A_2243 : i1 to i32
      %sign3A_2245 = arith.subi %sign3A_2241, %sign3A_2244 : i32
      %ne3A_2246 = arith.cmpi ne, %sign3A_2238, %sign3A_2245 : i32
      %rem3A_2247 = arith.remsi %add3A_2063, %jit3A_2230 : i32
      %ne3A_2248 = arith.constant 0 : i32
      %ne3A_2249 = arith.cmpi ne, %rem3A_2247, %ne3A_2248 : i32
      %and3A_2250 = arith.andi %ne3A_2246, %ne3A_2249 : i1
      %sub3A_2251 = arith.constant 1 : i32
      %sub3A_2252 = arith.subi %div3A_2231, %sub3A_2251 : i32
      %select_n3A_2253 = arith.select %and3A_2250, %sub3A_2252, %div3A_2231 : i32
      %jit3A_2254 = arith.constant 4 : i32
      %eq3A_2255 = arith.constant 0 : i32
      %eq3A_2256 = arith.cmpi eq, %jit3A_2254, %eq3A_2255 : i32
      %jit3A_2257 = arith.constant 1 : i32
      %select_n3A_2258 = arith.select %eq3A_2256, %jit3A_2257, %jit3A_2254 : i32
      %rem3A_2259 = arith.remsi %add3A_2063, %select_n3A_2258 : i32
      %ne3A_2260 = arith.constant 0 : i32
      %ne3A_2261 = arith.cmpi ne, %rem3A_2259, %ne3A_2260 : i32
      %lt3A_2262 = arith.constant 0 : i32
      %lt3A_2263 = arith.cmpi slt, %rem3A_2259, %lt3A_2262 : i32
      %lt3A_2264 = arith.constant 0 : i32
      %lt3A_2265 = arith.cmpi slt, %select_n3A_2258, %lt3A_2264 : i32
      %ne3A_2266 = arith.xori %lt3A_2263, %lt3A_2265 : i1
      %and3A_2267 = arith.andi %ne3A_2266, %ne3A_2261 : i1
      %add3A_2268 = arith.addi %rem3A_2259, %select_n3A_2258 : i32
      %select_n3A_2269 = arith.select %and3A_2267, %add3A_2268, %rem3A_2259 : i32
      %mul3A_2270 = arith.constant 128 : i32
      %mul3A_2271 = arith.muli %select_n3A_2269, %mul3A_2270 : i32
      %add3A_2272 = arith.addi %mul3A_2, %mul3A_2271 : i32
      %dma_start3A_2273 = arith.constant 3 : i32
      %dma_start3A_2274 = arith.constant 0 : i32
      %dma_start3A_2275 = arith.constant 0 : i32
      %dma_start3A_2276 = tpu.memref_slice %arg6[%dma_start3A_2273, %dma_start3A_2274, %dma_start3A_2275] : memref<8x128x64xf32, #tpu.memory_space<vmem>> -> memref<1x128x64xf32, #tpu.memory_space<vmem>>
      %dma_start3A_2277 = tpu.memref_squeeze %dma_start3A_2276 : memref<1x128x64xf32, #tpu.memory_space<vmem>> -> memref<128x64xf32, #tpu.memory_space<vmem>>
      %dma_start3A_2278 = arith.constant 0 : i32
      %dma_start3A_2279 = tpu.memref_slice %arg4[%select_n3A_2253, %add3A_2272, %dma_start3A_2278] : memref<50x16384x64xf32, #tpu.memory_space<hbm>> -> memref<1x128x64xf32, #tpu.memory_space<hbm>>
      %dma_start3A_2280 = tpu.memref_squeeze %dma_start3A_2279 : memref<1x128x64xf32, #tpu.memory_space<hbm>> -> memref<128x64xf32, #tpu.memory_space<hbm>>
      %dma_start3A_2281 = arith.constant 0 : i32
      %dma_start3A_2282 = tpu.memref_slice %arg4[%select_n3A_2253, %add3A_2272, %dma_start3A_2281] : memref<50x16384x64xf32, #tpu.memory_space<hbm>> -> memref<1x128x64xf32, #tpu.memory_space<hbm>>
      %dma_start3A_2283 = tpu.memref_squeeze %dma_start3A_2282 : memref<1x128x64xf32, #tpu.memory_space<hbm>> -> memref<128x64xf32, #tpu.memory_space<hbm>>
      %dma_start3A_2284 = arith.constant 0 : i32
      %dma_start3A_2285 = arith.constant 0 : i32
      %dma_start3A_2286 = tpu.memref_slice %arg6[%dma_start3A_2273, %dma_start3A_2284, %dma_start3A_2285] : memref<8x128x64xf32, #tpu.memory_space<vmem>> -> memref<1x128x64xf32, #tpu.memory_space<vmem>>
      %dma_start3A_2287 = tpu.memref_squeeze %dma_start3A_2286 : memref<1x128x64xf32, #tpu.memory_space<vmem>> -> memref<128x64xf32, #tpu.memory_space<vmem>>
      tpu.enqueue_dma source(%dma_start3A_2287 : memref<128x64xf32, #tpu.memory_space<vmem>>) target(%dma_start3A_2283 : memref<128x64xf32, #tpu.memory_space<hbm>>) target_semaphore(%arg18 : memref<!tpu.dma_semaphore, #tpu.memory_space<semaphore_mem>>)
    }
    %scan3A_220 = arith.constant 24 : i32
    %dma_wait3A_221 = arith.constant 49 : i32
    %dma_wait3A_222 = arith.constant 4 : i32
    %dma_wait3A_223 = arith.constant 0 : i32
    %dma_wait3A_224 = arith.constant 0 : i32
    %dma_wait3A_225 = tpu.memref_slice %arg6[%dma_wait3A_222, %dma_wait3A_223, %dma_wait3A_224] : memref<8x128x64xf32, #tpu.memory_space<vmem>> -> memref<1x128x64xf32, #tpu.memory_space<vmem>>
    %dma_wait3A_226 = tpu.memref_squeeze %dma_wait3A_225 : memref<1x128x64xf32, #tpu.memory_space<vmem>> -> memref<128x64xf32, #tpu.memory_space<vmem>>
    %dma_wait3A_227 = arith.constant 0 : i32
    %dma_wait3A_228 = tpu.memref_slice %arg5[%dma_wait3A_221, %dma_wait3A_227] : memref<50x512xi32, #tpu.memory_space<vmem>> -> memref<1x128xi32, #tpu.memory_space<vmem>>
    %dma_wait3A_229 = tpu.memref_squeeze %dma_wait3A_228 : memref<1x128xi32, #tpu.memory_space<vmem>> -> memref<128xi32, #tpu.memory_space<vmem>>
    %dma_wait3A_230 = arith.constant 0 : i32
    %dma_wait3A_231 = arith.constant 0 : i32
    %dma_wait3A_232 = tpu.memref_slice %arg3[%dma_wait3A_230, %dma_wait3A_231] : memref<1000000x64xf32, #tpu.memory_space<hbm>> -> memref<1000000x64xf32, #tpu.memory_space<hbm>>
    tpu.wait_indirect_dma semaphore(%arg11 : memref<!tpu.dma_semaphore, #tpu.memory_space<semaphore_mem>>) src(%dma_wait3A_232 : memref<1000000x64xf32, #tpu.memory_space<hbm>>) dst(%dma_wait3A_226 : memref<128x64xf32, #tpu.memory_space<vmem>>)
    %add3A_233 = arith.constant 0 : i32
    %add3A_234 = arith.addi %mul3A_2, %add3A_233 : i32
    %dma_start3A_235 = arith.constant 4 : i32
    %dma_start3A_236 = arith.constant 49 : i32
    %dma_start3A_237 = arith.constant 0 : i32
    %dma_start3A_238 = arith.constant 0 : i32
    %dma_start3A_239 = tpu.memref_slice %arg6[%dma_start3A_235, %dma_start3A_237, %dma_start3A_238] : memref<8x128x64xf32, #tpu.memory_space<vmem>> -> memref<1x128x64xf32, #tpu.memory_space<vmem>>
    %dma_start3A_240 = tpu.memref_squeeze %dma_start3A_239 : memref<1x128x64xf32, #tpu.memory_space<vmem>> -> memref<128x64xf32, #tpu.memory_space<vmem>>
    %dma_start3A_241 = arith.constant 0 : i32
    %dma_start3A_242 = tpu.memref_slice %arg4[%dma_start3A_236, %add3A_234, %dma_start3A_241] : memref<50x16384x64xf32, #tpu.memory_space<hbm>> -> memref<1x128x64xf32, #tpu.memory_space<hbm>>
    %dma_start3A_243 = tpu.memref_squeeze %dma_start3A_242 : memref<1x128x64xf32, #tpu.memory_space<hbm>> -> memref<128x64xf32, #tpu.memory_space<hbm>>
    %dma_start3A_244 = arith.constant 0 : i32
    %dma_start3A_245 = tpu.memref_slice %arg4[%dma_start3A_236, %add3A_234, %dma_start3A_244] : memref<50x16384x64xf32, #tpu.memory_space<hbm>> -> memref<1x128x64xf32, #tpu.memory_space<hbm>>
    %dma_start3A_246 = tpu.memref_squeeze %dma_start3A_245 : memref<1x128x64xf32, #tpu.memory_space<hbm>> -> memref<128x64xf32, #tpu.memory_space<hbm>>
    %dma_start3A_247 = arith.constant 0 : i32
    %dma_start3A_248 = arith.constant 0 : i32
    %dma_start3A_249 = tpu.memref_slice %arg6[%dma_start3A_235, %dma_start3A_247, %dma_start3A_248] : memref<8x128x64xf32, #tpu.memory_space<vmem>> -> memref<1x128x64xf32, #tpu.memory_space<vmem>>
    %dma_start3A_250 = tpu.memref_squeeze %dma_start3A_249 : memref<1x128x64xf32, #tpu.memory_space<vmem>> -> memref<128x64xf32, #tpu.memory_space<vmem>>
    tpu.enqueue_dma source(%dma_start3A_250 : memref<128x64xf32, #tpu.memory_space<vmem>>) target(%dma_start3A_246 : memref<128x64xf32, #tpu.memory_space<hbm>>) target_semaphore(%arg19 : memref<!tpu.dma_semaphore, #tpu.memory_space<semaphore_mem>>)
    %dma_wait3A_251 = arith.constant 49 : i32
    %dma_wait3A_252 = arith.constant 5 : i32
    %dma_wait3A_253 = arith.constant 0 : i32
    %dma_wait3A_254 = arith.constant 0 : i32
    %dma_wait3A_255 = tpu.memref_slice %arg6[%dma_wait3A_252, %dma_wait3A_253, %dma_wait3A_254] : memref<8x128x64xf32, #tpu.memory_space<vmem>> -> memref<1x128x64xf32, #tpu.memory_space<vmem>>
    %dma_wait3A_256 = tpu.memref_squeeze %dma_wait3A_255 : memref<1x128x64xf32, #tpu.memory_space<vmem>> -> memref<128x64xf32, #tpu.memory_space<vmem>>
    %dma_wait3A_257 = arith.constant 128 : i32
    %dma_wait3A_258 = tpu.memref_slice %arg5[%dma_wait3A_251, %dma_wait3A_257] : memref<50x512xi32, #tpu.memory_space<vmem>> -> memref<1x128xi32, #tpu.memory_space<vmem>>
    %dma_wait3A_259 = tpu.memref_squeeze %dma_wait3A_258 : memref<1x128xi32, #tpu.memory_space<vmem>> -> memref<128xi32, #tpu.memory_space<vmem>>
    %dma_wait3A_260 = arith.constant 0 : i32
    %dma_wait3A_261 = arith.constant 0 : i32
    %dma_wait3A_262 = tpu.memref_slice %arg3[%dma_wait3A_260, %dma_wait3A_261] : memref<1000000x64xf32, #tpu.memory_space<hbm>> -> memref<1000000x64xf32, #tpu.memory_space<hbm>>
    tpu.wait_indirect_dma semaphore(%arg12 : memref<!tpu.dma_semaphore, #tpu.memory_space<semaphore_mem>>) src(%dma_wait3A_262 : memref<1000000x64xf32, #tpu.memory_space<hbm>>) dst(%dma_wait3A_256 : memref<128x64xf32, #tpu.memory_space<vmem>>)
    %add3A_263 = arith.constant 128 : i32
    %add3A_264 = arith.addi %mul3A_2, %add3A_263 : i32
    %dma_start3A_265 = arith.constant 5 : i32
    %dma_start3A_266 = arith.constant 49 : i32
    %dma_start3A_267 = arith.constant 0 : i32
    %dma_start3A_268 = arith.constant 0 : i32
    %dma_start3A_269 = tpu.memref_slice %arg6[%dma_start3A_265, %dma_start3A_267, %dma_start3A_268] : memref<8x128x64xf32, #tpu.memory_space<vmem>> -> memref<1x128x64xf32, #tpu.memory_space<vmem>>
    %dma_start3A_270 = tpu.memref_squeeze %dma_start3A_269 : memref<1x128x64xf32, #tpu.memory_space<vmem>> -> memref<128x64xf32, #tpu.memory_space<vmem>>
    %dma_start3A_271 = arith.constant 0 : i32
    %dma_start3A_272 = tpu.memref_slice %arg4[%dma_start3A_266, %add3A_264, %dma_start3A_271] : memref<50x16384x64xf32, #tpu.memory_space<hbm>> -> memref<1x128x64xf32, #tpu.memory_space<hbm>>
    %dma_start3A_273 = tpu.memref_squeeze %dma_start3A_272 : memref<1x128x64xf32, #tpu.memory_space<hbm>> -> memref<128x64xf32, #tpu.memory_space<hbm>>
    %dma_start3A_274 = arith.constant 0 : i32
    %dma_start3A_275 = tpu.memref_slice %arg4[%dma_start3A_266, %add3A_264, %dma_start3A_274] : memref<50x16384x64xf32, #tpu.memory_space<hbm>> -> memref<1x128x64xf32, #tpu.memory_space<hbm>>
    %dma_start3A_276 = tpu.memref_squeeze %dma_start3A_275 : memref<1x128x64xf32, #tpu.memory_space<hbm>> -> memref<128x64xf32, #tpu.memory_space<hbm>>
    %dma_start3A_277 = arith.constant 0 : i32
    %dma_start3A_278 = arith.constant 0 : i32
    %dma_start3A_279 = tpu.memref_slice %arg6[%dma_start3A_265, %dma_start3A_277, %dma_start3A_278] : memref<8x128x64xf32, #tpu.memory_space<vmem>> -> memref<1x128x64xf32, #tpu.memory_space<vmem>>
    %dma_start3A_280 = tpu.memref_squeeze %dma_start3A_279 : memref<1x128x64xf32, #tpu.memory_space<vmem>> -> memref<128x64xf32, #tpu.memory_space<vmem>>
    tpu.enqueue_dma source(%dma_start3A_280 : memref<128x64xf32, #tpu.memory_space<vmem>>) target(%dma_start3A_276 : memref<128x64xf32, #tpu.memory_space<hbm>>) target_semaphore(%arg20 : memref<!tpu.dma_semaphore, #tpu.memory_space<semaphore_mem>>)
    %dma_wait3A_281 = arith.constant 49 : i32
    %dma_wait3A_282 = arith.constant 6 : i32
    %dma_wait3A_283 = arith.constant 0 : i32
    %dma_wait3A_284 = arith.constant 0 : i32
    %dma_wait3A_285 = tpu.memref_slice %arg6[%dma_wait3A_282, %dma_wait3A_283, %dma_wait3A_284] : memref<8x128x64xf32, #tpu.memory_space<vmem>> -> memref<1x128x64xf32, #tpu.memory_space<vmem>>
    %dma_wait3A_286 = tpu.memref_squeeze %dma_wait3A_285 : memref<1x128x64xf32, #tpu.memory_space<vmem>> -> memref<128x64xf32, #tpu.memory_space<vmem>>
    %dma_wait3A_287 = arith.constant 256 : i32
    %dma_wait3A_288 = tpu.memref_slice %arg5[%dma_wait3A_281, %dma_wait3A_287] : memref<50x512xi32, #tpu.memory_space<vmem>> -> memref<1x128xi32, #tpu.memory_space<vmem>>
    %dma_wait3A_289 = tpu.memref_squeeze %dma_wait3A_288 : memref<1x128xi32, #tpu.memory_space<vmem>> -> memref<128xi32, #tpu.memory_space<vmem>>
    %dma_wait3A_290 = arith.constant 0 : i32
    %dma_wait3A_291 = arith.constant 0 : i32
    %dma_wait3A_292 = tpu.memref_slice %arg3[%dma_wait3A_290, %dma_wait3A_291] : memref<1000000x64xf32, #tpu.memory_space<hbm>> -> memref<1000000x64xf32, #tpu.memory_space<hbm>>
    tpu.wait_indirect_dma semaphore(%arg13 : memref<!tpu.dma_semaphore, #tpu.memory_space<semaphore_mem>>) src(%dma_wait3A_292 : memref<1000000x64xf32, #tpu.memory_space<hbm>>) dst(%dma_wait3A_286 : memref<128x64xf32, #tpu.memory_space<vmem>>)
    %add3A_293 = arith.constant 256 : i32
    %add3A_294 = arith.addi %mul3A_2, %add3A_293 : i32
    %dma_start3A_295 = arith.constant 6 : i32
    %dma_start3A_296 = arith.constant 49 : i32
    %dma_start3A_297 = arith.constant 0 : i32
    %dma_start3A_298 = arith.constant 0 : i32
    %dma_start3A_299 = tpu.memref_slice %arg6[%dma_start3A_295, %dma_start3A_297, %dma_start3A_298] : memref<8x128x64xf32, #tpu.memory_space<vmem>> -> memref<1x128x64xf32, #tpu.memory_space<vmem>>
    %dma_start3A_300 = tpu.memref_squeeze %dma_start3A_299 : memref<1x128x64xf32, #tpu.memory_space<vmem>> -> memref<128x64xf32, #tpu.memory_space<vmem>>
    %dma_start3A_301 = arith.constant 0 : i32
    %dma_start3A_302 = tpu.memref_slice %arg4[%dma_start3A_296, %add3A_294, %dma_start3A_301] : memref<50x16384x64xf32, #tpu.memory_space<hbm>> -> memref<1x128x64xf32, #tpu.memory_space<hbm>>
    %dma_start3A_303 = tpu.memref_squeeze %dma_start3A_302 : memref<1x128x64xf32, #tpu.memory_space<hbm>> -> memref<128x64xf32, #tpu.memory_space<hbm>>
    %dma_start3A_304 = arith.constant 0 : i32
    %dma_start3A_305 = tpu.memref_slice %arg4[%dma_start3A_296, %add3A_294, %dma_start3A_304] : memref<50x16384x64xf32, #tpu.memory_space<hbm>> -> memref<1x128x64xf32, #tpu.memory_space<hbm>>
    %dma_start3A_306 = tpu.memref_squeeze %dma_start3A_305 : memref<1x128x64xf32, #tpu.memory_space<hbm>> -> memref<128x64xf32, #tpu.memory_space<hbm>>
    %dma_start3A_307 = arith.constant 0 : i32
    %dma_start3A_308 = arith.constant 0 : i32
    %dma_start3A_309 = tpu.memref_slice %arg6[%dma_start3A_295, %dma_start3A_307, %dma_start3A_308] : memref<8x128x64xf32, #tpu.memory_space<vmem>> -> memref<1x128x64xf32, #tpu.memory_space<vmem>>
    %dma_start3A_310 = tpu.memref_squeeze %dma_start3A_309 : memref<1x128x64xf32, #tpu.memory_space<vmem>> -> memref<128x64xf32, #tpu.memory_space<vmem>>
    tpu.enqueue_dma source(%dma_start3A_310 : memref<128x64xf32, #tpu.memory_space<vmem>>) target(%dma_start3A_306 : memref<128x64xf32, #tpu.memory_space<hbm>>) target_semaphore(%arg21 : memref<!tpu.dma_semaphore, #tpu.memory_space<semaphore_mem>>)
    %dma_wait3A_311 = arith.constant 49 : i32
    %dma_wait3A_312 = arith.constant 7 : i32
    %dma_wait3A_313 = arith.constant 0 : i32
    %dma_wait3A_314 = arith.constant 0 : i32
    %dma_wait3A_315 = tpu.memref_slice %arg6[%dma_wait3A_312, %dma_wait3A_313, %dma_wait3A_314] : memref<8x128x64xf32, #tpu.memory_space<vmem>> -> memref<1x128x64xf32, #tpu.memory_space<vmem>>
    %dma_wait3A_316 = tpu.memref_squeeze %dma_wait3A_315 : memref<1x128x64xf32, #tpu.memory_space<vmem>> -> memref<128x64xf32, #tpu.memory_space<vmem>>
    %dma_wait3A_317 = arith.constant 384 : i32
    %dma_wait3A_318 = tpu.memref_slice %arg5[%dma_wait3A_311, %dma_wait3A_317] : memref<50x512xi32, #tpu.memory_space<vmem>> -> memref<1x128xi32, #tpu.memory_space<vmem>>
    %dma_wait3A_319 = tpu.memref_squeeze %dma_wait3A_318 : memref<1x128xi32, #tpu.memory_space<vmem>> -> memref<128xi32, #tpu.memory_space<vmem>>
    %dma_wait3A_320 = arith.constant 0 : i32
    %dma_wait3A_321 = arith.constant 0 : i32
    %dma_wait3A_322 = tpu.memref_slice %arg3[%dma_wait3A_320, %dma_wait3A_321] : memref<1000000x64xf32, #tpu.memory_space<hbm>> -> memref<1000000x64xf32, #tpu.memory_space<hbm>>
    tpu.wait_indirect_dma semaphore(%arg14 : memref<!tpu.dma_semaphore, #tpu.memory_space<semaphore_mem>>) src(%dma_wait3A_322 : memref<1000000x64xf32, #tpu.memory_space<hbm>>) dst(%dma_wait3A_316 : memref<128x64xf32, #tpu.memory_space<vmem>>)
    %add3A_323 = arith.constant 384 : i32
    %add3A_324 = arith.addi %mul3A_2, %add3A_323 : i32
    %dma_start3A_325 = arith.constant 7 : i32
    %dma_start3A_326 = arith.constant 49 : i32
    %dma_start3A_327 = arith.constant 0 : i32
    %dma_start3A_328 = arith.constant 0 : i32
    %dma_start3A_329 = tpu.memref_slice %arg6[%dma_start3A_325, %dma_start3A_327, %dma_start3A_328] : memref<8x128x64xf32, #tpu.memory_space<vmem>> -> memref<1x128x64xf32, #tpu.memory_space<vmem>>
    %dma_start3A_330 = tpu.memref_squeeze %dma_start3A_329 : memref<1x128x64xf32, #tpu.memory_space<vmem>> -> memref<128x64xf32, #tpu.memory_space<vmem>>
    %dma_start3A_331 = arith.constant 0 : i32
    %dma_start3A_332 = tpu.memref_slice %arg4[%dma_start3A_326, %add3A_324, %dma_start3A_331] : memref<50x16384x64xf32, #tpu.memory_space<hbm>> -> memref<1x128x64xf32, #tpu.memory_space<hbm>>
    %dma_start3A_333 = tpu.memref_squeeze %dma_start3A_332 : memref<1x128x64xf32, #tpu.memory_space<hbm>> -> memref<128x64xf32, #tpu.memory_space<hbm>>
    %dma_start3A_334 = arith.constant 0 : i32
    %dma_start3A_335 = tpu.memref_slice %arg4[%dma_start3A_326, %add3A_324, %dma_start3A_334] : memref<50x16384x64xf32, #tpu.memory_space<hbm>> -> memref<1x128x64xf32, #tpu.memory_space<hbm>>
    %dma_start3A_336 = tpu.memref_squeeze %dma_start3A_335 : memref<1x128x64xf32, #tpu.memory_space<hbm>> -> memref<128x64xf32, #tpu.memory_space<hbm>>
    %dma_start3A_337 = arith.constant 0 : i32
    %dma_start3A_338 = arith.constant 0 : i32
    %dma_start3A_339 = tpu.memref_slice %arg6[%dma_start3A_325, %dma_start3A_337, %dma_start3A_338] : memref<8x128x64xf32, #tpu.memory_space<vmem>> -> memref<1x128x64xf32, #tpu.memory_space<vmem>>
    %dma_start3A_340 = tpu.memref_squeeze %dma_start3A_339 : memref<1x128x64xf32, #tpu.memory_space<vmem>> -> memref<128x64xf32, #tpu.memory_space<vmem>>
    tpu.enqueue_dma source(%dma_start3A_340 : memref<128x64xf32, #tpu.memory_space<vmem>>) target(%dma_start3A_336 : memref<128x64xf32, #tpu.memory_space<hbm>>) target_semaphore(%arg22 : memref<!tpu.dma_semaphore, #tpu.memory_space<semaphore_mem>>)
    %add3A_341 = arith.constant 0 : i32
    %add3A_342 = arith.addi %mul3A_2, %add3A_341 : i32
    %dma_wait3A_343 = arith.constant 0 : i32
    %dma_wait3A_344 = arith.constant 48 : i32
    %dma_wait3A_345 = arith.constant 0 : i32
    %dma_wait3A_346 = arith.constant 0 : i32
    %dma_wait3A_347 = tpu.memref_slice %arg6[%dma_wait3A_343, %dma_wait3A_345, %dma_wait3A_346] : memref<8x128x64xf32, #tpu.memory_space<vmem>> -> memref<1x128x64xf32, #tpu.memory_space<vmem>>
    %dma_wait3A_348 = tpu.memref_squeeze %dma_wait3A_347 : memref<1x128x64xf32, #tpu.memory_space<vmem>> -> memref<128x64xf32, #tpu.memory_space<vmem>>
    %dma_wait3A_349 = arith.constant 0 : i32
    %dma_wait3A_350 = tpu.memref_slice %arg4[%dma_wait3A_344, %add3A_342, %dma_wait3A_349] : memref<50x16384x64xf32, #tpu.memory_space<hbm>> -> memref<1x128x64xf32, #tpu.memory_space<hbm>>
    %dma_wait3A_351 = tpu.memref_squeeze %dma_wait3A_350 : memref<1x128x64xf32, #tpu.memory_space<hbm>> -> memref<128x64xf32, #tpu.memory_space<hbm>>
    %dma_wait3A_352 = arith.constant 0 : i32
    %dma_wait3A_353 = tpu.memref_slice %arg4[%dma_wait3A_344, %add3A_342, %dma_wait3A_352] : memref<50x16384x64xf32, #tpu.memory_space<hbm>> -> memref<1x128x64xf32, #tpu.memory_space<hbm>>
    %dma_wait3A_354 = tpu.memref_squeeze %dma_wait3A_353 : memref<1x128x64xf32, #tpu.memory_space<hbm>> -> memref<128x64xf32, #tpu.memory_space<hbm>>
    %dma_wait3A_355 = arith.constant 0 : i32
    %dma_wait3A_356 = arith.constant 0 : i32
    %dma_wait3A_357 = tpu.memref_slice %arg6[%dma_wait3A_343, %dma_wait3A_355, %dma_wait3A_356] : memref<8x128x64xf32, #tpu.memory_space<vmem>> -> memref<1x128x64xf32, #tpu.memory_space<vmem>>
    %dma_wait3A_358 = tpu.memref_squeeze %dma_wait3A_357 : memref<1x128x64xf32, #tpu.memory_space<vmem>> -> memref<128x64xf32, #tpu.memory_space<vmem>>
    tpu.wait_dma2 semaphore(%arg15 : memref<!tpu.dma_semaphore, #tpu.memory_space<semaphore_mem>>) src(%dma_wait3A_358 : memref<128x64xf32, #tpu.memory_space<vmem>>) dst(%dma_wait3A_354 : memref<128x64xf32, #tpu.memory_space<hbm>>)
    %add3A_359 = arith.constant 128 : i32
    %add3A_360 = arith.addi %mul3A_2, %add3A_359 : i32
    %dma_wait3A_361 = arith.constant 1 : i32
    %dma_wait3A_362 = arith.constant 48 : i32
    %dma_wait3A_363 = arith.constant 0 : i32
    %dma_wait3A_364 = arith.constant 0 : i32
    %dma_wait3A_365 = tpu.memref_slice %arg6[%dma_wait3A_361, %dma_wait3A_363, %dma_wait3A_364] : memref<8x128x64xf32, #tpu.memory_space<vmem>> -> memref<1x128x64xf32, #tpu.memory_space<vmem>>
    %dma_wait3A_366 = tpu.memref_squeeze %dma_wait3A_365 : memref<1x128x64xf32, #tpu.memory_space<vmem>> -> memref<128x64xf32, #tpu.memory_space<vmem>>
    %dma_wait3A_367 = arith.constant 0 : i32
    %dma_wait3A_368 = tpu.memref_slice %arg4[%dma_wait3A_362, %add3A_360, %dma_wait3A_367] : memref<50x16384x64xf32, #tpu.memory_space<hbm>> -> memref<1x128x64xf32, #tpu.memory_space<hbm>>
    %dma_wait3A_369 = tpu.memref_squeeze %dma_wait3A_368 : memref<1x128x64xf32, #tpu.memory_space<hbm>> -> memref<128x64xf32, #tpu.memory_space<hbm>>
    %dma_wait3A_370 = arith.constant 0 : i32
    %dma_wait3A_371 = tpu.memref_slice %arg4[%dma_wait3A_362, %add3A_360, %dma_wait3A_370] : memref<50x16384x64xf32, #tpu.memory_space<hbm>> -> memref<1x128x64xf32, #tpu.memory_space<hbm>>
    %dma_wait3A_372 = tpu.memref_squeeze %dma_wait3A_371 : memref<1x128x64xf32, #tpu.memory_space<hbm>> -> memref<128x64xf32, #tpu.memory_space<hbm>>
    %dma_wait3A_373 = arith.constant 0 : i32
    %dma_wait3A_374 = arith.constant 0 : i32
    %dma_wait3A_375 = tpu.memref_slice %arg6[%dma_wait3A_361, %dma_wait3A_373, %dma_wait3A_374] : memref<8x128x64xf32, #tpu.memory_space<vmem>> -> memref<1x128x64xf32, #tpu.memory_space<vmem>>
    %dma_wait3A_376 = tpu.memref_squeeze %dma_wait3A_375 : memref<1x128x64xf32, #tpu.memory_space<vmem>> -> memref<128x64xf32, #tpu.memory_space<vmem>>
    tpu.wait_dma2 semaphore(%arg16 : memref<!tpu.dma_semaphore, #tpu.memory_space<semaphore_mem>>) src(%dma_wait3A_376 : memref<128x64xf32, #tpu.memory_space<vmem>>) dst(%dma_wait3A_372 : memref<128x64xf32, #tpu.memory_space<hbm>>)
    %add3A_377 = arith.constant 256 : i32
    %add3A_378 = arith.addi %mul3A_2, %add3A_377 : i32
    %dma_wait3A_379 = arith.constant 2 : i32
    %dma_wait3A_380 = arith.constant 48 : i32
    %dma_wait3A_381 = arith.constant 0 : i32
    %dma_wait3A_382 = arith.constant 0 : i32
    %dma_wait3A_383 = tpu.memref_slice %arg6[%dma_wait3A_379, %dma_wait3A_381, %dma_wait3A_382] : memref<8x128x64xf32, #tpu.memory_space<vmem>> -> memref<1x128x64xf32, #tpu.memory_space<vmem>>
    %dma_wait3A_384 = tpu.memref_squeeze %dma_wait3A_383 : memref<1x128x64xf32, #tpu.memory_space<vmem>> -> memref<128x64xf32, #tpu.memory_space<vmem>>
    %dma_wait3A_385 = arith.constant 0 : i32
    %dma_wait3A_386 = tpu.memref_slice %arg4[%dma_wait3A_380, %add3A_378, %dma_wait3A_385] : memref<50x16384x64xf32, #tpu.memory_space<hbm>> -> memref<1x128x64xf32, #tpu.memory_space<hbm>>
    %dma_wait3A_387 = tpu.memref_squeeze %dma_wait3A_386 : memref<1x128x64xf32, #tpu.memory_space<hbm>> -> memref<128x64xf32, #tpu.memory_space<hbm>>
    %dma_wait3A_388 = arith.constant 0 : i32
    %dma_wait3A_389 = tpu.memref_slice %arg4[%dma_wait3A_380, %add3A_378, %dma_wait3A_388] : memref<50x16384x64xf32, #tpu.memory_space<hbm>> -> memref<1x128x64xf32, #tpu.memory_space<hbm>>
    %dma_wait3A_390 = tpu.memref_squeeze %dma_wait3A_389 : memref<1x128x64xf32, #tpu.memory_space<hbm>> -> memref<128x64xf32, #tpu.memory_space<hbm>>
    %dma_wait3A_391 = arith.constant 0 : i32
    %dma_wait3A_392 = arith.constant 0 : i32
    %dma_wait3A_393 = tpu.memref_slice %arg6[%dma_wait3A_379, %dma_wait3A_391, %dma_wait3A_392] : memref<8x128x64xf32, #tpu.memory_space<vmem>> -> memref<1x128x64xf32, #tpu.memory_space<vmem>>
    %dma_wait3A_394 = tpu.memref_squeeze %dma_wait3A_393 : memref<1x128x64xf32, #tpu.memory_space<vmem>> -> memref<128x64xf32, #tpu.memory_space<vmem>>
    tpu.wait_dma2 semaphore(%arg17 : memref<!tpu.dma_semaphore, #tpu.memory_space<semaphore_mem>>) src(%dma_wait3A_394 : memref<128x64xf32, #tpu.memory_space<vmem>>) dst(%dma_wait3A_390 : memref<128x64xf32, #tpu.memory_space<hbm>>)
    %add3A_395 = arith.constant 384 : i32
    %add3A_396 = arith.addi %mul3A_2, %add3A_395 : i32
    %dma_wait3A_397 = arith.constant 3 : i32
    %dma_wait3A_398 = arith.constant 48 : i32
    %dma_wait3A_399 = arith.constant 0 : i32
    %dma_wait3A_400 = arith.constant 0 : i32
    %dma_wait3A_401 = tpu.memref_slice %arg6[%dma_wait3A_397, %dma_wait3A_399, %dma_wait3A_400] : memref<8x128x64xf32, #tpu.memory_space<vmem>> -> memref<1x128x64xf32, #tpu.memory_space<vmem>>
    %dma_wait3A_402 = tpu.memref_squeeze %dma_wait3A_401 : memref<1x128x64xf32, #tpu.memory_space<vmem>> -> memref<128x64xf32, #tpu.memory_space<vmem>>
    %dma_wait3A_403 = arith.constant 0 : i32
    %dma_wait3A_404 = tpu.memref_slice %arg4[%dma_wait3A_398, %add3A_396, %dma_wait3A_403] : memref<50x16384x64xf32, #tpu.memory_space<hbm>> -> memref<1x128x64xf32, #tpu.memory_space<hbm>>
    %dma_wait3A_405 = tpu.memref_squeeze %dma_wait3A_404 : memref<1x128x64xf32, #tpu.memory_space<hbm>> -> memref<128x64xf32, #tpu.memory_space<hbm>>
    %dma_wait3A_406 = arith.constant 0 : i32
    %dma_wait3A_407 = tpu.memref_slice %arg4[%dma_wait3A_398, %add3A_396, %dma_wait3A_406] : memref<50x16384x64xf32, #tpu.memory_space<hbm>> -> memref<1x128x64xf32, #tpu.memory_space<hbm>>
    %dma_wait3A_408 = tpu.memref_squeeze %dma_wait3A_407 : memref<1x128x64xf32, #tpu.memory_space<hbm>> -> memref<128x64xf32, #tpu.memory_space<hbm>>
    %dma_wait3A_409 = arith.constant 0 : i32
    %dma_wait3A_410 = arith.constant 0 : i32
    %dma_wait3A_411 = tpu.memref_slice %arg6[%dma_wait3A_397, %dma_wait3A_409, %dma_wait3A_410] : memref<8x128x64xf32, #tpu.memory_space<vmem>> -> memref<1x128x64xf32, #tpu.memory_space<vmem>>
    %dma_wait3A_412 = tpu.memref_squeeze %dma_wait3A_411 : memref<1x128x64xf32, #tpu.memory_space<vmem>> -> memref<128x64xf32, #tpu.memory_space<vmem>>
    tpu.wait_dma2 semaphore(%arg18 : memref<!tpu.dma_semaphore, #tpu.memory_space<semaphore_mem>>) src(%dma_wait3A_412 : memref<128x64xf32, #tpu.memory_space<vmem>>) dst(%dma_wait3A_408 : memref<128x64xf32, #tpu.memory_space<hbm>>)
    %add3A_413 = arith.constant 0 : i32
    %add3A_414 = arith.addi %mul3A_2, %add3A_413 : i32
    %dma_wait3A_415 = arith.constant 4 : i32
    %dma_wait3A_416 = arith.constant 49 : i32
    %dma_wait3A_417 = arith.constant 0 : i32
    %dma_wait3A_418 = arith.constant 0 : i32
    %dma_wait3A_419 = tpu.memref_slice %arg6[%dma_wait3A_415, %dma_wait3A_417, %dma_wait3A_418] : memref<8x128x64xf32, #tpu.memory_space<vmem>> -> memref<1x128x64xf32, #tpu.memory_space<vmem>>
    %dma_wait3A_420 = tpu.memref_squeeze %dma_wait3A_419 : memref<1x128x64xf32, #tpu.memory_space<vmem>> -> memref<128x64xf32, #tpu.memory_space<vmem>>
    %dma_wait3A_421 = arith.constant 0 : i32
    %dma_wait3A_422 = tpu.memref_slice %arg4[%dma_wait3A_416, %add3A_414, %dma_wait3A_421] : memref<50x16384x64xf32, #tpu.memory_space<hbm>> -> memref<1x128x64xf32, #tpu.memory_space<hbm>>
    %dma_wait3A_423 = tpu.memref_squeeze %dma_wait3A_422 : memref<1x128x64xf32, #tpu.memory_space<hbm>> -> memref<128x64xf32, #tpu.memory_space<hbm>>
    %dma_wait3A_424 = arith.constant 0 : i32
    %dma_wait3A_425 = tpu.memref_slice %arg4[%dma_wait3A_416, %add3A_414, %dma_wait3A_424] : memref<50x16384x64xf32, #tpu.memory_space<hbm>> -> memref<1x128x64xf32, #tpu.memory_space<hbm>>
    %dma_wait3A_426 = tpu.memref_squeeze %dma_wait3A_425 : memref<1x128x64xf32, #tpu.memory_space<hbm>> -> memref<128x64xf32, #tpu.memory_space<hbm>>
    %dma_wait3A_427 = arith.constant 0 : i32
    %dma_wait3A_428 = arith.constant 0 : i32
    %dma_wait3A_429 = tpu.memref_slice %arg6[%dma_wait3A_415, %dma_wait3A_427, %dma_wait3A_428] : memref<8x128x64xf32, #tpu.memory_space<vmem>> -> memref<1x128x64xf32, #tpu.memory_space<vmem>>
    %dma_wait3A_430 = tpu.memref_squeeze %dma_wait3A_429 : memref<1x128x64xf32, #tpu.memory_space<vmem>> -> memref<128x64xf32, #tpu.memory_space<vmem>>
    tpu.wait_dma2 semaphore(%arg19 : memref<!tpu.dma_semaphore, #tpu.memory_space<semaphore_mem>>) src(%dma_wait3A_430 : memref<128x64xf32, #tpu.memory_space<vmem>>) dst(%dma_wait3A_426 : memref<128x64xf32, #tpu.memory_space<hbm>>)
    %add3A_431 = arith.constant 128 : i32
    %add3A_432 = arith.addi %mul3A_2, %add3A_431 : i32
    %dma_wait3A_433 = arith.constant 5 : i32
    %dma_wait3A_434 = arith.constant 49 : i32
    %dma_wait3A_435 = arith.constant 0 : i32
    %dma_wait3A_436 = arith.constant 0 : i32
    %dma_wait3A_437 = tpu.memref_slice %arg6[%dma_wait3A_433, %dma_wait3A_435, %dma_wait3A_436] : memref<8x128x64xf32, #tpu.memory_space<vmem>> -> memref<1x128x64xf32, #tpu.memory_space<vmem>>
    %dma_wait3A_438 = tpu.memref_squeeze %dma_wait3A_437 : memref<1x128x64xf32, #tpu.memory_space<vmem>> -> memref<128x64xf32, #tpu.memory_space<vmem>>
    %dma_wait3A_439 = arith.constant 0 : i32
    %dma_wait3A_440 = tpu.memref_slice %arg4[%dma_wait3A_434, %add3A_432, %dma_wait3A_439] : memref<50x16384x64xf32, #tpu.memory_space<hbm>> -> memref<1x128x64xf32, #tpu.memory_space<hbm>>
    %dma_wait3A_441 = tpu.memref_squeeze %dma_wait3A_440 : memref<1x128x64xf32, #tpu.memory_space<hbm>> -> memref<128x64xf32, #tpu.memory_space<hbm>>
    %dma_wait3A_442 = arith.constant 0 : i32
    %dma_wait3A_443 = tpu.memref_slice %arg4[%dma_wait3A_434, %add3A_432, %dma_wait3A_442] : memref<50x16384x64xf32, #tpu.memory_space<hbm>> -> memref<1x128x64xf32, #tpu.memory_space<hbm>>
    %dma_wait3A_444 = tpu.memref_squeeze %dma_wait3A_443 : memref<1x128x64xf32, #tpu.memory_space<hbm>> -> memref<128x64xf32, #tpu.memory_space<hbm>>
    %dma_wait3A_445 = arith.constant 0 : i32
    %dma_wait3A_446 = arith.constant 0 : i32
    %dma_wait3A_447 = tpu.memref_slice %arg6[%dma_wait3A_433, %dma_wait3A_445, %dma_wait3A_446] : memref<8x128x64xf32, #tpu.memory_space<vmem>> -> memref<1x128x64xf32, #tpu.memory_space<vmem>>
    %dma_wait3A_448 = tpu.memref_squeeze %dma_wait3A_447 : memref<1x128x64xf32, #tpu.memory_space<vmem>> -> memref<128x64xf32, #tpu.memory_space<vmem>>
    tpu.wait_dma2 semaphore(%arg20 : memref<!tpu.dma_semaphore, #tpu.memory_space<semaphore_mem>>) src(%dma_wait3A_448 : memref<128x64xf32, #tpu.memory_space<vmem>>) dst(%dma_wait3A_444 : memref<128x64xf32, #tpu.memory_space<hbm>>)
    %add3A_449 = arith.constant 256 : i32
    %add3A_450 = arith.addi %mul3A_2, %add3A_449 : i32
    %dma_wait3A_451 = arith.constant 6 : i32
    %dma_wait3A_452 = arith.constant 49 : i32
    %dma_wait3A_453 = arith.constant 0 : i32
    %dma_wait3A_454 = arith.constant 0 : i32
    %dma_wait3A_455 = tpu.memref_slice %arg6[%dma_wait3A_451, %dma_wait3A_453, %dma_wait3A_454] : memref<8x128x64xf32, #tpu.memory_space<vmem>> -> memref<1x128x64xf32, #tpu.memory_space<vmem>>
    %dma_wait3A_456 = tpu.memref_squeeze %dma_wait3A_455 : memref<1x128x64xf32, #tpu.memory_space<vmem>> -> memref<128x64xf32, #tpu.memory_space<vmem>>
    %dma_wait3A_457 = arith.constant 0 : i32
    %dma_wait3A_458 = tpu.memref_slice %arg4[%dma_wait3A_452, %add3A_450, %dma_wait3A_457] : memref<50x16384x64xf32, #tpu.memory_space<hbm>> -> memref<1x128x64xf32, #tpu.memory_space<hbm>>
    %dma_wait3A_459 = tpu.memref_squeeze %dma_wait3A_458 : memref<1x128x64xf32, #tpu.memory_space<hbm>> -> memref<128x64xf32, #tpu.memory_space<hbm>>
    %dma_wait3A_460 = arith.constant 0 : i32
    %dma_wait3A_461 = tpu.memref_slice %arg4[%dma_wait3A_452, %add3A_450, %dma_wait3A_460] : memref<50x16384x64xf32, #tpu.memory_space<hbm>> -> memref<1x128x64xf32, #tpu.memory_space<hbm>>
    %dma_wait3A_462 = tpu.memref_squeeze %dma_wait3A_461 : memref<1x128x64xf32, #tpu.memory_space<hbm>> -> memref<128x64xf32, #tpu.memory_space<hbm>>
    %dma_wait3A_463 = arith.constant 0 : i32
    %dma_wait3A_464 = arith.constant 0 : i32
    %dma_wait3A_465 = tpu.memref_slice %arg6[%dma_wait3A_451, %dma_wait3A_463, %dma_wait3A_464] : memref<8x128x64xf32, #tpu.memory_space<vmem>> -> memref<1x128x64xf32, #tpu.memory_space<vmem>>
    %dma_wait3A_466 = tpu.memref_squeeze %dma_wait3A_465 : memref<1x128x64xf32, #tpu.memory_space<vmem>> -> memref<128x64xf32, #tpu.memory_space<vmem>>
    tpu.wait_dma2 semaphore(%arg21 : memref<!tpu.dma_semaphore, #tpu.memory_space<semaphore_mem>>) src(%dma_wait3A_466 : memref<128x64xf32, #tpu.memory_space<vmem>>) dst(%dma_wait3A_462 : memref<128x64xf32, #tpu.memory_space<hbm>>)
    %add3A_467 = arith.constant 384 : i32
    %add3A_468 = arith.addi %mul3A_2, %add3A_467 : i32
    %dma_wait3A_469 = arith.constant 7 : i32
    %dma_wait3A_470 = arith.constant 49 : i32
    %dma_wait3A_471 = arith.constant 0 : i32
    %dma_wait3A_472 = arith.constant 0 : i32
    %dma_wait3A_473 = tpu.memref_slice %arg6[%dma_wait3A_469, %dma_wait3A_471, %dma_wait3A_472] : memref<8x128x64xf32, #tpu.memory_space<vmem>> -> memref<1x128x64xf32, #tpu.memory_space<vmem>>
    %dma_wait3A_474 = tpu.memref_squeeze %dma_wait3A_473 : memref<1x128x64xf32, #tpu.memory_space<vmem>> -> memref<128x64xf32, #tpu.memory_space<vmem>>
    %dma_wait3A_475 = arith.constant 0 : i32
    %dma_wait3A_476 = tpu.memref_slice %arg4[%dma_wait3A_470, %add3A_468, %dma_wait3A_475] : memref<50x16384x64xf32, #tpu.memory_space<hbm>> -> memref<1x128x64xf32, #tpu.memory_space<hbm>>
    %dma_wait3A_477 = tpu.memref_squeeze %dma_wait3A_476 : memref<1x128x64xf32, #tpu.memory_space<hbm>> -> memref<128x64xf32, #tpu.memory_space<hbm>>
    %dma_wait3A_478 = arith.constant 0 : i32
    %dma_wait3A_479 = tpu.memref_slice %arg4[%dma_wait3A_470, %add3A_468, %dma_wait3A_478] : memref<50x16384x64xf32, #tpu.memory_space<hbm>> -> memref<1x128x64xf32, #tpu.memory_space<hbm>>
    %dma_wait3A_480 = tpu.memref_squeeze %dma_wait3A_479 : memref<1x128x64xf32, #tpu.memory_space<hbm>> -> memref<128x64xf32, #tpu.memory_space<hbm>>
    %dma_wait3A_481 = arith.constant 0 : i32
    %dma_wait3A_482 = arith.constant 0 : i32
    %dma_wait3A_483 = tpu.memref_slice %arg6[%dma_wait3A_469, %dma_wait3A_481, %dma_wait3A_482] : memref<8x128x64xf32, #tpu.memory_space<vmem>> -> memref<1x128x64xf32, #tpu.memory_space<vmem>>
    %dma_wait3A_484 = tpu.memref_squeeze %dma_wait3A_483 : memref<1x128x64xf32, #tpu.memory_space<vmem>> -> memref<128x64xf32, #tpu.memory_space<vmem>>
    tpu.wait_dma2 semaphore(%arg22 : memref<!tpu.dma_semaphore, #tpu.memory_space<semaphore_mem>>) src(%dma_wait3A_484 : memref<128x64xf32, #tpu.memory_space<vmem>>) dst(%dma_wait3A_480 : memref<128x64xf32, #tpu.memory_space<hbm>>)
    return
  }
}

</mosaic_0001>

<sc_bundles>
// kernel: _gather_rows.3.cloned.1.call-start
scs
__scs_entry_jumppad:
0x0: {  	(pc) =	sbr.rel $0x88, $3  }
0x1: {  	(tag) =	ssettag $0x0;
	lr =	simm.s32 $0x1  }
0x2: {  	[smem:$0x3F9F] =	sst lr;
	_ =	strace $0xD0000000  }
0x3: {  	_ = 	snop  }
0x4: {  	_ = 	snop  }
0x5: {  	_ = 	snop  }
0x6: {  	_ = 	snop  }
0x7: {  	_ = 	snop  }
__scs_overlays_trampoline_lowered:
0x8: {  	[smem:$0x3FAE] =	sst s0  }
0x9: {  	[smem:$0x3FAF] =	sst s1  }
0xa: {  	[smem:$0x3FB0] =	sst s2  }
0xb: {  	[smem:$0x3FB1] =	sst s3  }
0xc: {  	[smem:$0x3FB2] =	sst s4  }
0xd: {  	[smem:$0x3FB3] =	sst s5  }
0xe: {  	[smem:$0x3FB4] =	sst s6  }
0xf: {  	[smem:$0x3FB5] =	sst s7  }
0x10: {  	[smem:$0x3FB6] =	sst s8  }
0x11: {  	[smem:$0x3FB7] =	sst s9;
	s0 =	simm.s32 @!p0 $0x0  }
0x12: {  	s1 =	sld [smem:$0x3F9D];
	s0 =	simm.s32 @p0 $0x1  }
0x13: {  	[smem:$0x3FB8] =	sst s0;
	s0 =	simm.s32 @!p1 $0x0  }
0x14: {  	s2 =	sld [smem:$0x3F9C];
	s0 =	simm.s32 @p1 $0x1  }
0x15: {  	[smem:$0x3FB9] =	sst s0;
	s0 =	simm.s32 @!p2 $0x0  }
0x16: {  	s3 =	sld [smem:$0x3FDB];
	s0 =	simm.s32 @p2 $0x1  }
0x17: {  	s4 =	simm.s32 $0x1BF5;
	[smem:$0x3FBB] =	sst s0  }
0x18: {  	s0 =	sld [smem:$0x3F9E];
	_ =	swait.ge [sflag:s4], $0x0  }
0x19: {  	s7 =	sld [smem:$0x3F9F]  }
0x1a: {  	s8 =	sadd.s32 $0xFFFFE003, lr  }
0x1b: {  	s9 =	sadd.s32 $0xFFFFFEF7, lr;
	s5 =	simm.s32 $0xFFFFFFFF;
	p2 =	slt.u32 s8, $0xFFFFF086  }
0x1c: {  	p1 =	slt.u32 s9, $0xF7A;
	s5 =	simm.s32 @!p2 $0x0  }
0x1d: {  	s5 =	simm.s32 @p1 $0x1;
	p0 =	seq.s32 s7, s2  }
0x1e: {  	s7 =	smul.u32 @!p0 $0xF7A, s2;
	p2 =	seq.s32 @!p0 s5, $0x0  }
0x1f: {  	s9 =	smul.u32 $0xF7A, s1;
	s8 =	simm.s32 @!p0 $0x1BF5;
	p2 =	por !p2, p0  }
0x20: {  	[sflag:s8] =	ssyncset.s32 @!p0 $0xFFFFF086;
	s6 =	sadd.s32 @!p0 s3, s7;
	s7 =	simm.s32 @!p0 $0x108  }
0x21: {  	s3 =	sadd.s32 s3, s9;
	s6 =	sadd.s32 @!p0 $0x88, s6;
	s7 =	simm.s32 @p2 $0x1082  }
0x22: {  	[simem:s7], [sflag:s8] =	dma.local @!p0 [hbm:s6], $0xF7A  }
0x23: {  	s9 =	sor.u32 $0xD0000000, s2;
	s6 =	simm.s32 $0x108;
	_ =	swait.ge @!p0 [sflag:s8], $0x0  }
0x24: {  	s3 =	sadd.s32 $0x88, s3;
	s6 =	simm.s32 @!p1 $0x1082;
	[sflag:s4] =	ssyncset.s32 $0xFFFFF086  }
0x25: {  	[simem:s6], [sflag:s4] =	dma.local [hbm:s3], $0xF7A  }
0x26: {  	[smem:$0x3F9F] =	sst s1;
	(tag) =	ssettag s2;
	_ =	strace s9  }
0x27: {  	s1 =	sld [smem:$0x3FAF]  }
0x28: {  	s2 =	sld [smem:$0x3FB0]  }
0x29: {  	s4 =	sld [smem:$0x3FB2]  }
0x2a: {  	p0 =	seq.s32 s5, $0x0;
	s5 =	sld [smem:$0x3FB3]  }
0x2b: {  	s6 =	sld [smem:$0x3FB4]  }
0x2c: {  	s7 =	sld [smem:$0x3FB5]  }
0x2d: {  	s3 =	simm.s32 $0x108;
	s8 =	sld [smem:$0x3FB6]  }
0x2e: {  	s3 =	simm.s32 @!p0 $0x1082;
	s9 =	sld [smem:$0x3FB7]  }
0x2f: {  	lr =	sadd.s32 s0, s3;
	s0 =	sld [smem:$0x3FAE]  }
0x30: {  	s3 =	sld [smem:$0x3FB1]  }
0x31: {  	[smem:$0x3FBA] =	sst s10  }
0x32: {  	s10 =	sld [smem:$0x3FB8];
	_ =	sdelay $0x3  }
0x33: {  	p0 =	seq.s32 s10, $0x1;
	s10 =	sld [smem:$0x3FBA];
	_ =	sdelay $0x3  }
0x34: {  	[smem:$0x3FBA] =	sst s10  }
0x35: {  	s10 =	sld [smem:$0x3FB9];
	_ =	sdelay $0x3  }
0x36: {  	p1 =	seq.s32 s10, $0x1;
	s10 =	sld [smem:$0x3FBA];
	_ =	sdelay $0x3  }
0x37: {  	[smem:$0x3FBA] =	sst s10  }
0x38: {  	s10 =	sld [smem:$0x3FBB]  }
0x39: {  	_ = 	snop;
	(pc) =	sbr.ind lr, $3  }
0x3a: {  	_ = 	snop  }
0x3b: {  	_ = 	snop  }
0x3c: {  	p2 =	seq.s32 s10, $0x1;
	s10 =	sld [smem:$0x3FBA]  }
0x3d: {  	_ =	shalt  }
0x3e: {  	_ =	shalt  }
0x3f: {  	_ =	shalt  }
0x40: {  	_ =	shalt  }
0x41: {  	_ =	shalt  }
0x42: {  	_ =	shalt  }
0x43: {  	_ =	shalt  }
0x44: {  	_ =	shalt  }
0x45: {  	_ =	shalt  }
0x46: {  	_ =	shalt  }
0x47: {  	_ =	shalt  }
0x48: {  	_ =	shalt  }
0x49: {  	_ =	shalt  }
0x4a: {  	_ =	shalt  }
0x4b: {  	_ =	shalt  }
0x4c: {  	_ =	shalt  }
0x4d: {  	_ =	shalt  }
0x4e: {  	_ =	shalt  }
0x4f: {  	_ =	shalt  }
0x50: {  	_ =	shalt  }
0x51: {  	_ =	shalt  }
0x52: {  	_ =	shalt  }
0x53: {  	_ =	shalt  }
0x54: {  	_ =	shalt  }
0x55: {  	_ =	shalt  }
0x56: {  	_ =	shalt  }
0x57: {  	_ =	shalt  }
0x58: {  	_ =	shalt  }
0x59: {  	_ =	shalt  }
0x5a: {  	_ =	shalt  }
0x5b: {  	_ =	shalt  }
0x5c: {  	_ =	shalt  }
0x5d: {  	_ =	shalt  }
0x5e: {  	_ =	shalt  }
0x5f: {  	_ =	shalt  }
0x60: {  	_ =	shalt  }
0x61: {  	_ =	shalt  }
0x62: {  	_ =	shalt  }
0x63: {  	_ =	shalt  }
0x64: {  	_ =	shalt  }
0x65: {  	_ =	shalt  }
0x66: {  	_ =	shalt  }
0x67: {  	_ =	shalt  }
0x68: {  	_ =	shalt  }
0x69: {  	_ =	shalt  }
0x6a: {  	_ =	shalt  }
0x6b: {  	_ =	shalt  }
0x6c: {  	_ =	shalt  }
0x6d: {  	_ =	shalt  }
0x6e: {  	_ =	shalt  }
0x6f: {  	_ =	shalt  }
0x70: {  	_ =	shalt  }
0x71: {  	_ =	shalt  }
0x72: {  	_ =	shalt  }
0x73: {  	_ =	shalt  }
0x74: {  	_ =	shalt  }
0x75: {  	_ =	shalt  }
0x76: {  	_ =	shalt  }
0x77: {  	_ =	shalt  }
0x78: {  	_ =	shalt  }
0x79: {  	_ =	shalt  }
0x7a: {  	_ =	shalt  }
0x7b: {  	_ =	shalt  }
0x7c: {  	_ =	shalt  }
0x7d: {  	_ =	shalt  }
0x7e: {  	_ =	shalt  }
0x7f: {  	_ =	shalt  }
0x80: {  	_ =	shalt  }
0x81: {  	_ =	shalt  }
0x82: {  	_ =	shalt  }
0x83: {  	_ =	shalt  }
0x84: {  	_ =	shalt  }
0x85: {  	_ =	shalt  }
0x86: {  	_ =	shalt  }
0x87: {  	_ =	shalt  }
.Lfunc_end0:
.L_simem_size_0:
called_computation.1_lowered:
.L_overlay_start_0:
0x88: {  	s2 =	sld [smem:$0x3FD9]  }
0x89: {  	s3 =	sld [smem:$0x3FFE];
	_ =	sdelay $0x1  }
0x8a: {  	s1 =	srdreg.scid  }
0x8b: {  	s0 =	sand.u32 $0x1, s1  }
0x8c: {  	s17 =	sshll.u32 s0, $0xA;
	s2 =	sadd.s32 s3, s2  }
0x8d: {  	s2 =	sadd.s32 s2, s17  }
0x8e: {  	[smem:$0x3FC6] =	sst s2  }
0x8f: {  	_ = 	snop  }
0x90: {  	s2 =	sld [smem:$0x3FD0];
	(tm) =	ssettm $0x1  }
0x91: {  	s18 =	sld [smem:$0x3FFB];
	_ =	sdelay $0x3  }
0x92: {  	_ =	strace s18  }
0x93: {  	s3 =	sld [smem:$0x3FFC];
	_ =	sdelay $0x3  }
0x94: {  	_ =	strace s3  }
0x95: {  	s3 =	sld [smem:$0x3FFD];
	_ =	sdelay $0x3  }
0x96: {  	_ =	strace s3  }
0x97: {  	_ =	strace $0x8FFFFFFF  }
0x98: {  	s19 =	sld [smem:$0x3FDB];
	_ =	sdelay $0x1  }
0x99: {  	s4 =	simm.s32 $_scs_section_size  }
0x9a: {  	s5 =	simm.s32 $_size__tile_overlayer_lowered;
	s6 =	simm.s32 $_tile_overlayer_lowered  }
0x9b: {  	s22 =	simm.s32 $0x1BFF;
	s21 =	sshll.u32 s6, $0x1;
	s3 =	sadd.s32 s4, s19  }
0x9c: {  	s7 =	simm.s32 $0x0;
	s20 =	sshll.u32 s5, $0x1;
	s5 =	sadd.s32 s21, s3  }
0x9d: {  	[timem:s7], [sflag:s22] =	dma.local [hbm:s5], s20  }
0x9e: {  	_ =	swait.ge [sflag:s22], s20  }
0x9f: {  	s4 =	ssub.s32 $0x0, s20;
	[sflag:s22] =	ssyncset.done $0x0  }
0xa0: {  	[sflag:s22] =	ssyncadd.s32 s4;
	_ =	sdelay $0x1  }
0xa1: {  	s23 =	simm.s32 $0x1B8B  }
0xa2: {  	_ =	swait.ge [sflag:s23], $0x1  }
0xa3: {  	[sflag:s23] =	ssyncset.done $0x0  }
0xa4: {  	s25 =	simm.s32 $0x1B8E;
	s24 =	sld [smem:$0x3FFE];
	[sflag:s23] =	ssyncadd.s32 $0xFFFFFFFF  }
0xa5: {  	s26 =	simm.s32 $execute0_lowered;
	[smem:$0x3FD2] =	sst s25  }
0xa6: {  	s5 =	sshll.u32 s26, $0x1;
	_ =	strace $0x80000046;
	[dreg:$0x1] =	wrdreg $0xFFFFFFFF  }
0xa7: {  	s28 =	simm.s32 $_size_execute0_lowered;
	s3 =	sadd.s32 s3, s5;
	[dreg:$0x0] =	wrdreg $0x0  }
0xa8: {  	s5 =	sshll.u32 s28, $0x1;
	[dreg:$0x2] =	wrdreg s3  }
0xa9: {  	[dreg:$0x3] =	wrdreg s5  }
0xaa: {  	[dreg:$0x4] =	wrdreg $0xC0  }
0xab: {  	_ =	task [dreg:s7], $0x5FFFF  }
0xac: {  	[dreg:$0x1] =	wrdreg $0xFFFFFFFF  }
0xad: {  	[dreg:$0x0] =	wrdreg $0x60  }
0xae: {  	[dreg:$0x2] =	wrdreg s24  }
0xaf: {  	[dreg:$0x3] =	wrdreg s2  }
0xb0: {  	[dreg:$0x4] =	wrdreg $0x9  }
0xb1: {  	_ =	task.clear_ibuf [dreg:s7], $0x5FFFF;
	_ =	strace $0x90000046  }
0xb2: {  	s29 =	simm.s32 $0x9;
	_ =	strace $0x80000048  }
0xb3: {  	_ =	swait.ge [sflag:s29], $0x1  }
0xb4: {  	[sflag:s29] =	ssyncadd.s32 $0xFFFFFFFF  }
0xb5: {  	_ =	strace $0x90000048  }
0xb6: {  	_ =	sfence  }
0xb7: {  	s30 =	sld [smem:$0x0];
	_ =	sdelay $0x2  }
0xb8: {  	s31 =	sshll.u32 s1, $0xD;
	s1 =	sshrl.u32 s1, $0x2  }
0xb9: {  	s3 =	sand.u32 $0x4000, s31;
	s1 =	sadd.s32 s1, s30  }
0xba: {  	s0 =	sor.u32 s3, s0;
	s1 =	sshll.u32 s1, $0x11  }
0xbb: {  	s0 =	sor.u32 s1, s0  }
0xbc: {  	s0 =	sadd.s32 $0x8F2B, s0  }
0xbd: {  	[sflag:s0] =	ssyncadd.remote.s32 $0x1  }
0xbe: {  	_ =	sfence.sel $0xFFFF  }
0xbf: {  	[dreg:$0x0] =	wrdreg $0xFFFFFFFF;
	(pc) =	sbr.abs _section_cstart, $3  }
0xc0: {  	[dreg:$0x1] =	wrdreg $0xFFFFFFFF  }
0xc1: {  	_ =	task.clear_ibuf [dreg:s7], $0x2FFFF;
	_ =	strace $0x9FFFFFFF  }
0xc2: {  	(tm) =	ssettm $0x7FFFFFFF  }
0xc3: {  	_ =	shalt  }
tec
execute0_lowered:
.L_overlay_start_1:
0x0: {  	(tag) =	ssettag $0x1  }
0x1: {  	s0 =	rddreg [dreg:$0x0]  }
0x2: {  	s1 =	rddreg [dreg:$0x1]  }
0x3: {  	s2 =	srdreg.scid;
	s9 =	stileid.u32  }
0x4: {  	s29 =	simm.s32 $0x10400;
	s30 =	simm.s32 $0x2;
	s28 =	simm.s32 $0x9  }
0x5: {  	s31 =	simm.s32 $0x5;
	s10 =	simm.s32 $0xD;
	s15 =	simm.s32 $0xE  }
0x6: {  	s11 =	simm.s32 $0xF;
	s12 =	simm.s32 $0x10;
	s13 =	simm.s32 $0x0  }
0x7: {  	s4 =	sand.u32 $0x1, s2;
	s2 =	simm.s32 $0x0;
	s3 =	sshll.u32 s9, $0xA  }
0x8: {  	s22 =	sshll.u32 s9, $0xD;
	s5 =	sshll.u32 s4, $0x9;
	[smem:$0x7FF] =	sst s2  }
0x9: {  	s6 =	ssub.s32 $0x2, s4;
	s3 =	sor.u32 s5, s3;
	_ =	strace $0x80000047  }
0xa: {  	s7 =	sshrl.u32 s6, $0x1;
	s5 =	sshrl.u32 s3, $0x3;
	s8 =	sshll.u32 s3, $0x3  }
0xb: {  	s3 =	sadd.s32 $0xF42E00, s0;
	s16 =	ssub.s32 s6, s7;
	s17 =	sadd.s32 s1, s8  }
0xc: {  	s5 =	sadd.s32 s5, s0;
	s0 =	smax.u32 s16, $0x1;
	[dreg:$0x3] =	wrdreg s17  }
0xd: {  	s9 =	simm.s32 $0x8;
	s5 =	sadd.s32 $0xA00, s5;
	[dreg:$0xc] =	wrdreg s0  }
0xe: {  	s4 =	sshll.u32 s4, $0xC;
	s18 =	sadd.s32 $0x400, s17;
	[dreg:$0x4] =	wrdreg s5  }
0xf: {  	s6 =	simm.s32 $0xB;
	s19 =	sadd.s32 $0x800, s17;
	[dreg:$0x5] =	wrdreg s18  }
0x10: {  	s7 =	simm.s32 $0x7;
	s20 =	sadd.s32 $0xC00, s17;
	[dreg:$0x6] =	wrdreg s19  }
0x11: {  	s1 =	sadd.s32 s22, s1;
	s21 =	sadd.s32 $0x620000, s17;
	[dreg:$0x7] =	wrdreg s20  }
0x12: {  	s22 =	simm.s32 $0xA400;
	s23 =	sadd.s32 $0x620400, s17;
	[dreg:$0x8] =	wrdreg s21  }
0x13: {  	s16 =	simm.s32 $0xA;
	s24 =	sadd.s32 $0x620800, s17;
	[dreg:$0x9] =	wrdreg s23  }
0x14: {  	s8 =	simm.s32 $0xC;
	s25 =	sadd.s32 $0x620C00, s17;
	[dreg:$0xa] =	wrdreg s24  }
0x15: {  	s1 =	sadd.s32 s4, s1;
	s0 =	simm.s32 $0x12400;
	[dreg:$0xb] =	wrdreg s25  }
0x16: {  	s26 =	sadd.s32 $0x20800, s1;
	s18 =	simm.s32 $0x80;
	s19 =	simm.s32 $0x6400  }
0x17: {  	s20 =	simm.s32 $0x8400;
	s24 =	simm.s32 $0xC400;
	s25 =	simm.s32 $0xE400  }
0x18: {  	s1 =	simm.s32 $0x3;
	s21 =	simm.s32 $0x14400;
	s23 =	simm.s32 $0x4  }
0x19: {  	s5 =	simm.s32 $0x6;
	[dreg:$0xd] =	wrdreg s26;
	s26 =	simm.s32 $0x1  }
.LBB2_1:
0x1a: {  	[dreg:$0xe] =	wrdreg s13  }
0x1b: {  	s4 =	rddreg [dreg:$0x4]  }
0x1c: {  	s13 =	simm.s32 $0x200;
	s14 =	simm.s32 $0x4000;
	s17 =	simm.s32 $0x11  }
0x1d: {  	[tilespmem:s2], [sflag:$0x11] =	stream.strided.gather [hbm4b:s4+s13], $0x6400, s14, s13, $0x38;
	[tilespmem:$0x16400] =	vst v63  }
0x1e: {  	_ =	swait.ge [sflag:s17], $0x6400  }
0x1f: {  	[sflag:s17] =	ssyncset.done $0x0  }
0x20: {  	[sflag:s17] =	ssyncadd.s32 $0xFFFF9C00  }
0x21: {  	[tilespmem:s19], [sflag:$0x1] =	stream.indirect.gather [hbm4b:s3+s18], $0x40, s2, s18, $0xb8;
	[tilespmem:$0x16400] =	vst v63  }
0x22: {  	_ = 	snop  }
0x23: {  	[tilespmem:s20], [sflag:$0x2] =	stream.indirect.gather [hbm4b:s3+s18], $0x40, s18, s18, $0xb8;
	[tilespmem:$0x16400] =	vst v63  }
0x24: {  	s14 =	simm.s32 $0x100  }
0x25: {  	[tilespmem:s22], [sflag:$0x3] =	stream.indirect.gather [hbm4b:s3+s18], $0x40, s14, s18, $0xb8;
	[tilespmem:$0x16400] =	vst v63  }
0x26: {  	s17 =	simm.s32 $0x180  }
0x27: {  	[tilespmem:s24], [sflag:$0x4] =	stream.indirect.gather [hbm4b:s3+s18], $0x40, s17, s18, $0xb8;
	[tilespmem:$0x16400] =	vst v63  }
0x28: {  	_ = 	snop  }
0x29: {  	[tilespmem:s25], [sflag:$0x5] =	stream.indirect.gather [hbm4b:s3+s18], $0x40, s13, s18, $0xb8;
	[tilespmem:$0x16400] =	vst v63  }
0x2a: {  	_ =	swait.ge [sflag:s26], $0x2000  }
0x2b: {  	[sflag:s26] =	ssyncset.done $0x0  }
0x2c: {  	s13 =	rddreg [dreg:$0x3];
	[sflag:s26] =	ssyncadd.s32 $0xFFFFE000  }
0x2d: {  	[hbm4b:s13+s2] =	stream.linear.scatter [tilespmem:s19], [sflag:$0x9], $0x2000, $0x38;
	[tilespmem:$0x16400] =	vst v63  }
0x2e: {  	s14 =	simm.s32 $0x280  }
0x2f: {  	[tilespmem:s29], [sflag:$0x6] =	stream.indirect.gather [hbm4b:s3+s18], $0x40, s14, s18, $0xb8;
	[tilespmem:$0x16400] =	vst v63  }
0x30: {  	_ =	swait.ge [sflag:s30], $0x2000  }
0x31: {  	[sflag:s30] =	ssyncset.done $0x0  }
0x32: {  	s17 =	rddreg [dreg:$0x5];
	[sflag:s30] =	ssyncadd.s32 $0xFFFFE000  }
0x33: {  	[hbm4b:s17+s2] =	stream.linear.scatter [tilespmem:s20], [sflag:$0xA], $0x2000, $0x38;
	[tilespmem:$0x16400] =	vst v63  }
0x34: {  	s13 =	simm.s32 $0x300  }
0x35: {  	[tilespmem:s0], [sflag:$0x7] =	stream.indirect.gather [hbm4b:s3+s18], $0x40, s13, s18, $0xb8;
	[tilespmem:$0x16400] =	vst v63  }
0x36: {  	_ =	swait.ge [sflag:s1], $0x2000  }
0x37: {  	[sflag:s1] =	ssyncset.done $0x0  }
0x38: {  	s14 =	rddreg [dreg:$0x6];
	[sflag:s1] =	ssyncadd.s32 $0xFFFFE000  }
0x39: {  	[hbm4b:s14+s2] =	stream.linear.scatter [tilespmem:s22], [sflag:$0xB], $0x2000, $0x38;
	[tilespmem:$0x16400] =	vst v63  }
0x3a: {  	s17 =	simm.s32 $0x380  }
0x3b: {  	[tilespmem:s21], [sflag:$0x8] =	stream.indirect.gather [hbm4b:s3+s18], $0x40, s17, s18, $0xb8;
	[tilespmem:$0x16400] =	vst v63  }
0x3c: {  	_ =	swait.ge [sflag:s23], $0x2000  }
0x3d: {  	[sflag:s23] =	ssyncset.done $0x0  }
0x3e: {  	s13 =	rddreg [dreg:$0x7];
	[sflag:s23] =	ssyncadd.s32 $0xFFFFE000  }
0x3f: {  	[hbm4b:s13+s2] =	stream.linear.scatter [tilespmem:s24], [sflag:$0xC], $0x2000, $0x38;
	[tilespmem:$0x16400] =	vst v63  }
0x40: {  	_ =	swait.ge [sflag:s28], $0x2000  }
0x41: {  	[sflag:s28] =	ssyncset.done $0x0  }
0x42: {  	s14 =	simm.s32 $0x400;
	[sflag:s28] =	ssyncadd.s32 $0xFFFFE000  }
0x43: {  	[tilespmem:s19], [sflag:$0x1] =	stream.indirect.gather [hbm4b:s3+s18], $0x40, s14, s18, $0xb8;
	[tilespmem:$0x16400] =	vst v63  }
0x44: {  	_ =	swait.ge [sflag:s31], $0x2000  }
0x45: {  	[sflag:s31] =	ssyncset.done $0x0;
	s14 =	rddreg [dreg:$0xd]  }
0x46: {  	[sflag:s31] =	ssyncadd.s32 $0xFFFFE000;
	s17 =	sadd.s32 $0xFFFFF800, s14  }
0x47: {  	[hbm4b:s17+s2] =	stream.linear.scatter [tilespmem:s25], [sflag:$0xD], $0x2000, $0x38;
	[tilespmem:$0x16400] =	vst v63  }
0x48: {  	_ =	swait.ge [sflag:s16], $0x2000  }
0x49: {  	[sflag:s16] =	ssyncset.done $0x0  }
0x4a: {  	s13 =	simm.s32 $0x480;
	[sflag:s16] =	ssyncadd.s32 $0xFFFFE000  }
0x4b: {  	[tilespmem:s20], [sflag:$0x2] =	stream.indirect.gather [hbm4b:s3+s18], $0x40, s13, s18, $0xb8;
	[tilespmem:$0x16400] =	vst v63  }
0x4c: {  	_ =	swait.ge [sflag:s5], $0x2000  }
0x4d: {  	[sflag:s5] =	ssyncset.done $0x0  }
0x4e: {  	s17 =	sadd.s32 $0xFFFFFC00, s14;
	[sflag:s5] =	ssyncadd.s32 $0xFFFFE000  }
0x4f: {  	[hbm4b:s17+s2] =	stream.linear.scatter [tilespmem:s29], [sflag:$0xE], $0x2000, $0x38;
	[tilespmem:$0x16400] =	vst v63  }
0x50: {  	_ =	swait.ge [sflag:s6], $0x2000  }
0x51: {  	[sflag:s6] =	ssyncset.done $0x0  }
0x52: {  	s13 =	simm.s32 $0x500;
	[sflag:s6] =	ssyncadd.s32 $0xFFFFE000  }
0x53: {  	[tilespmem:s22], [sflag:$0x3] =	stream.indirect.gather [hbm4b:s3+s18], $0x40, s13, s18, $0xb8;
	[tilespmem:$0x16400] =	vst v63  }
0x54: {  	_ =	swait.ge [sflag:s7], $0x2000  }
0x55: {  	[sflag:s7] =	ssyncset.done $0x0  }
0x56: {  	[sflag:s7] =	ssyncadd.s32 $0xFFFFE000  }
0x57: {  	[hbm4b:s14+s2] =	stream.linear.scatter [tilespmem:s0], [sflag:$0xF], $0x2000, $0x38;
	[tilespmem:$0x16400] =	vst v63  }
0x58: {  	_ =	swait.ge [sflag:s8], $0x2000  }
0x59: {  	[sflag:s8] =	ssyncset.done $0x0  }
0x5a: {  	s17 =	simm.s32 $0x580;
	[sflag:s8] =	ssyncadd.s32 $0xFFFFE000  }
0x5b: {  	[tilespmem:s24], [sflag:$0x4] =	stream.indirect.gather [hbm4b:s3+s18], $0x40, s17, s18, $0xb8;
	[tilespmem:$0x16400] =	vst v63  }
0x5c: {  	_ =	swait.ge [sflag:s9], $0x2000  }
0x5d: {  	[sflag:s9] =	ssyncset.done $0x0  }
0x5e: {  	s13 =	sadd.s32 $0x400, s14;
	[sflag:s9] =	ssyncadd.s32 $0xFFFFE000  }
0x5f: {  	[hbm4b:s13+s2] =	stream.linear.scatter [tilespmem:s21], [sflag:$0x10], $0x2000, $0x38;
	[tilespmem:$0x16400] =	vst v63  }
0x60: {  	_ =	swait.ge [sflag:s10], $0x2000  }
0x61: {  	[sflag:s10] =	ssyncset.done $0x0  }
0x62: {  	s17 =	simm.s32 $0x600;
	[sflag:s10] =	ssyncadd.s32 $0xFFFFE000  }
0x63: {  	[tilespmem:s25], [sflag:$0x5] =	stream.indirect.gather [hbm4b:s3+s18], $0x40, s17, s18, $0xb8;
	[tilespmem:$0x16400] =	vst v63  }
0x64: {  	_ =	swait.ge [sflag:s26], $0x2000  }
0x65: {  	[sflag:s26] =	ssyncset.done $0x0  }
0x66: {  	s13 =	sadd.s32 $0x1F800, s14;
	[sflag:s26] =	ssyncadd.s32 $0xFFFFE000  }
0x67: {  	[hbm4b:s13+s2] =	stream.linear.scatter [tilespmem:s19], [sflag:$0x9], $0x2000, $0x38;
	[tilespmem:$0x16400] =	vst v63  }
0x68: {  	_ =	swait.ge [sflag:s15], $0x2000  }
0x69: {  	[sflag:s15] =	ssyncset.done $0x0  }
0x6a: {  	s17 =	simm.s32 $0x680;
	[sflag:s15] =	ssyncadd.s32 $0xFFFFE000  }
0x6b: {  	[tilespmem:s29], [sflag:$0x6] =	stream.indirect.gather [hbm4b:s3+s18], $0x40, s17, s18, $0xb8;
	[tilespmem:$0x16400] =	vst v63  }
0x6c: {  	_ =	swait.ge [sflag:s30], $0x2000  }
0x6d: {  	[sflag:s30] =	ssyncset.done $0x0  }
0x6e: {  	s13 =	sadd.s32 $0x1FC00, s14;
	[sflag:s30] =	ssyncadd.s32 $0xFFFFE000  }
0x6f: {  	[hbm4b:s13+s2] =	stream.linear.scatter [tilespmem:s20], [sflag:$0xA], $0x2000, $0x38;
	[tilespmem:$0x16400] =	vst v63  }
0x70: {  	_ =	swait.ge [sflag:s11], $0x2000  }
0x71: {  	[sflag:s11] =	ssyncset.done $0x0  }
0x72: {  	s17 =	simm.s32 $0x700;
	[sflag:s11] =	ssyncadd.s32 $0xFFFFE000  }
0x73: {  	[tilespmem:s0], [sflag:$0x7] =	stream.indirect.gather [hbm4b:s3+s18], $0x40, s17, s18, $0xb8;
	[tilespmem:$0x16400] =	vst v63  }
0x74: {  	_ =	swait.ge [sflag:s1], $0x2000  }
0x75: {  	[sflag:s1] =	ssyncset.done $0x0  }
0x76: {  	s13 =	sadd.s32 $0x20000, s14;
	[sflag:s1] =	ssyncadd.s32 $0xFFFFE000  }
0x77: {  	[hbm4b:s13+s2] =	stream.linear.scatter [tilespmem:s22], [sflag:$0xB], $0x2000, $0x38;
	[tilespmem:$0x16400] =	vst v63  }
0x78: {  	_ =	swait.ge [sflag:s12], $0x2000  }
0x79: {  	[sflag:s12] =	ssyncset.done $0x0  }
0x7a: {  	s17 =	simm.s32 $0x780;
	[sflag:s12] =	ssyncadd.s32 $0xFFFFE000  }
0x7b: {  	[tilespmem:s21], [sflag:$0x8] =	stream.indirect.gather [hbm4b:s3+s18], $0x40, s17, s18, $0xb8;
	[tilespmem:$0x16400] =	vst v63  }
0x7c: {  	_ =	swait.ge [sflag:s23], $0x2000  }
0x7d: {  	s4 =	simm.s32 $0x1000;
	[sflag:s23] =	ssyncset.done $0x0  }
0x7e: {  	s13 =	sadd.s32 $0x20400, s14;
	s17 =	sadd.s32 $0x40000, s14;
	[sflag:s23] =	ssyncadd.s32 $0xFFFFE000  }
.LBB2_2:
0x7f: {  	[hbm4b:s13+s2] =	stream.linear.scatter [tilespmem:s24], [sflag:$0xC], $0x2000, $0x38;
	[tilespmem:$0x16400] =	vst v63  }
0x80: {  	s13 =	smov.u32 s4  }
0x81: {  	p0 =	sne.s32 s4, $0x17000;
	s4 =	sadd.s32 $0x1000, s4;
	_ =	swait.ge [sflag:s28], $0x2000  }
0x82: {  	s13 =	sshra.s32 s13, $0x2;
	[sflag:s28] =	ssyncset.done $0x0  }
0x83: {  	s14 =	sadd.s32 $0x400, s13;
	[sflag:s28] =	ssyncadd.s32 $0xFFFFE000  }
0x84: {  	[tilespmem:s19], [sflag:$0x1] =	stream.indirect.gather [hbm4b:s3+s18], $0x40, s14, s18, $0xb8;
	[tilespmem:$0x16400] =	vst v63  }
0x85: {  	_ =	swait.ge [sflag:s31], $0x2000  }
0x86: {  	[sflag:s31] =	ssyncset.done $0x0  }
0x87: {  	s14 =	sadd.s32 $0xFFFFF800, s17;
	[sflag:s31] =	ssyncadd.s32 $0xFFFFE000  }
0x88: {  	[hbm4b:s14+s2] =	stream.linear.scatter [tilespmem:s25], [sflag:$0xD], $0x2000, $0x38;
	[tilespmem:$0x16400] =	vst v63  }
0x89: {  	_ =	swait.ge [sflag:s16], $0x2000  }
0x8a: {  	[sflag:s16] =	ssyncset.done $0x0  }
0x8b: {  	s14 =	sadd.s32 $0x480, s13;
	[sflag:s16] =	ssyncadd.s32 $0xFFFFE000  }
0x8c: {  	[tilespmem:s20], [sflag:$0x2] =	stream.indirect.gather [hbm4b:s3+s18], $0x40, s14, s18, $0xb8;
	[tilespmem:$0x16400] =	vst v63  }
0x8d: {  	_ =	swait.ge [sflag:s5], $0x2000  }
0x8e: {  	[sflag:s5] =	ssyncset.done $0x0  }
0x8f: {  	s14 =	sadd.s32 $0xFFFFFC00, s17;
	[sflag:s5] =	ssyncadd.s32 $0xFFFFE000  }
0x90: {  	[hbm4b:s14+s2] =	stream.linear.scatter [tilespmem:s29], [sflag:$0xE], $0x2000, $0x38;
	[tilespmem:$0x16400] =	vst v63  }
0x91: {  	_ =	swait.ge [sflag:s6], $0x2000  }
0x92: {  	[sflag:s6] =	ssyncset.done $0x0  }
0x93: {  	s14 =	sadd.s32 $0x500, s13;
	[sflag:s6] =	ssyncadd.s32 $0xFFFFE000  }
0x94: {  	[tilespmem:s22], [sflag:$0x3] =	stream.indirect.gather [hbm4b:s3+s18], $0x40, s14, s18, $0xb8;
	[tilespmem:$0x16400] =	vst v63  }
0x95: {  	_ =	swait.ge [sflag:s7], $0x2000  }
0x96: {  	[sflag:s7] =	ssyncset.done $0x0  }
0x97: {  	[sflag:s7] =	ssyncadd.s32 $0xFFFFE000  }
0x98: {  	[hbm4b:s17+s2] =	stream.linear.scatter [tilespmem:s0], [sflag:$0xF], $0x2000, $0x38;
	[tilespmem:$0x16400] =	vst v63  }
0x99: {  	_ =	swait.ge [sflag:s8], $0x2000  }
0x9a: {  	[sflag:s8] =	ssyncset.done $0x0  }
0x9b: {  	s14 =	sadd.s32 $0x580, s13;
	[sflag:s8] =	ssyncadd.s32 $0xFFFFE000  }
0x9c: {  	[tilespmem:s24], [sflag:$0x4] =	stream.indirect.gather [hbm4b:s3+s18], $0x40, s14, s18, $0xb8;
	[tilespmem:$0x16400] =	vst v63  }
0x9d: {  	_ =	swait.ge [sflag:s9], $0x2000  }
0x9e: {  	[sflag:s9] =	ssyncset.done $0x0  }
0x9f: {  	s14 =	sadd.s32 $0x400, s17;
	[sflag:s9] =	ssyncadd.s32 $0xFFFFE000  }
0xa0: {  	[hbm4b:s14+s2] =	stream.linear.scatter [tilespmem:s21], [sflag:$0x10], $0x2000, $0x38;
	[tilespmem:$0x16400] =	vst v63  }
0xa1: {  	_ =	swait.ge [sflag:s10], $0x2000  }
0xa2: {  	[sflag:s10] =	ssyncset.done $0x0  }
0xa3: {  	s14 =	sadd.s32 $0x600, s13;
	[sflag:s10] =	ssyncadd.s32 $0xFFFFE000  }
0xa4: {  	[tilespmem:s25], [sflag:$0x5] =	stream.indirect.gather [hbm4b:s3+s18], $0x40, s14, s18, $0xb8;
	[tilespmem:$0x16400] =	vst v63  }
0xa5: {  	_ =	swait.ge [sflag:s26], $0x2000  }
0xa6: {  	[sflag:s26] =	ssyncset.done $0x0  }
0xa7: {  	s14 =	sadd.s32 $0x1F800, s17;
	[sflag:s26] =	ssyncadd.s32 $0xFFFFE000  }
0xa8: {  	[hbm4b:s14+s2] =	stream.linear.scatter [tilespmem:s19], [sflag:$0x9], $0x2000, $0x38;
	[tilespmem:$0x16400] =	vst v63  }
0xa9: {  	_ =	swait.ge [sflag:s15], $0x2000  }
0xaa: {  	[sflag:s15] =	ssyncset.done $0x0  }
0xab: {  	s14 =	sadd.s32 $0x680, s13;
	[sflag:s15] =	ssyncadd.s32 $0xFFFFE000  }
0xac: {  	[tilespmem:s29], [sflag:$0x6] =	stream.indirect.gather [hbm4b:s3+s18], $0x40, s14, s18, $0xb8;
	[tilespmem:$0x16400] =	vst v63  }
0xad: {  	_ =	swait.ge [sflag:s30], $0x2000  }
0xae: {  	[sflag:s30] =	ssyncset.done $0x0  }
0xaf: {  	s14 =	sadd.s32 $0x1FC00, s17;
	[sflag:s30] =	ssyncadd.s32 $0xFFFFE000  }
0xb0: {  	[hbm4b:s14+s2] =	stream.linear.scatter [tilespmem:s20], [sflag:$0xA], $0x2000, $0x38;
	[tilespmem:$0x16400] =	vst v63  }
0xb1: {  	_ =	swait.ge [sflag:s11], $0x2000  }
0xb2: {  	[sflag:s11] =	ssyncset.done $0x0  }
0xb3: {  	s14 =	sadd.s32 $0x700, s13;
	[sflag:s11] =	ssyncadd.s32 $0xFFFFE000  }
0xb4: {  	[tilespmem:s0], [sflag:$0x7] =	stream.indirect.gather [hbm4b:s3+s18], $0x40, s14, s18, $0xb8;
	[tilespmem:$0x16400] =	vst v63  }
0xb5: {  	_ =	swait.ge [sflag:s1], $0x2000  }
0xb6: {  	[sflag:s1] =	ssyncset.done $0x0  }
0xb7: {  	s14 =	sadd.s32 $0x20000, s17;
	[sflag:s1] =	ssyncadd.s32 $0xFFFFE000  }
0xb8: {  	[hbm4b:s14+s2] =	stream.linear.scatter [tilespmem:s22], [sflag:$0xB], $0x2000, $0x38;
	[tilespmem:$0x16400] =	vst v63  }
0xb9: {  	_ =	swait.ge [sflag:s12], $0x2000  }
0xba: {  	[sflag:s12] =	ssyncset.done $0x0  }
.Ltmp0:
0xbb: {  	s13 =	sadd.s32 $0x780, s13;
	[sflag:s12] =	ssyncadd.s32 $0xFFFFE000;
	(pc) =	sbr.rel @p0 .LBB2_2-.Ltmp0, $4  }
0xbc: {  	[tilespmem:s21], [sflag:$0x8] =	stream.indirect.gather [hbm4b:s3+s18], $0x40, s13, s18, $0xb8;
	[tilespmem:$0x16400] =	vst v63  }
0xbd: {  	_ =	swait.ge [sflag:s23], $0x2000  }
0xbe: {  	[sflag:s23] =	ssyncset.done $0x0  }
0xbf: {  	s13 =	sadd.s32 $0x20400, s17;
	s17 =	sadd.s32 $0x40000, s17;
	[sflag:s23] =	ssyncadd.s32 $0xFFFFE000  }
0xc0: {  	[hbm4b:s13+s2] =	stream.linear.scatter [tilespmem:s24], [sflag:$0xC], $0x2000, $0x38;
	[tilespmem:$0x16400] =	vst v63  }
0xc1: {  	_ =	swait.ge [sflag:s31], $0x2000  }
0xc2: {  	[sflag:s31] =	ssyncset.done $0x0  }
0xc3: {  	s4 =	rddreg [dreg:$0x8];
	[sflag:s31] =	ssyncadd.s32 $0xFFFFE000  }
0xc4: {  	[hbm4b:s4+s2] =	stream.linear.scatter [tilespmem:s25], [sflag:$0xD], $0x2000, $0x38;
	[tilespmem:$0x16400] =	vst v63  }
0xc5: {  	_ =	swait.ge [sflag:s5], $0x2000  }
0xc6: {  	[sflag:s5] =	ssyncset.done $0x0  }
0xc7: {  	s14 =	rddreg [dreg:$0x9];
	[sflag:s5] =	ssyncadd.s32 $0xFFFFE000  }
0xc8: {  	[hbm4b:s14+s2] =	stream.linear.scatter [tilespmem:s29], [sflag:$0xE], $0x2000, $0x38;
	[tilespmem:$0x16400] =	vst v63  }
0xc9: {  	_ =	swait.ge [sflag:s7], $0x2000  }
0xca: {  	[sflag:s7] =	ssyncset.done $0x0  }
0xcb: {  	s17 =	rddreg [dreg:$0xa];
	[sflag:s7] =	ssyncadd.s32 $0xFFFFE000  }
0xcc: {  	[hbm4b:s17+s2] =	stream.linear.scatter [tilespmem:s0], [sflag:$0xF], $0x2000, $0x38;
	[tilespmem:$0x16400] =	vst v63  }
0xcd: {  	_ =	swait.ge [sflag:s9], $0x2000  }
0xce: {  	[sflag:s9] =	ssyncset.done $0x0  }
0xcf: {  	s13 =	rddreg [dreg:$0xb];
	[sflag:s9] =	ssyncadd.s32 $0xFFFFE000  }
0xd0: {  	[hbm4b:s13+s2] =	stream.linear.scatter [tilespmem:s21], [sflag:$0x10], $0x2000, $0x38;
	[tilespmem:$0x16400] =	vst v63  }
0xd1: {  	_ =	swait.ge [sflag:s28], $0x2000  }
0xd2: {  	[sflag:s28] =	ssyncset.done $0x0  }
0xd3: {  	[sflag:s28] =	ssyncadd.s32 $0xFFFFE000  }
0xd4: {  	_ =	swait.ge [sflag:s16], $0x2000  }
0xd5: {  	[sflag:s16] =	ssyncset.done $0x0  }
0xd6: {  	[sflag:s16] =	ssyncadd.s32 $0xFFFFE000  }
0xd7: {  	_ =	swait.ge [sflag:s6], $0x2000  }
0xd8: {  	[sflag:s6] =	ssyncset.done $0x0  }
0xd9: {  	[sflag:s6] =	ssyncadd.s32 $0xFFFFE000  }
0xda: {  	_ =	swait.ge [sflag:s8], $0x2000  }
0xdb: {  	[sflag:s8] =	ssyncset.done $0x0  }
0xdc: {  	[sflag:s8] =	ssyncadd.s32 $0xFFFFE000  }
0xdd: {  	_ =	swait.ge [sflag:s10], $0x2000  }
0xde: {  	[sflag:s10] =	ssyncset.done $0x0  }
0xdf: {  	[sflag:s10] =	ssyncadd.s32 $0xFFFFE000  }
0xe0: {  	_ =	swait.ge [sflag:s15], $0x2000  }
0xe1: {  	[sflag:s15] =	ssyncset.done $0x0  }
0xe2: {  	[sflag:s15] =	ssyncadd.s32 $0xFFFFE000  }
0xe3: {  	_ =	swait.ge [sflag:s11], $0x2000  }
0xe4: {  	[sflag:s11] =	ssyncset.done $0x0  }
0xe5: {  	[sflag:s11] =	ssyncadd.s32 $0xFFFFE000  }
0xe6: {  	_ =	swait.ge [sflag:s12], $0x2000  }
0xe7: {  	s14 =	rddreg [dreg:$0xe]  }
0xe8: {  	s17 =	rddreg [dreg:$0xc];
	s13 =	sadd.s32 $0x1, s14  }
0xe9: {  	p0 =	sne.s32 s13, s17  }
.Ltmp1:
0xea: {  	_ = 	snop;
	(pc) =	sbr.rel @p0 .LBB2_1-.Ltmp1, $3  }
0xeb: {  	_ =	sdelay $0x1  }
0xec: {  	[sflag:s12] =	ssyncset.done $0x0  }
0xed: {  	[sflag:s12] =	ssyncadd.s32 $0xFFFFE000  }
0xee: {  	_ =	sfence.sel $0x180000  }
0xef: {  	[bflag:$0x0] =	sbarrier.arrive $0xFFFF  }
0xf0: {  	_ =	strace $0x90000047  }
0xf1: {  	s0 =	stileid.u32;
	[bflag:$0x2] =	sbarrier.arrive $0xFFFF  }
0xf2: {  	p0 =	sne.s32 s0, $0x0;
	s0 =	rddreg [dreg:$0x2]  }
0xf3: {  	s0 =	sadd.s32 @!p0 $0x100000, s0  }
0xf4: {  	[sflag:s0] =	ssyncadd.tile.s32 @!p0 $0x1;
	_ =	shalt  }
.Lfunc_end2:
_tile_overlayer_lowered:
.L_overlay_start_2:
0xf5: {  	(tag) =	ssettag $0x2  }
0xf6: {  	s0 =	rddreg [dreg:$0x0];
	s2 =	stileid.u32  }
0xf7: {  	s1 =	rddreg [dreg:$0x1];
	p0 =	sne.s32 s2, $0x0  }
0xf8: {  	s3 =	rddreg [dreg:$0x2];
	[bflag:$0x3] =	sbarrier.arrive $0xFFFF;
	s2 =	simm.s32 @!p0 $0x1C11  }
0xf9: {  	[timem:s3], [sflag:s2] =	dma.local @!p0 [hbm:s0], s1  }
0xfa: {  	s0 =	simm.s32 @!p0 $0x11  }
0xfb: {  	_ =	swait.ge @!p0 [sflag:s0], s1  }
0xfc: {  	s1 =	ssub.s32 @!p0 $0x0, s1;
	[sflag:s0] =	ssyncset.done @!p0 $0x0  }
0xfd: {  	[sflag:s0] =	ssyncadd.s32 @!p0 s1  }
0xfe: {  	[bflag:$0x3] =	sbarrier.arrive $0xFFFF  }
0xff: {  	_ =	shalt  }

// kernel: sparse-core-data-format-call.cloned.1.call-start
scs
called_computation_lowered:
.L_overlay_start_0:
0x0: {  	s2 =	sld [smem:$0x3FD9]  }
0x1: {  	s3 =	sld [smem:$0x3FFE];
	_ =	sdelay $0x1  }
0x2: {  	s1 =	srdreg.scid  }
0x3: {  	s0 =	sand.u32 $0x1, s1  }
0x4: {  	s18 =	sshll.u32 s0, $0xA;
	s2 =	sadd.s32 s3, s2  }
0x5: {  	s2 =	sadd.s32 s2, s18  }
0x6: {  	[smem:$0x3FC6] =	sst s2  }
0x7: {  	_ = 	snop  }
0x8: {  	s2 =	sld [smem:$0x3FD0];
	(tm) =	ssettm $0x1  }
0x9: {  	s19 =	sld [smem:$0x3FFB];
	_ =	sdelay $0x3  }
0xa: {  	_ =	strace s19  }
0xb: {  	s3 =	sld [smem:$0x3FFC];
	_ =	sdelay $0x3  }
0xc: {  	_ =	strace s3  }
0xd: {  	s3 =	sld [smem:$0x3FFD];
	_ =	sdelay $0x3  }
0xe: {  	_ =	strace s3  }
0xf: {  	_ =	strace $0x8FFFFFFF  }
0x10: {  	s20 =	sld [smem:$0x3FDB];
	_ =	sdelay $0x1  }
0x11: {  	s4 =	simm.s32 $_scs_section_size  }
0x12: {  	s5 =	simm.s32 $_size__tile_overlayer_lowered;
	s6 =	simm.s32 $_tile_overlayer_lowered  }
0x13: {  	s23 =	simm.s32 $0x1BFF;
	s22 =	sshll.u32 s6, $0x1;
	s3 =	sadd.s32 s4, s20  }
0x14: {  	s7 =	simm.s32 $0x0;
	s21 =	sshll.u32 s5, $0x1;
	s5 =	sadd.s32 s22, s3  }
0x15: {  	[timem:s7], [sflag:s23] =	dma.local [hbm:s5], s21  }
0x16: {  	_ =	swait.ge [sflag:s23], s21  }
0x17: {  	s4 =	ssub.s32 $0x0, s21;
	[sflag:s23] =	ssyncset.done $0x0  }
0x18: {  	[sflag:s23] =	ssyncadd.s32 s4;
	_ =	sdelay $0x1  }
0x19: {  	s24 =	simm.s32 $0x1B8B  }
0x1a: {  	_ =	swait.ge [sflag:s24], $0x1  }
0x1b: {  	[sflag:s24] =	ssyncset.done $0x0  }
0x1c: {  	s26 =	simm.s32 $0x1B8E;
	s25 =	sld [smem:$0x3FFE];
	[sflag:s24] =	ssyncadd.s32 $0xFFFFFFFF  }
0x1d: {  	s27 =	simm.s32 $execute0_lowered;
	[smem:$0x3FD2] =	sst s26  }
0x1e: {  	s5 =	sshll.u32 s27, $0x1;
	_ =	strace $0x80000049;
	[dreg:$0x1] =	wrdreg $0xFFFFFFFF  }
0x1f: {  	s28 =	simm.s32 $_size_execute0_lowered;
	s3 =	sadd.s32 s3, s5;
	[dreg:$0x0] =	wrdreg $0x0  }
0x20: {  	s5 =	sshll.u32 s28, $0x1;
	[dreg:$0x2] =	wrdreg s3  }
0x21: {  	[dreg:$0x3] =	wrdreg s5  }
0x22: {  	[dreg:$0x4] =	wrdreg $0xC0  }
0x23: {  	_ =	task [dreg:s7], $0x5FFFF  }
0x24: {  	[dreg:$0x1] =	wrdreg $0xFFFFFFFF  }
0x25: {  	[dreg:$0x0] =	wrdreg $0x60  }
0x26: {  	[dreg:$0x2] =	wrdreg s25  }
0x27: {  	[dreg:$0x3] =	wrdreg s2  }
0x28: {  	[dreg:$0x4] =	wrdreg $0x9  }
0x29: {  	_ =	task.clear_ibuf [dreg:s7], $0x5FFFF;
	_ =	strace $0x90000049  }
0x2a: {  	s29 =	simm.s32 $0x9;
	_ =	strace $0x8000004B  }
0x2b: {  	_ =	swait.ge [sflag:s29], $0x1  }
0x2c: {  	[sflag:s29] =	ssyncadd.s32 $0xFFFFFFFF  }
0x2d: {  	_ =	strace $0x9000004B  }
0x2e: {  	_ =	sfence  }
0x2f: {  	s30 =	sld [smem:$0x0];
	_ =	sdelay $0x2  }
0x30: {  	s31 =	sshll.u32 s1, $0xD;
	s1 =	sshrl.u32 s1, $0x2  }
0x31: {  	s3 =	sand.u32 $0x4000, s31;
	s1 =	sadd.s32 s1, s30  }
0x32: {  	s0 =	sor.u32 s3, s0;
	s1 =	sshll.u32 s1, $0x11  }
0x33: {  	s0 =	sor.u32 s1, s0  }
0x34: {  	s0 =	sadd.s32 $0x8F2B, s0  }
0x35: {  	[sflag:s0] =	ssyncadd.remote.s32 $0x1  }
0x36: {  	_ =	sfence.sel $0xFFFF  }
0x37: {  	[dreg:$0x0] =	wrdreg $0xFFFFFFFF;
	(pc) =	sbr.abs _section_cstart, $3  }
0x38: {  	[dreg:$0x1] =	wrdreg $0xFFFFFFFF  }
0x39: {  	_ =	task.clear_ibuf [dreg:s7], $0x2FFFF;
	_ =	strace $0x9FFFFFFF  }
0x3a: {  	(tm) =	ssettm $0x7FFFFFFF  }
0x3b: {  	_ =	shalt  }
tec
execute0_lowered:
.L_overlay_start_1:
0x0: {  	(tag) =	ssettag $0x1  }
0x1: {  	s0 =	srdreg.scid  }
0x2: {  	s1 =	sshll.u32 s0, $0x4  }
0x3: {  	s0 =	stileid.u32;
	s1 =	sand.u32 $0x10, s1  }
0x4: {  	s7 =	rddreg [dreg:$0x0];
	s1 =	sor.u32 s0, s1  }
0x5: {  	s4 =	simm.s32 $0x1;
	s8 =	simm.s32 $0x2;
	s2 =	sshll.u32 s1, $0x7  }
0x6: {  	s13 =	simm.s32 $0x0;
	s9 =	simm.s32 $0x20000;
	s1 =	ssub.s32 $0x4000, s2  }
0x7: {  	s14 =	simm.s32 $0x0;
	s11 =	simm.s32 $0x0;
	s3 =	sand.u32 $0xF80, s1  }
0x8: {  	s12 =	simm.s32 $0x0;
	s5 =	sshrl.u32 s1, $0xC;
	p0 =	sne.s32 s3, $0x0  }
.Ltmp0:
0x9: {  	s1 =	rddreg [dreg:$0x2];
	s4 =	simm.s32 @!p0 $0x0;
	(pc) =	sbr.rel .LBB1_1-.Ltmp0, $4  }
0xa: {  	s6 =	sadd.s32 $0xA00, s7;
	s3 =	rddreg [dreg:$0x1];
	s5 =	sadd.s32 s4, s5  }
0xb: {  	_ =	strace $0x8000004A;
	s4 =	simm.s32 $0x1;
	s5 =	smul.u32 $0x19, s5  }
0xc: {  	s7 =	sadd.s32 $0x40A00, s7;
	s10 =	smov.u32 s2;
	[sflag:s4] =	ssyncpa.u1 $0x0  }
0xd: {  	p0 =	por $0x0, $0x0;
	[sflag:s8] =	ssyncpa.u1 $0x0;
	s8 =	sadd.s32 $0x1, s5  }
.LBB1_7:
0xe: {  	s15 =	sadd.s32 $0x1000, s10  }
0xf: {  	s13 =	sadd.s32 $0x2, s11;
	s17 =	smov.u32 s11;
	p2 =	sgt.s32 s15, $0x3FFF  }
0x10: {  	s17 =	smov.u32 @p2 s13  }
0x11: {  	s15 =	smov.u32 @p2 s2;
	p2 =	sgt.s32 s17, $0x31  }
0x12: {  	s17 =	simm.s32 @p2 $0x0;
	p2 =	sne.s32 s12, s8  }
.Ltmp1:
0x13: {  	p1 =	slt.u32 s12, $0x2;
	(pc) =	sbr.rel @!p2 .LBB1_8-.Ltmp1, $4  }
0x14: {  	s16 =	simm.s32 @!p1 $0x2  }
0x15: {  	s14 =	smov.u32 s11;
	p0 =	por !p0, !p0;
	_ =	swait.ge @!p1 [sflag:s16], $0x4000  }
0x16: {  	s13 =	smov.u32 s10;
	[sflag:s16] =	ssyncset.done @!p1 $0x0;
	s10 =	smov.u32 s15  }
0x17: {  	s12 =	sadd.s32 $0x1, s12;
	[sflag:s16] =	ssyncadd.s32 @!p1 $0xFFFFC000;
	s11 =	smov.u32 s17  }
.LBB1_1:
0x18: {  	p1 =	sge.u32 s12, s5  }
0x19: {  	s15 =	sxor.u32 @!p1 $0xFFFFFFFF, s12;
	s16 =	sshll.u32 @!p1 s11, $0x12  }
0x1a: {  	s17 =	sshll.u32 @!p1 s10, $0x4;
	s19 =	simm.s32 @!p1 $0x40;
	s20 =	simm.s32 @!p1 $0x80  }
0x1b: {  	s15 =	sshll.u32 @!p1 s15, $0xE;
	s17 =	sand.u32 @!p1 $0x3FFF0, s17;
	s18 =	sadd.s32 @!p1 s6, s16  }
0x1c: {  	s16 =	sadd.s32 @!p1 s16, s7;
	s15 =	sand.u32 @!p1 $0x4000, s15;
	s18 =	sadd.s32 @!p1 s17, s18  }
0x1d: {  	[tilespmem:s15], [sflag:$0x1] =	stream.strided.gather @!p1 [hbm4b:s18+s19], $0x2000, s20, s19, $0x38;
	[tilespmem:$0x10100] =	vst v63  }
0x1e: {  	s31 =	sadd.s32 $0xFFFFFFFF, s12;
	s16 =	sadd.s32 @!p1 s17, s16;
	s15 =	sor.u32 @!p1 $0x2000, s15  }
0x1f: {  	[tilespmem:s15], [sflag:$0x1] =	stream.strided.gather @!p1 [hbm4b:s16+s19], $0x2000, s20, s19, $0x38;
	[tilespmem:$0x10100] =	vst v63  }
0x20: {  	p1 =	sge.u32 s31, s5  }
.Ltmp2:
0x21: {  	_ = 	snop;
	(pc) =	sbr.rel @p1 .LBB1_7-.Ltmp2, $1  }
0x22: {  	_ =	sdelay $0x3  }
0x23: {  	s15 =	simm.s32 $0x1;
	s17 =	sand.u32 $0x1, s12  }
0x24: {  	_ =	swait.ge [sflag:s4], $0x4000;
	s15 =	simm.s32 @!p0 $0x0;
	s17 =	smul.u32 $0x10200, s17  }
0x25: {  	p2 =	por $0x1, $0x1;
	[sflag:s4] =	ssyncset.done $0x0;
	s16 =	smul.u32 $0x10200, s15  }
0x26: {  	s18 =	sshll.u32 s15, $0x10;
	[sflag:s4] =	ssyncadd.s32 $0xFFFFC000;
	s30 =	sshrl.u32 s17, $0x2  }
0x27: {  	s31 =	sshrl.u32 s18, $0x2;
	s18 =	simm.s32 $0x0;
	s16 =	sshrl.u32 s16, $0x2  }
0x28: {  	s15 =	sor.u32 $0x8000, s30;
	s17 =	sadd.s32 $0x20, s31;
	s16 =	sor.u32 $0x8000, s16  }
.LBB1_3:
0x29: {  	s19 =	sshll.u32 s18, $0xD  }
0x2a: {  	s19 =	sand.u32 $0x3FFFE000, s19  }
0x2b: {  	s21 =	sadd.s32 s19, s17  }
0x2c: {  	s31 =	smul.u32 $0x8100, s18;
	v3 =	vld [tilespmem:s21+$0x10]  }
0x2d: {  	v1 =	vld [tilespmem:s21+$0xFFFFFFF0]  }
0x2e: {  	s18 =	sshra.s32 s31, $0x2;
	v0 =	vld [tilespmem:s21+$0x0]  }
0x2f: {  	s18 =	sadd.s32 s18, s16;
	v2 =	vld [tilespmem:s21+$0xFFFFFFE0]  }
0x30: {  	s19 =	sadd.s32 $0x0, s18  }
0x31: {  	p1 =	por p2, p2;
	s20 =	simm.s32 $0x4;
	s21 =	sadd.s32 $0x40, s21;
	[tilespmem:s19+$0x1830 ss:$0x81] =	vst.msk $0xffff, v3  }
.LBB1_4:
0x32: {  	v3 =	vld [tilespmem:s21+$0x10];
	p2 =	sne.s32 s20, $0x1FC;
	[tilespmem:s19+$0x810 ss:$0x81] =	vst.msk $0xffff, v1;
	s22 =	smov.u32 s20;
	s20 =	sadd.s32 $0x4, s20  }
.Ltmp3:
0x33: {  	v1 =	vld [tilespmem:s21+$0xFFFFFFF0];
	[tilespmem:s19+$0x1020 ss:$0x81] =	vst.msk $0xffff, v0;
	(pc) =	sbr.rel @p2 .LBB1_4-.Ltmp3, $4  }
0x34: {  	v0 =	vld [tilespmem:s21+$0x0];
	[tilespmem:s19+$0x0 ss:$0x81] =	vst.msk $0xffff, v2  }
0x35: {  	s19 =	sshra.s32 s22, $0x2;
	v2 =	vld [tilespmem:s21+$0xFFFFFFE0]  }
0x36: {  	s19 =	sadd.s32 s19, s18  }
0x37: {  	s21 =	sadd.s32 $0x40, s21;
	[tilespmem:s19+$0x1830 ss:$0x81] =	vst.msk $0xffff, v3  }
.Ltmp4:
0x38: {  	(pc) =	sbr.rel @p1 .LBB1_3-.Ltmp4, $4  }
0x39: {  	_ = 	snop  }
0x3a: {  	[tilespmem:s19+$0x810 ss:$0x81] =	vst.msk $0xffff, v1  }
0x3b: {  	[tilespmem:s19+$0x1020 ss:$0x81] =	vst.msk $0xffff, v0  }
0x3c: {  	s18 =	simm.s32 $0x1;
	p2 =	por $0x0, $0x0;
	[tilespmem:s19+$0x0 ss:$0x81] =	vst.msk $0xffff, v2  }
0x3d: {  	s16 =	sshll.u32 s13, $0x3;
	s17 =	sand.u32 $0x78, s13;
	s14 =	sshll.u32 s14, $0x11  }
.Ltmp5:
0x3e: {  	s30 =	sand.u32 $0x1F800, s13;
	s16 =	sand.u32 $0x3C00, s16;
	(pc) =	sbr.rel .LBB1_7-.Ltmp5, $4  }
0x3f: {  	s31 =	sand.u32 $0x7, s13;
	s14 =	sadd.s32 s3, s14;
	s16 =	sor.u32 s17, s16  }
0x40: {  	s13 =	sshll.u32 s31, $0x12;
	s14 =	sadd.s32 s30, s14;
	s16 =	sshrl.u32 s16, $0x3  }
0x41: {  	s13 =	sor.u32 $0x400, s13;
	s14 =	sadd.s32 s16, s14  }
0x42: {  	[hbm4b:s14+s13] =	stream.strided.scatter [tilespmem:s15], [sflag:$0x2], $0x4000, s9, s13, $0x20;
	[tilespmem:$0x10100] =	vst v63  }
.LBB1_8:
0x43: {  	_ =	sfence.sel $0x180000  }
0x44: {  	s2 =	simm.s32 $0x1;
	[bflag:$0x0] =	sbarrier.arrive $0xFFFF  }
0x45: {  	s31 =	simm.s32 $0x2;
	[sflag:s2] =	ssyncpa.u1 $0x1  }
0x46: {  	[sflag:s31] =	ssyncpa.u1 $0x1  }
0x47: {  	p0 =	sne.s32 s0, $0x0;
	_ =	strace $0x9000004A  }
0x48: {  	s0 =	sadd.s32 @!p0 $0x100000, s1;
	[bflag:$0x2] =	sbarrier.arrive $0xFFFF  }
0x49: {  	[sflag:s0] =	ssyncadd.tile.s32 @!p0 $0x1;
	_ =	shalt  }
.Lfunc_end1:
_tile_overlayer_lowered:
.L_overlay_start_2:
0x4a: {  	(tag) =	ssettag $0x2  }
0x4b: {  	s0 =	rddreg [dreg:$0x0];
	s2 =	stileid.u32  }
0x4c: {  	s1 =	rddreg [dreg:$0x1];
	p0 =	sne.s32 s2, $0x0  }
0x4d: {  	s3 =	rddreg [dreg:$0x2];
	[bflag:$0x3] =	sbarrier.arrive $0xFFFF;
	s2 =	simm.s32 @!p0 $0x1C01  }
0x4e: {  	[timem:s3], [sflag:s2] =	dma.local @!p0 [hbm:s0], s1  }
0x4f: {  	s0 =	simm.s32 @!p0 $0x1  }
0x50: {  	_ =	swait.ge @!p0 [sflag:s0], s1  }
0x51: {  	s1 =	ssub.s32 @!p0 $0x0, s1;
	[sflag:s0] =	ssyncset.done @!p0 $0x0  }
0x52: {  	[sflag:s0] =	ssyncadd.s32 @!p0 s1  }
0x53: {  	[bflag:$0x3] =	sbarrier.arrive $0xFFFF  }
0x54: {  	_ =	shalt  }

</sc_bundles>
